<compile_context>
chip_gen: v7x
topology: tpu7x:2x2x1
jax: 0.10.2.dev20260603
libtpu: 0.0.44.dev20260713+nightly
codegen_flags: <defaults>
</compile_context>

<pallas_src>
import functools

import jax
import jax.numpy as jnp
from jax import lax
from jax.experimental import pallas as pl
from jax.experimental.pallas import tpu as pltpu
from jax.experimental.pallas import tpu_sc as plsc

B, N, C, M = 8, 50000, 128, 25000
NC, NS = 2, 16
W = NC * NS
WPB = W // B
K = 128
STRIDE = 6272
NCHUNK = 49
TAIL_Q3 = M - (WPB - 1) * STRIDE - (NCHUNK - 1) * K
NBUF = 7
NBLK = NCHUNK // NBUF
WIN = NCHUNK * K


def _gather_body(x_hbm, idx_hbm, out_hbm, idx_v, bufs, gsems, wsems):
    wid = lax.axis_index("s") * NC + lax.axis_index("c")
    b = wid // WPB
    q = wid % WPB
    mbase = q * STRIDE

    start = b * M + q * STRIDE
    off = jnp.where(wid == W - 1, start - (B * M - WIN), 0)
    pltpu.sync_copy(idx_hbm.at[pl.ds(start - off, WIN)], idx_v)

    def start_gather(ci, j):
        pltpu.async_copy(
            x_hbm.at[b].at[idx_v.at[pl.ds(off + ci * K, K)]],
            bufs.at[j],
            gsems.at[j],
        )

    def start_write(ci, j):
        pltpu.async_copy(
            bufs.at[j], out_hbm.at[b].at[pl.ds(mbase + ci * K, K)], wsems.at[j]
        )

    def drain(sems, j, rows=K):
        pltpu.make_async_copy(
            x_hbm.at[b].at[pl.ds(0, rows)], bufs.at[j, pl.ds(0, rows)], sems.at[j]
        ).wait()

    for j in range(NBUF):
        start_gather(j, j)

    def body(i, carry):
        for j in range(NBUF):
            drain(gsems, j)
            start_write(NBUF * i + j, j)
        for j in range(NBUF):
            drain(wsems, j)
            start_gather(NBUF * i + j + NBUF, j)
        return carry

    lax.fori_loop(0, NBLK - 2, body, 0)

    base = (NBLK - 2) * NBUF
    for j in range(NBUF):
        drain(gsems, j)
        start_write(base + j, j)
    for j in range(NBUF - 1):
        drain(wsems, j)
        start_gather(base + NBUF + j, j)
    drain(wsems, NBUF - 1)
    pltpu.async_copy(
        x_hbm.at[b].at[idx_v.at[pl.ds(WIN - K, K)]],
        bufs.at[NBUF - 1],
        gsems.at[NBUF - 1],
    )

    base = (NBLK - 1) * NBUF
    for j in range(NBUF - 1):
        drain(gsems, j)
        start_write(base + j, j)

    drain(gsems, NBUF - 1)

    @pl.when(q < WPB - 1)
    def _():
        pltpu.sync_copy(
            bufs.at[NBUF - 1],
            out_hbm.at[b].at[pl.ds(mbase + (NCHUNK - 1) * K, K)],
        )

    @pl.when(q == WPB - 1)
    def _():
        pltpu.sync_copy(
            bufs.at[NBUF - 1, pl.ds(off, TAIL_Q3)],
            out_hbm.at[b].at[pl.ds(mbase + (NCHUNK - 1) * K, TAIL_Q3)],
        )

    for j in range(NBUF - 1):
        drain(wsems, j)


@functools.partial(jax.jit, static_argnames=("interpret",))
def kernel(x, pool_idx, interpret=False):
    mesh = plsc.VectorSubcoreMesh(
        core_axis_name="c", subcore_axis_name="s", num_cores=NC, num_subcores=NS
    )
    run = pl.kernel(
        _gather_body,
        out_type=jax.ShapeDtypeStruct((B, M, C), jnp.float32),
        mesh=mesh,
        scratch_types=[
            pltpu.VMEM((WIN,), jnp.int32),
            pltpu.VMEM((NBUF, K, C), jnp.float32),
            pltpu.SemaphoreType.DMA((NBUF,)),
            pltpu.SemaphoreType.DMA((NBUF,)),
        ],
        interpret=interpret,
    )
    return run(x, pool_idx.reshape(B * M))

# --- scband reference (transcript-rebuilt; emitter-appended) ---
"""Pipeline reference for scband-pooling-62689342653148 (READ-ONLY COPY).

The authoritative reference and input builder live on the scoring server;
editing this copy changes nothing except your own understanding.
"""

import jax, jax.numpy as jnp
import numpy as np


def setup_inputs(seed: int = 0) -> dict:
    key = jax.random.key(seed)
    k1, k2 = jax.random.split(key)
    B, N, C, M = 8, 50000, 128, 25000
    x = jax.random.normal(k1, (B, N, C), dtype=jnp.float32)
    pool_idx = jax.random.randint(k2, (B, M), 0, N, dtype=jnp.int32)
    return {"x": x, "pool_idx": pool_idx}


def reference(x, pool_idx):
    # Mesh downsampling (async / 3-D branch of the Keras Pooling layer):
    # select the kept vertices of the decimated mesh via per-batch index gather.
    # out[b, m, c] = x[b, pool_idx[b, m], c]
    # Output shape (B, M, C) matches compute_output_shape:
    # (input_shape[0][0], input_shape[1][1], input_shape[0][2]).
    out = jnp.take_along_axis(x, pool_idx[:, :, None], axis=1)
    return out

if __name__ == "__main__":
    import jax
    _d = setup_inputs()
    print(jax.jit(kernel)(*tuple(_d.values())))

</pallas_src>

<mosaic_0001>
#map = affine_map<(d0, d1) -> (0, 0, 0)>
#map1 = affine_map<(d0, d1) -> (0)>
module attributes {stable_mosaic.version = 14 : i64} {
  func.func @_gather_body(%arg0: i32, %arg1: i32, %arg2: memref<8x50000x128xf32, #tpu.memory_space<hbm>>, %arg3: memref<200000xi32, #tpu.memory_space<hbm>>, %arg4: memref<8x25000x128xf32, #tpu.memory_space<hbm>>, %arg5: memref<6272xi32, #tpu.memory_space<vmem>>, %arg6: memref<7x128x128xf32, #tpu.memory_space<vmem>>, %arg7: memref<7x!tpu.dma_semaphore, #tpu.memory_space<semaphore_mem>>, %arg8: memref<7x!tpu.dma_semaphore, #tpu.memory_space<semaphore_mem>>) attributes {dimension_semantics = [#tpu.dimension_semantics<core_parallel>, #tpu.dimension_semantics<subcore_parallel>], iteration_bounds = array<i64: 2, 16>, scalar_prefetch = 0 : i64, scratch_operands = 4 : i64, tpu.core_type = #tpu.core_type<sc_vector_subcore>, window_params = [{transform_indices = #map}, {transform_indices = #map1}, {transform_indices = #map}]} {
    %mul3A = arith.constant 2 : i32
    %mul3A_0 = arith.muli %arg1, %mul3A : i32
    %add3A = arith.addi %mul3A_0, %arg0 : i32
    %jit3A = arith.constant 4 : i32
    %div3A = arith.divsi %add3A, %jit3A : i32
    %sign3A = arith.constant 0 : i32
    %sign3A_1 = arith.cmpi sgt, %add3A, %sign3A : i32
    %sign3A_2 = arith.extui %sign3A_1 : i1 to i32
    %sign3A_3 = arith.constant 0 : i32
    %sign3A_4 = arith.cmpi slt, %add3A, %sign3A_3 : i32
    %sign3A_5 = arith.extui %sign3A_4 : i1 to i32
    %sign3A_6 = arith.subi %sign3A_2, %sign3A_5 : i32
    %sign3A_7 = arith.constant 0 : i32
    %sign3A_8 = arith.cmpi sgt, %jit3A, %sign3A_7 : i32
    %sign3A_9 = arith.extui %sign3A_8 : i1 to i32
    %sign3A_10 = arith.constant 0 : i32
    %sign3A_11 = arith.cmpi slt, %jit3A, %sign3A_10 : i32
    %sign3A_12 = arith.extui %sign3A_11 : i1 to i32
    %sign3A_13 = arith.subi %sign3A_9, %sign3A_12 : i32
    %ne3A = arith.cmpi ne, %sign3A_6, %sign3A_13 : i32
    %rem3A = arith.remsi %add3A, %jit3A : i32
    %ne3A_14 = arith.constant 0 : i32
    %ne3A_15 = arith.cmpi ne, %rem3A, %ne3A_14 : i32
    %and3A = arith.andi %ne3A, %ne3A_15 : i1
    %sub3A = arith.constant 1 : i32
    %sub3A_16 = arith.subi %div3A, %sub3A : i32
    %select_n3A = arith.select %and3A, %sub3A_16, %div3A : i32
    %jit3A_17 = arith.constant 4 : i32
    %eq3A = arith.constant 0 : i32
    %eq3A_18 = arith.cmpi eq, %jit3A_17, %eq3A : i32
    %jit3A_19 = arith.constant 1 : i32
    %select_n3A_20 = arith.select %eq3A_18, %jit3A_19, %jit3A_17 : i32
    %rem3A_21 = arith.remsi %add3A, %select_n3A_20 : i32
    %ne3A_22 = arith.constant 0 : i32
    %ne3A_23 = arith.cmpi ne, %rem3A_21, %ne3A_22 : i32
    %lt3A = arith.constant 0 : i32
    %lt3A_24 = arith.cmpi slt, %rem3A_21, %lt3A : i32
    %lt3A_25 = arith.constant 0 : i32
    %lt3A_26 = arith.cmpi slt, %select_n3A_20, %lt3A_25 : i32
    %ne3A_27 = arith.xori %lt3A_24, %lt3A_26 : i1
    %and3A_28 = arith.andi %ne3A_27, %ne3A_23 : i1
    %add3A_29 = arith.addi %rem3A_21, %select_n3A_20 : i32
    %select_n3A_30 = arith.select %and3A_28, %add3A_29, %rem3A_21 : i32
    %mul3A_31 = arith.constant 6272 : i32
    %mul3A_32 = arith.muli %select_n3A_30, %mul3A_31 : i32
    %mul3A_33 = arith.constant 25000 : i32
    %mul3A_34 = arith.muli %select_n3A, %mul3A_33 : i32
    %mul3A_35 = arith.constant 6272 : i32
    %mul3A_36 = arith.muli %select_n3A_30, %mul3A_35 : i32
    %add3A_37 = arith.addi %mul3A_34, %mul3A_36 : i32
    %eq3A_38 = arith.constant 31 : i32
    %eq3A_39 = arith.cmpi eq, %add3A, %eq3A_38 : i32
    %sub3A_40 = arith.constant 193728 : i32
    %sub3A_41 = arith.subi %add3A_37, %sub3A_40 : i32
    %jit3A_42 = arith.constant 0 : i32
    %select_n3A_43 = arith.select %eq3A_39, %sub3A_41, %jit3A_42 : i32
    %sub3A_44 = arith.subi %add3A_37, %select_n3A_43 : i32
    "tpu.region"() ({
      %run_scoped3A = tpu.sem_alloc : memref<!tpu.dma_semaphore, #tpu.memory_space<semaphore_mem>>
      %dma_start3A_1347 = tpu.memref_slice %arg3[%sub3A_44] : memref<200000xi32, #tpu.memory_space<hbm>> -> memref<6272xi32, #tpu.memory_space<hbm>>
      %dma_start3A_1348 = tpu.memref_slice %arg3[%sub3A_44] : memref<200000xi32, #tpu.memory_space<hbm>> -> memref<6272xi32, #tpu.memory_space<hbm>>
      tpu.enqueue_dma source(%dma_start3A_1348 : memref<6272xi32, #tpu.memory_space<hbm>>) target(%arg5 : memref<6272xi32, #tpu.memory_space<vmem>>) target_semaphore(%run_scoped3A : memref<!tpu.dma_semaphore, #tpu.memory_space<semaphore_mem>>)
      %dma_wait3A_1349 = tpu.memref_slice %arg3[%sub3A_44] : memref<200000xi32, #tpu.memory_space<hbm>> -> memref<6272xi32, #tpu.memory_space<hbm>>
      %dma_wait3A_1350 = tpu.memref_slice %arg3[%sub3A_44] : memref<200000xi32, #tpu.memory_space<hbm>> -> memref<6272xi32, #tpu.memory_space<hbm>>
      tpu.wait_dma2 semaphore(%run_scoped3A : memref<!tpu.dma_semaphore, #tpu.memory_space<semaphore_mem>>) src(%dma_wait3A_1350 : memref<6272xi32, #tpu.memory_space<hbm>>) dst(%arg5 : memref<6272xi32, #tpu.memory_space<vmem>>)
      tpu.yield
    }) : () -> ()
    %add3A_45 = arith.constant 0 : i32
    %add3A_46 = arith.addi %select_n3A_43, %add3A_45 : i32
    %dma_start3A = arith.constant 0 : i32
    %dma_start3A_47 = arith.constant 0 : i32
    %dma_start3A_48 = arith.constant 0 : i32
    %dma_start3A_49 = arith.constant 0 : i32
    %dma_start3A_50 = tpu.memref_slice %arg6[%dma_start3A, %dma_start3A_48, %dma_start3A_49] : memref<7x128x128xf32, #tpu.memory_space<vmem>> -> memref<1x128x128xf32, #tpu.memory_space<vmem>>
    %dma_start3A_51 = tpu.memref_squeeze %dma_start3A_50 : memref<1x128x128xf32, #tpu.memory_space<vmem>> -> memref<128x128xf32, #tpu.memory_space<vmem>>
    %dma_start3A_52 = tpu.memref_slice %arg5[%add3A_46] : memref<6272xi32, #tpu.memory_space<vmem>> -> memref<128xi32, #tpu.memory_space<vmem>>
    %dma_start3A_53 = arith.constant 0 : i32
    %dma_start3A_54 = arith.constant 0 : i32
    %dma_start3A_55 = tpu.memref_slice %arg2[%select_n3A, %dma_start3A_53, %dma_start3A_54] : memref<8x50000x128xf32, #tpu.memory_space<hbm>> -> memref<1x50000x128xf32, #tpu.memory_space<hbm>>
    %dma_start3A_56 = tpu.memref_squeeze %dma_start3A_55 : memref<1x50000x128xf32, #tpu.memory_space<hbm>> -> memref<50000x128xf32, #tpu.memory_space<hbm>>
    %dma_start3A_57 = arith.constant 0 : i32
    %dma_start3A_58 = arith.constant 0 : i32
    %dma_start3A_59 = tpu.memref_slice %dma_start3A_56[%dma_start3A_57, %dma_start3A_58] : memref<50000x128xf32, #tpu.memory_space<hbm>> -> memref<50000x128xf32, #tpu.memory_space<hbm>>
    %dma_start3A_60 = tpu.memref_slice %arg7[%dma_start3A_47] : memref<7x!tpu.dma_semaphore, #tpu.memory_space<semaphore_mem>> -> memref<1x!tpu.dma_semaphore, #tpu.memory_space<semaphore_mem>>
    %dma_start3A_61 = tpu.memref_squeeze %dma_start3A_60 : memref<1x!tpu.dma_semaphore, #tpu.memory_space<semaphore_mem>> -> memref<!tpu.dma_semaphore, #tpu.memory_space<semaphore_mem>>
    tpu.enqueue_indirect_dma source(%dma_start3A_59 : memref<50000x128xf32, #tpu.memory_space<hbm>>) target(%dma_start3A_51 : memref<128x128xf32, #tpu.memory_space<vmem>>) offsets(%dma_start3A_52 : memref<128xi32, #tpu.memory_space<vmem>>) semaphore(%dma_start3A_61 : memref<!tpu.dma_semaphore, #tpu.memory_space<semaphore_mem>>)
    %add3A_62 = arith.constant 128 : i32
    %add3A_63 = arith.addi %select_n3A_43, %add3A_62 : i32
    %dma_start3A_64 = arith.constant 1 : i32
    %dma_start3A_65 = arith.constant 1 : i32
    %dma_start3A_66 = arith.constant 0 : i32
    %dma_start3A_67 = arith.constant 0 : i32
    %dma_start3A_68 = tpu.memref_slice %arg6[%dma_start3A_64, %dma_start3A_66, %dma_start3A_67] : memref<7x128x128xf32, #tpu.memory_space<vmem>> -> memref<1x128x128xf32, #tpu.memory_space<vmem>>
    %dma_start3A_69 = tpu.memref_squeeze %dma_start3A_68 : memref<1x128x128xf32, #tpu.memory_space<vmem>> -> memref<128x128xf32, #tpu.memory_space<vmem>>
    %dma_start3A_70 = tpu.memref_slice %arg5[%add3A_63] : memref<6272xi32, #tpu.memory_space<vmem>> -> memref<128xi32, #tpu.memory_space<vmem>>
    %dma_start3A_71 = arith.constant 0 : i32
    %dma_start3A_72 = arith.constant 0 : i32
    %dma_start3A_73 = tpu.memref_slice %arg2[%select_n3A, %dma_start3A_71, %dma_start3A_72] : memref<8x50000x128xf32, #tpu.memory_space<hbm>> -> memref<1x50000x128xf32, #tpu.memory_space<hbm>>
    %dma_start3A_74 = tpu.memref_squeeze %dma_start3A_73 : memref<1x50000x128xf32, #tpu.memory_space<hbm>> -> memref<50000x128xf32, #tpu.memory_space<hbm>>
    %dma_start3A_75 = arith.constant 0 : i32
    %dma_start3A_76 = arith.constant 0 : i32
    %dma_start3A_77 = tpu.memref_slice %dma_start3A_74[%dma_start3A_75, %dma_start3A_76] : memref<50000x128xf32, #tpu.memory_space<hbm>> -> memref<50000x128xf32, #tpu.memory_space<hbm>>
    %dma_start3A_78 = tpu.memref_slice %arg7[%dma_start3A_65] : memref<7x!tpu.dma_semaphore, #tpu.memory_space<semaphore_mem>> -> memref<1x!tpu.dma_semaphore, #tpu.memory_space<semaphore_mem>>
    %dma_start3A_79 = tpu.memref_squeeze %dma_start3A_78 : memref<1x!tpu.dma_semaphore, #tpu.memory_space<semaphore_mem>> -> memref<!tpu.dma_semaphore, #tpu.memory_space<semaphore_mem>>
    tpu.enqueue_indirect_dma source(%dma_start3A_77 : memref<50000x128xf32, #tpu.memory_space<hbm>>) target(%dma_start3A_69 : memref<128x128xf32, #tpu.memory_space<vmem>>) offsets(%dma_start3A_70 : memref<128xi32, #tpu.memory_space<vmem>>) semaphore(%dma_start3A_79 : memref<!tpu.dma_semaphore, #tpu.memory_space<semaphore_mem>>)
    %add3A_80 = arith.constant 256 : i32
    %add3A_81 = arith.addi %select_n3A_43, %add3A_80 : i32
    %dma_start3A_82 = arith.constant 2 : i32
    %dma_start3A_83 = arith.constant 2 : i32
    %dma_start3A_84 = arith.constant 0 : i32
    %dma_start3A_85 = arith.constant 0 : i32
    %dma_start3A_86 = tpu.memref_slice %arg6[%dma_start3A_82, %dma_start3A_84, %dma_start3A_85] : memref<7x128x128xf32, #tpu.memory_space<vmem>> -> memref<1x128x128xf32, #tpu.memory_space<vmem>>
    %dma_start3A_87 = tpu.memref_squeeze %dma_start3A_86 : memref<1x128x128xf32, #tpu.memory_space<vmem>> -> memref<128x128xf32, #tpu.memory_space<vmem>>
    %dma_start3A_88 = tpu.memref_slice %arg5[%add3A_81] : memref<6272xi32, #tpu.memory_space<vmem>> -> memref<128xi32, #tpu.memory_space<vmem>>
    %dma_start3A_89 = arith.constant 0 : i32
    %dma_start3A_90 = arith.constant 0 : i32
    %dma_start3A_91 = tpu.memref_slice %arg2[%select_n3A, %dma_start3A_89, %dma_start3A_90] : memref<8x50000x128xf32, #tpu.memory_space<hbm>> -> memref<1x50000x128xf32, #tpu.memory_space<hbm>>
    %dma_start3A_92 = tpu.memref_squeeze %dma_start3A_91 : memref<1x50000x128xf32, #tpu.memory_space<hbm>> -> memref<50000x128xf32, #tpu.memory_space<hbm>>
    %dma_start3A_93 = arith.constant 0 : i32
    %dma_start3A_94 = arith.constant 0 : i32
    %dma_start3A_95 = tpu.memref_slice %dma_start3A_92[%dma_start3A_93, %dma_start3A_94] : memref<50000x128xf32, #tpu.memory_space<hbm>> -> memref<50000x128xf32, #tpu.memory_space<hbm>>
    %dma_start3A_96 = tpu.memref_slice %arg7[%dma_start3A_83] : memref<7x!tpu.dma_semaphore, #tpu.memory_space<semaphore_mem>> -> memref<1x!tpu.dma_semaphore, #tpu.memory_space<semaphore_mem>>
    %dma_start3A_97 = tpu.memref_squeeze %dma_start3A_96 : memref<1x!tpu.dma_semaphore, #tpu.memory_space<semaphore_mem>> -> memref<!tpu.dma_semaphore, #tpu.memory_space<semaphore_mem>>
    tpu.enqueue_indirect_dma source(%dma_start3A_95 : memref<50000x128xf32, #tpu.memory_space<hbm>>) target(%dma_start3A_87 : memref<128x128xf32, #tpu.memory_space<vmem>>) offsets(%dma_start3A_88 : memref<128xi32, #tpu.memory_space<vmem>>) semaphore(%dma_start3A_97 : memref<!tpu.dma_semaphore, #tpu.memory_space<semaphore_mem>>)
    %add3A_98 = arith.constant 384 : i32
    %add3A_99 = arith.addi %select_n3A_43, %add3A_98 : i32
    %dma_start3A_100 = arith.constant 3 : i32
    %dma_start3A_101 = arith.constant 3 : i32
    %dma_start3A_102 = arith.constant 0 : i32
    %dma_start3A_103 = arith.constant 0 : i32
    %dma_start3A_104 = tpu.memref_slice %arg6[%dma_start3A_100, %dma_start3A_102, %dma_start3A_103] : memref<7x128x128xf32, #tpu.memory_space<vmem>> -> memref<1x128x128xf32, #tpu.memory_space<vmem>>
    %dma_start3A_105 = tpu.memref_squeeze %dma_start3A_104 : memref<1x128x128xf32, #tpu.memory_space<vmem>> -> memref<128x128xf32, #tpu.memory_space<vmem>>
    %dma_start3A_106 = tpu.memref_slice %arg5[%add3A_99] : memref<6272xi32, #tpu.memory_space<vmem>> -> memref<128xi32, #tpu.memory_space<vmem>>
    %dma_start3A_107 = arith.constant 0 : i32
    %dma_start3A_108 = arith.constant 0 : i32
    %dma_start3A_109 = tpu.memref_slice %arg2[%select_n3A, %dma_start3A_107, %dma_start3A_108] : memref<8x50000x128xf32, #tpu.memory_space<hbm>> -> memref<1x50000x128xf32, #tpu.memory_space<hbm>>
    %dma_start3A_110 = tpu.memref_squeeze %dma_start3A_109 : memref<1x50000x128xf32, #tpu.memory_space<hbm>> -> memref<50000x128xf32, #tpu.memory_space<hbm>>
    %dma_start3A_111 = arith.constant 0 : i32
    %dma_start3A_112 = arith.constant 0 : i32
    %dma_start3A_113 = tpu.memref_slice %dma_start3A_110[%dma_start3A_111, %dma_start3A_112] : memref<50000x128xf32, #tpu.memory_space<hbm>> -> memref<50000x128xf32, #tpu.memory_space<hbm>>
    %dma_start3A_114 = tpu.memref_slice %arg7[%dma_start3A_101] : memref<7x!tpu.dma_semaphore, #tpu.memory_space<semaphore_mem>> -> memref<1x!tpu.dma_semaphore, #tpu.memory_space<semaphore_mem>>
    %dma_start3A_115 = tpu.memref_squeeze %dma_start3A_114 : memref<1x!tpu.dma_semaphore, #tpu.memory_space<semaphore_mem>> -> memref<!tpu.dma_semaphore, #tpu.memory_space<semaphore_mem>>
    tpu.enqueue_indirect_dma source(%dma_start3A_113 : memref<50000x128xf32, #tpu.memory_space<hbm>>) target(%dma_start3A_105 : memref<128x128xf32, #tpu.memory_space<vmem>>) offsets(%dma_start3A_106 : memref<128xi32, #tpu.memory_space<vmem>>) semaphore(%dma_start3A_115 : memref<!tpu.dma_semaphore, #tpu.memory_space<semaphore_mem>>)
    %add3A_116 = arith.constant 512 : i32
    %add3A_117 = arith.addi %select_n3A_43, %add3A_116 : i32
    %dma_start3A_118 = arith.constant 4 : i32
    %dma_start3A_119 = arith.constant 4 : i32
    %dma_start3A_120 = arith.constant 0 : i32
    %dma_start3A_121 = arith.constant 0 : i32
    %dma_start3A_122 = tpu.memref_slice %arg6[%dma_start3A_118, %dma_start3A_120, %dma_start3A_121] : memref<7x128x128xf32, #tpu.memory_space<vmem>> -> memref<1x128x128xf32, #tpu.memory_space<vmem>>
    %dma_start3A_123 = tpu.memref_squeeze %dma_start3A_122 : memref<1x128x128xf32, #tpu.memory_space<vmem>> -> memref<128x128xf32, #tpu.memory_space<vmem>>
    %dma_start3A_124 = tpu.memref_slice %arg5[%add3A_117] : memref<6272xi32, #tpu.memory_space<vmem>> -> memref<128xi32, #tpu.memory_space<vmem>>
    %dma_start3A_125 = arith.constant 0 : i32
    %dma_start3A_126 = arith.constant 0 : i32
    %dma_start3A_127 = tpu.memref_slice %arg2[%select_n3A, %dma_start3A_125, %dma_start3A_126] : memref<8x50000x128xf32, #tpu.memory_space<hbm>> -> memref<1x50000x128xf32, #tpu.memory_space<hbm>>
    %dma_start3A_128 = tpu.memref_squeeze %dma_start3A_127 : memref<1x50000x128xf32, #tpu.memory_space<hbm>> -> memref<50000x128xf32, #tpu.memory_space<hbm>>
    %dma_start3A_129 = arith.constant 0 : i32
    %dma_start3A_130 = arith.constant 0 : i32
    %dma_start3A_131 = tpu.memref_slice %dma_start3A_128[%dma_start3A_129, %dma_start3A_130] : memref<50000x128xf32, #tpu.memory_space<hbm>> -> memref<50000x128xf32, #tpu.memory_space<hbm>>
    %dma_start3A_132 = tpu.memref_slice %arg7[%dma_start3A_119] : memref<7x!tpu.dma_semaphore, #tpu.memory_space<semaphore_mem>> -> memref<1x!tpu.dma_semaphore, #tpu.memory_space<semaphore_mem>>
    %dma_start3A_133 = tpu.memref_squeeze %dma_start3A_132 : memref<1x!tpu.dma_semaphore, #tpu.memory_space<semaphore_mem>> -> memref<!tpu.dma_semaphore, #tpu.memory_space<semaphore_mem>>
    tpu.enqueue_indirect_dma source(%dma_start3A_131 : memref<50000x128xf32, #tpu.memory_space<hbm>>) target(%dma_start3A_123 : memref<128x128xf32, #tpu.memory_space<vmem>>) offsets(%dma_start3A_124 : memref<128xi32, #tpu.memory_space<vmem>>) semaphore(%dma_start3A_133 : memref<!tpu.dma_semaphore, #tpu.memory_space<semaphore_mem>>)
    %add3A_134 = arith.constant 640 : i32
    %add3A_135 = arith.addi %select_n3A_43, %add3A_134 : i32
    %dma_start3A_136 = arith.constant 5 : i32
    %dma_start3A_137 = arith.constant 5 : i32
    %dma_start3A_138 = arith.constant 0 : i32
    %dma_start3A_139 = arith.constant 0 : i32
    %dma_start3A_140 = tpu.memref_slice %arg6[%dma_start3A_136, %dma_start3A_138, %dma_start3A_139] : memref<7x128x128xf32, #tpu.memory_space<vmem>> -> memref<1x128x128xf32, #tpu.memory_space<vmem>>
    %dma_start3A_141 = tpu.memref_squeeze %dma_start3A_140 : memref<1x128x128xf32, #tpu.memory_space<vmem>> -> memref<128x128xf32, #tpu.memory_space<vmem>>
    %dma_start3A_142 = tpu.memref_slice %arg5[%add3A_135] : memref<6272xi32, #tpu.memory_space<vmem>> -> memref<128xi32, #tpu.memory_space<vmem>>
    %dma_start3A_143 = arith.constant 0 : i32
    %dma_start3A_144 = arith.constant 0 : i32
    %dma_start3A_145 = tpu.memref_slice %arg2[%select_n3A, %dma_start3A_143, %dma_start3A_144] : memref<8x50000x128xf32, #tpu.memory_space<hbm>> -> memref<1x50000x128xf32, #tpu.memory_space<hbm>>
    %dma_start3A_146 = tpu.memref_squeeze %dma_start3A_145 : memref<1x50000x128xf32, #tpu.memory_space<hbm>> -> memref<50000x128xf32, #tpu.memory_space<hbm>>
    %dma_start3A_147 = arith.constant 0 : i32
    %dma_start3A_148 = arith.constant 0 : i32
    %dma_start3A_149 = tpu.memref_slice %dma_start3A_146[%dma_start3A_147, %dma_start3A_148] : memref<50000x128xf32, #tpu.memory_space<hbm>> -> memref<50000x128xf32, #tpu.memory_space<hbm>>
    %dma_start3A_150 = tpu.memref_slice %arg7[%dma_start3A_137] : memref<7x!tpu.dma_semaphore, #tpu.memory_space<semaphore_mem>> -> memref<1x!tpu.dma_semaphore, #tpu.memory_space<semaphore_mem>>
    %dma_start3A_151 = tpu.memref_squeeze %dma_start3A_150 : memref<1x!tpu.dma_semaphore, #tpu.memory_space<semaphore_mem>> -> memref<!tpu.dma_semaphore, #tpu.memory_space<semaphore_mem>>
    tpu.enqueue_indirect_dma source(%dma_start3A_149 : memref<50000x128xf32, #tpu.memory_space<hbm>>) target(%dma_start3A_141 : memref<128x128xf32, #tpu.memory_space<vmem>>) offsets(%dma_start3A_142 : memref<128xi32, #tpu.memory_space<vmem>>) semaphore(%dma_start3A_151 : memref<!tpu.dma_semaphore, #tpu.memory_space<semaphore_mem>>)
    %add3A_152 = arith.constant 768 : i32
    %add3A_153 = arith.addi %select_n3A_43, %add3A_152 : i32
    %dma_start3A_154 = arith.constant 6 : i32
    %dma_start3A_155 = arith.constant 6 : i32
    %dma_start3A_156 = arith.constant 0 : i32
    %dma_start3A_157 = arith.constant 0 : i32
    %dma_start3A_158 = tpu.memref_slice %arg6[%dma_start3A_154, %dma_start3A_156, %dma_start3A_157] : memref<7x128x128xf32, #tpu.memory_space<vmem>> -> memref<1x128x128xf32, #tpu.memory_space<vmem>>
    %dma_start3A_159 = tpu.memref_squeeze %dma_start3A_158 : memref<1x128x128xf32, #tpu.memory_space<vmem>> -> memref<128x128xf32, #tpu.memory_space<vmem>>
    %dma_start3A_160 = tpu.memref_slice %arg5[%add3A_153] : memref<6272xi32, #tpu.memory_space<vmem>> -> memref<128xi32, #tpu.memory_space<vmem>>
    %dma_start3A_161 = arith.constant 0 : i32
    %dma_start3A_162 = arith.constant 0 : i32
    %dma_start3A_163 = tpu.memref_slice %arg2[%select_n3A, %dma_start3A_161, %dma_start3A_162] : memref<8x50000x128xf32, #tpu.memory_space<hbm>> -> memref<1x50000x128xf32, #tpu.memory_space<hbm>>
    %dma_start3A_164 = tpu.memref_squeeze %dma_start3A_163 : memref<1x50000x128xf32, #tpu.memory_space<hbm>> -> memref<50000x128xf32, #tpu.memory_space<hbm>>
    %dma_start3A_165 = arith.constant 0 : i32
    %dma_start3A_166 = arith.constant 0 : i32
    %dma_start3A_167 = tpu.memref_slice %dma_start3A_164[%dma_start3A_165, %dma_start3A_166] : memref<50000x128xf32, #tpu.memory_space<hbm>> -> memref<50000x128xf32, #tpu.memory_space<hbm>>
    %dma_start3A_168 = tpu.memref_slice %arg7[%dma_start3A_155] : memref<7x!tpu.dma_semaphore, #tpu.memory_space<semaphore_mem>> -> memref<1x!tpu.dma_semaphore, #tpu.memory_space<semaphore_mem>>
    %dma_start3A_169 = tpu.memref_squeeze %dma_start3A_168 : memref<1x!tpu.dma_semaphore, #tpu.memory_space<semaphore_mem>> -> memref<!tpu.dma_semaphore, #tpu.memory_space<semaphore_mem>>
    tpu.enqueue_indirect_dma source(%dma_start3A_167 : memref<50000x128xf32, #tpu.memory_space<hbm>>) target(%dma_start3A_159 : memref<128x128xf32, #tpu.memory_space<vmem>>) offsets(%dma_start3A_160 : memref<128xi32, #tpu.memory_space<vmem>>) semaphore(%dma_start3A_169 : memref<!tpu.dma_semaphore, #tpu.memory_space<semaphore_mem>>)
    %scan3A = arith.constant 0 : i32
    %scan3A_170 = arith.constant 0 : i32
    %scan3A_171 = arith.constant 5 : i32
    %scan3A_172 = arith.addi %scan3A_170, %scan3A_171 : i32
    %scan3A_173 = arith.constant 1 : i32
    scf.for %scan3A_1347 = %scan3A_170 to %scan3A_172 step %scan3A_173  : i32 {
      %dma_wait3A_1348 = arith.constant 0 : i32
      %dma_wait3A_1349 = arith.constant 0 : i32
      %dma_wait3A_1350 = arith.constant 0 : i32
      %dma_wait3A_1351 = arith.constant 0 : i32
      %dma_wait3A_1352 = tpu.memref_slice %arg6[%dma_wait3A_1348, %dma_wait3A_1350, %dma_wait3A_1351] : memref<7x128x128xf32, #tpu.memory_space<vmem>> -> memref<1x128x128xf32, #tpu.memory_space<vmem>>
      %dma_wait3A_1353 = tpu.memref_squeeze %dma_wait3A_1352 : memref<1x128x128xf32, #tpu.memory_space<vmem>> -> memref<128x128xf32, #tpu.memory_space<vmem>>
      %dma_wait3A_1354 = arith.constant 0 : i32
      %dma_wait3A_1355 = arith.constant 0 : i32
      %dma_wait3A_1356 = tpu.memref_slice %arg2[%select_n3A, %dma_wait3A_1354, %dma_wait3A_1355] : memref<8x50000x128xf32, #tpu.memory_space<hbm>> -> memref<1x50000x128xf32, #tpu.memory_space<hbm>>
      %dma_wait3A_1357 = tpu.memref_squeeze %dma_wait3A_1356 : memref<1x50000x128xf32, #tpu.memory_space<hbm>> -> memref<50000x128xf32, #tpu.memory_space<hbm>>
      %dma_wait3A_1358 = arith.constant 0 : i32
      %dma_wait3A_1359 = arith.constant 0 : i32
      %dma_wait3A_1360 = tpu.memref_slice %dma_wait3A_1357[%dma_wait3A_1358, %dma_wait3A_1359] : memref<50000x128xf32, #tpu.memory_space<hbm>> -> memref<128x128xf32, #tpu.memory_space<hbm>>
      %dma_wait3A_1361 = tpu.memref_slice %arg7[%dma_wait3A_1349] : memref<7x!tpu.dma_semaphore, #tpu.memory_space<semaphore_mem>> -> memref<1x!tpu.dma_semaphore, #tpu.memory_space<semaphore_mem>>
      %dma_wait3A_1362 = tpu.memref_squeeze %dma_wait3A_1361 : memref<1x!tpu.dma_semaphore, #tpu.memory_space<semaphore_mem>> -> memref<!tpu.dma_semaphore, #tpu.memory_space<semaphore_mem>>
      %dma_wait3A_1363 = arith.constant 0 : i32
      %dma_wait3A_1364 = arith.constant 0 : i32
      %dma_wait3A_1365 = tpu.memref_slice %arg6[%dma_wait3A_1348, %dma_wait3A_1363, %dma_wait3A_1364] : memref<7x128x128xf32, #tpu.memory_space<vmem>> -> memref<1x128x128xf32, #tpu.memory_space<vmem>>
      %dma_wait3A_1366 = tpu.memref_squeeze %dma_wait3A_1365 : memref<1x128x128xf32, #tpu.memory_space<vmem>> -> memref<128x128xf32, #tpu.memory_space<vmem>>
      %dma_wait3A_1367 = arith.constant 0 : i32
      %dma_wait3A_1368 = arith.constant 0 : i32
      %dma_wait3A_1369 = tpu.memref_slice %arg2[%select_n3A, %dma_wait3A_1367, %dma_wait3A_1368] : memref<8x50000x128xf32, #tpu.memory_space<hbm>> -> memref<1x50000x128xf32, #tpu.memory_space<hbm>>
      %dma_wait3A_1370 = tpu.memref_squeeze %dma_wait3A_1369 : memref<1x50000x128xf32, #tpu.memory_space<hbm>> -> memref<50000x128xf32, #tpu.memory_space<hbm>>
      %dma_wait3A_1371 = arith.constant 0 : i32
      %dma_wait3A_1372 = arith.constant 0 : i32
      %dma_wait3A_1373 = tpu.memref_slice %dma_wait3A_1370[%dma_wait3A_1371, %dma_wait3A_1372] : memref<50000x128xf32, #tpu.memory_space<hbm>> -> memref<128x128xf32, #tpu.memory_space<hbm>>
      tpu.wait_dma2 semaphore(%dma_wait3A_1362 : memref<!tpu.dma_semaphore, #tpu.memory_space<semaphore_mem>>) src(%dma_wait3A_1373 : memref<128x128xf32, #tpu.memory_space<hbm>>) dst(%dma_wait3A_1366 : memref<128x128xf32, #tpu.memory_space<vmem>>)
      %mul3A_1374 = arith.constant 7 : i32
      %mul3A_1375 = arith.muli %mul3A_1374, %scan3A_1347 : i32
      %add3A_1376 = arith.constant 0 : i32
      %add3A_1377 = arith.addi %mul3A_1375, %add3A_1376 : i32
      %mul3A_1378 = arith.constant 128 : i32
      %mul3A_1379 = arith.muli %add3A_1377, %mul3A_1378 : i32
      %add3A_1380 = arith.addi %mul3A_32, %mul3A_1379 : i32
      %dma_start3A_1381 = arith.constant 0 : i32
      %dma_start3A_1382 = arith.constant 0 : i32
      %dma_start3A_1383 = arith.constant 0 : i32
      %dma_start3A_1384 = arith.constant 0 : i32
      %dma_start3A_1385 = tpu.memref_slice %arg6[%dma_start3A_1381, %dma_start3A_1383, %dma_start3A_1384] : memref<7x128x128xf32, #tpu.memory_space<vmem>> -> memref<1x128x128xf32, #tpu.memory_space<vmem>>
      %dma_start3A_1386 = tpu.memref_squeeze %dma_start3A_1385 : memref<1x128x128xf32, #tpu.memory_space<vmem>> -> memref<128x128xf32, #tpu.memory_space<vmem>>
      %dma_start3A_1387 = arith.constant 0 : i32
      %dma_start3A_1388 = arith.constant 0 : i32
      %dma_start3A_1389 = tpu.memref_slice %arg4[%select_n3A, %dma_start3A_1387, %dma_start3A_1388] : memref<8x25000x128xf32, #tpu.memory_space<hbm>> -> memref<1x25000x128xf32, #tpu.memory_space<hbm>>
      %dma_start3A_1390 = tpu.memref_squeeze %dma_start3A_1389 : memref<1x25000x128xf32, #tpu.memory_space<hbm>> -> memref<25000x128xf32, #tpu.memory_space<hbm>>
      %dma_start3A_1391 = arith.constant 0 : i32
      %dma_start3A_1392 = tpu.memref_slice %dma_start3A_1390[%add3A_1380, %dma_start3A_1391] : memref<25000x128xf32, #tpu.memory_space<hbm>> -> memref<128x128xf32, #tpu.memory_space<hbm>>
      %dma_start3A_1393 = tpu.memref_slice %arg8[%dma_start3A_1382] : memref<7x!tpu.dma_semaphore, #tpu.memory_space<semaphore_mem>> -> memref<1x!tpu.dma_semaphore, #tpu.memory_space<semaphore_mem>>
      %dma_start3A_1394 = tpu.memref_squeeze %dma_start3A_1393 : memref<1x!tpu.dma_semaphore, #tpu.memory_space<semaphore_mem>> -> memref<!tpu.dma_semaphore, #tpu.memory_space<semaphore_mem>>
      %dma_start3A_1395 = arith.constant 0 : i32
      %dma_start3A_1396 = arith.constant 0 : i32
      %dma_start3A_1397 = tpu.memref_slice %arg4[%select_n3A, %dma_start3A_1395, %dma_start3A_1396] : memref<8x25000x128xf32, #tpu.memory_space<hbm>> -> memref<1x25000x128xf32, #tpu.memory_space<hbm>>
      %dma_start3A_1398 = tpu.memref_squeeze %dma_start3A_1397 : memref<1x25000x128xf32, #tpu.memory_space<hbm>> -> memref<25000x128xf32, #tpu.memory_space<hbm>>
      %dma_start3A_1399 = arith.constant 0 : i32
      %dma_start3A_1400 = tpu.memref_slice %dma_start3A_1398[%add3A_1380, %dma_start3A_1399] : memref<25000x128xf32, #tpu.memory_space<hbm>> -> memref<128x128xf32, #tpu.memory_space<hbm>>
      %dma_start3A_1401 = arith.constant 0 : i32
      %dma_start3A_1402 = arith.constant 0 : i32
      %dma_start3A_1403 = tpu.memref_slice %arg6[%dma_start3A_1381, %dma_start3A_1401, %dma_start3A_1402] : memref<7x128x128xf32, #tpu.memory_space<vmem>> -> memref<1x128x128xf32, #tpu.memory_space<vmem>>
      %dma_start3A_1404 = tpu.memref_squeeze %dma_start3A_1403 : memref<1x128x128xf32, #tpu.memory_space<vmem>> -> memref<128x128xf32, #tpu.memory_space<vmem>>
      tpu.enqueue_dma source(%dma_start3A_1404 : memref<128x128xf32, #tpu.memory_space<vmem>>) target(%dma_start3A_1400 : memref<128x128xf32, #tpu.memory_space<hbm>>) target_semaphore(%dma_start3A_1394 : memref<!tpu.dma_semaphore, #tpu.memory_space<semaphore_mem>>)
      %dma_wait3A_1405 = arith.constant 1 : i32
      %dma_wait3A_1406 = arith.constant 1 : i32
      %dma_wait3A_1407 = arith.constant 0 : i32
      %dma_wait3A_1408 = arith.constant 0 : i32
      %dma_wait3A_1409 = tpu.memref_slice %arg6[%dma_wait3A_1405, %dma_wait3A_1407, %dma_wait3A_1408] : memref<7x128x128xf32, #tpu.memory_space<vmem>> -> memref<1x128x128xf32, #tpu.memory_space<vmem>>
      %dma_wait3A_1410 = tpu.memref_squeeze %dma_wait3A_1409 : memref<1x128x128xf32, #tpu.memory_space<vmem>> -> memref<128x128xf32, #tpu.memory_space<vmem>>
      %dma_wait3A_1411 = arith.constant 0 : i32
      %dma_wait3A_1412 = arith.constant 0 : i32
      %dma_wait3A_1413 = tpu.memref_slice %arg2[%select_n3A, %dma_wait3A_1411, %dma_wait3A_1412] : memref<8x50000x128xf32, #tpu.memory_space<hbm>> -> memref<1x50000x128xf32, #tpu.memory_space<hbm>>
      %dma_wait3A_1414 = tpu.memref_squeeze %dma_wait3A_1413 : memref<1x50000x128xf32, #tpu.memory_space<hbm>> -> memref<50000x128xf32, #tpu.memory_space<hbm>>
      %dma_wait3A_1415 = arith.constant 0 : i32
      %dma_wait3A_1416 = arith.constant 0 : i32
      %dma_wait3A_1417 = tpu.memref_slice %dma_wait3A_1414[%dma_wait3A_1415, %dma_wait3A_1416] : memref<50000x128xf32, #tpu.memory_space<hbm>> -> memref<128x128xf32, #tpu.memory_space<hbm>>
      %dma_wait3A_1418 = tpu.memref_slice %arg7[%dma_wait3A_1406] : memref<7x!tpu.dma_semaphore, #tpu.memory_space<semaphore_mem>> -> memref<1x!tpu.dma_semaphore, #tpu.memory_space<semaphore_mem>>
      %dma_wait3A_1419 = tpu.memref_squeeze %dma_wait3A_1418 : memref<1x!tpu.dma_semaphore, #tpu.memory_space<semaphore_mem>> -> memref<!tpu.dma_semaphore, #tpu.memory_space<semaphore_mem>>
      %dma_wait3A_1420 = arith.constant 0 : i32
      %dma_wait3A_1421 = arith.constant 0 : i32
      %dma_wait3A_1422 = tpu.memref_slice %arg6[%dma_wait3A_1405, %dma_wait3A_1420, %dma_wait3A_1421] : memref<7x128x128xf32, #tpu.memory_space<vmem>> -> memref<1x128x128xf32, #tpu.memory_space<vmem>>
      %dma_wait3A_1423 = tpu.memref_squeeze %dma_wait3A_1422 : memref<1x128x128xf32, #tpu.memory_space<vmem>> -> memref<128x128xf32, #tpu.memory_space<vmem>>
      %dma_wait3A_1424 = arith.constant 0 : i32
      %dma_wait3A_1425 = arith.constant 0 : i32
      %dma_wait3A_1426 = tpu.memref_slice %arg2[%select_n3A, %dma_wait3A_1424, %dma_wait3A_1425] : memref<8x50000x128xf32, #tpu.memory_space<hbm>> -> memref<1x50000x128xf32, #tpu.memory_space<hbm>>
      %dma_wait3A_1427 = tpu.memref_squeeze %dma_wait3A_1426 : memref<1x50000x128xf32, #tpu.memory_space<hbm>> -> memref<50000x128xf32, #tpu.memory_space<hbm>>
      %dma_wait3A_1428 = arith.constant 0 : i32
      %dma_wait3A_1429 = arith.constant 0 : i32
      %dma_wait3A_1430 = tpu.memref_slice %dma_wait3A_1427[%dma_wait3A_1428, %dma_wait3A_1429] : memref<50000x128xf32, #tpu.memory_space<hbm>> -> memref<128x128xf32, #tpu.memory_space<hbm>>
      tpu.wait_dma2 semaphore(%dma_wait3A_1419 : memref<!tpu.dma_semaphore, #tpu.memory_space<semaphore_mem>>) src(%dma_wait3A_1430 : memref<128x128xf32, #tpu.memory_space<hbm>>) dst(%dma_wait3A_1423 : memref<128x128xf32, #tpu.memory_space<vmem>>)
      %mul3A_1431 = arith.constant 7 : i32
      %mul3A_1432 = arith.muli %mul3A_1431, %scan3A_1347 : i32
      %add3A_1433 = arith.constant 1 : i32
      %add3A_1434 = arith.addi %mul3A_1432, %add3A_1433 : i32
      %mul3A_1435 = arith.constant 128 : i32
      %mul3A_1436 = arith.muli %add3A_1434, %mul3A_1435 : i32
      %add3A_1437 = arith.addi %mul3A_32, %mul3A_1436 : i32
      %dma_start3A_1438 = arith.constant 1 : i32
      %dma_start3A_1439 = arith.constant 1 : i32
      %dma_start3A_1440 = arith.constant 0 : i32
      %dma_start3A_1441 = arith.constant 0 : i32
      %dma_start3A_1442 = tpu.memref_slice %arg6[%dma_start3A_1438, %dma_start3A_1440, %dma_start3A_1441] : memref<7x128x128xf32, #tpu.memory_space<vmem>> -> memref<1x128x128xf32, #tpu.memory_space<vmem>>
      %dma_start3A_1443 = tpu.memref_squeeze %dma_start3A_1442 : memref<1x128x128xf32, #tpu.memory_space<vmem>> -> memref<128x128xf32, #tpu.memory_space<vmem>>
      %dma_start3A_1444 = arith.constant 0 : i32
      %dma_start3A_1445 = arith.constant 0 : i32
      %dma_start3A_1446 = tpu.memref_slice %arg4[%select_n3A, %dma_start3A_1444, %dma_start3A_1445] : memref<8x25000x128xf32, #tpu.memory_space<hbm>> -> memref<1x25000x128xf32, #tpu.memory_space<hbm>>
      %dma_start3A_1447 = tpu.memref_squeeze %dma_start3A_1446 : memref<1x25000x128xf32, #tpu.memory_space<hbm>> -> memref<25000x128xf32, #tpu.memory_space<hbm>>
      %dma_start3A_1448 = arith.constant 0 : i32
      %dma_start3A_1449 = tpu.memref_slice %dma_start3A_1447[%add3A_1437, %dma_start3A_1448] : memref<25000x128xf32, #tpu.memory_space<hbm>> -> memref<128x128xf32, #tpu.memory_space<hbm>>
      %dma_start3A_1450 = tpu.memref_slice %arg8[%dma_start3A_1439] : memref<7x!tpu.dma_semaphore, #tpu.memory_space<semaphore_mem>> -> memref<1x!tpu.dma_semaphore, #tpu.memory_space<semaphore_mem>>
      %dma_start3A_1451 = tpu.memref_squeeze %dma_start3A_1450 : memref<1x!tpu.dma_semaphore, #tpu.memory_space<semaphore_mem>> -> memref<!tpu.dma_semaphore, #tpu.memory_space<semaphore_mem>>
      %dma_start3A_1452 = arith.constant 0 : i32
      %dma_start3A_1453 = arith.constant 0 : i32
      %dma_start3A_1454 = tpu.memref_slice %arg4[%select_n3A, %dma_start3A_1452, %dma_start3A_1453] : memref<8x25000x128xf32, #tpu.memory_space<hbm>> -> memref<1x25000x128xf32, #tpu.memory_space<hbm>>
      %dma_start3A_1455 = tpu.memref_squeeze %dma_start3A_1454 : memref<1x25000x128xf32, #tpu.memory_space<hbm>> -> memref<25000x128xf32, #tpu.memory_space<hbm>>
      %dma_start3A_1456 = arith.constant 0 : i32
      %dma_start3A_1457 = tpu.memref_slice %dma_start3A_1455[%add3A_1437, %dma_start3A_1456] : memref<25000x128xf32, #tpu.memory_space<hbm>> -> memref<128x128xf32, #tpu.memory_space<hbm>>
      %dma_start3A_1458 = arith.constant 0 : i32
      %dma_start3A_1459 = arith.constant 0 : i32
      %dma_start3A_1460 = tpu.memref_slice %arg6[%dma_start3A_1438, %dma_start3A_1458, %dma_start3A_1459] : memref<7x128x128xf32, #tpu.memory_space<vmem>> -> memref<1x128x128xf32, #tpu.memory_space<vmem>>
      %dma_start3A_1461 = tpu.memref_squeeze %dma_start3A_1460 : memref<1x128x128xf32, #tpu.memory_space<vmem>> -> memref<128x128xf32, #tpu.memory_space<vmem>>
      tpu.enqueue_dma source(%dma_start3A_1461 : memref<128x128xf32, #tpu.memory_space<vmem>>) target(%dma_start3A_1457 : memref<128x128xf32, #tpu.memory_space<hbm>>) target_semaphore(%dma_start3A_1451 : memref<!tpu.dma_semaphore, #tpu.memory_space<semaphore_mem>>)
      %dma_wait3A_1462 = arith.constant 2 : i32
      %dma_wait3A_1463 = arith.constant 2 : i32
      %dma_wait3A_1464 = arith.constant 0 : i32
      %dma_wait3A_1465 = arith.constant 0 : i32
      %dma_wait3A_1466 = tpu.memref_slice %arg6[%dma_wait3A_1462, %dma_wait3A_1464, %dma_wait3A_1465] : memref<7x128x128xf32, #tpu.memory_space<vmem>> -> memref<1x128x128xf32, #tpu.memory_space<vmem>>
      %dma_wait3A_1467 = tpu.memref_squeeze %dma_wait3A_1466 : memref<1x128x128xf32, #tpu.memory_space<vmem>> -> memref<128x128xf32, #tpu.memory_space<vmem>>
      %dma_wait3A_1468 = arith.constant 0 : i32
      %dma_wait3A_1469 = arith.constant 0 : i32
      %dma_wait3A_1470 = tpu.memref_slice %arg2[%select_n3A, %dma_wait3A_1468, %dma_wait3A_1469] : memref<8x50000x128xf32, #tpu.memory_space<hbm>> -> memref<1x50000x128xf32, #tpu.memory_space<hbm>>
      %dma_wait3A_1471 = tpu.memref_squeeze %dma_wait3A_1470 : memref<1x50000x128xf32, #tpu.memory_space<hbm>> -> memref<50000x128xf32, #tpu.memory_space<hbm>>
      %dma_wait3A_1472 = arith.constant 0 : i32
      %dma_wait3A_1473 = arith.constant 0 : i32
      %dma_wait3A_1474 = tpu.memref_slice %dma_wait3A_1471[%dma_wait3A_1472, %dma_wait3A_1473] : memref<50000x128xf32, #tpu.memory_space<hbm>> -> memref<128x128xf32, #tpu.memory_space<hbm>>
      %dma_wait3A_1475 = tpu.memref_slice %arg7[%dma_wait3A_1463] : memref<7x!tpu.dma_semaphore, #tpu.memory_space<semaphore_mem>> -> memref<1x!tpu.dma_semaphore, #tpu.memory_space<semaphore_mem>>
      %dma_wait3A_1476 = tpu.memref_squeeze %dma_wait3A_1475 : memref<1x!tpu.dma_semaphore, #tpu.memory_space<semaphore_mem>> -> memref<!tpu.dma_semaphore, #tpu.memory_space<semaphore_mem>>
      %dma_wait3A_1477 = arith.constant 0 : i32
      %dma_wait3A_1478 = arith.constant 0 : i32
      %dma_wait3A_1479 = tpu.memref_slice %arg6[%dma_wait3A_1462, %dma_wait3A_1477, %dma_wait3A_1478] : memref<7x128x128xf32, #tpu.memory_space<vmem>> -> memref<1x128x128xf32, #tpu.memory_space<vmem>>
      %dma_wait3A_1480 = tpu.memref_squeeze %dma_wait3A_1479 : memref<1x128x128xf32, #tpu.memory_space<vmem>> -> memref<128x128xf32, #tpu.memory_space<vmem>>
      %dma_wait3A_1481 = arith.constant 0 : i32
      %dma_wait3A_1482 = arith.constant 0 : i32
      %dma_wait3A_1483 = tpu.memref_slice %arg2[%select_n3A, %dma_wait3A_1481, %dma_wait3A_1482] : memref<8x50000x128xf32, #tpu.memory_space<hbm>> -> memref<1x50000x128xf32, #tpu.memory_space<hbm>>
      %dma_wait3A_1484 = tpu.memref_squeeze %dma_wait3A_1483 : memref<1x50000x128xf32, #tpu.memory_space<hbm>> -> memref<50000x128xf32, #tpu.memory_space<hbm>>
      %dma_wait3A_1485 = arith.constant 0 : i32
      %dma_wait3A_1486 = arith.constant 0 : i32
      %dma_wait3A_1487 = tpu.memref_slice %dma_wait3A_1484[%dma_wait3A_1485, %dma_wait3A_1486] : memref<50000x128xf32, #tpu.memory_space<hbm>> -> memref<128x128xf32, #tpu.memory_space<hbm>>
      tpu.wait_dma2 semaphore(%dma_wait3A_1476 : memref<!tpu.dma_semaphore, #tpu.memory_space<semaphore_mem>>) src(%dma_wait3A_1487 : memref<128x128xf32, #tpu.memory_space<hbm>>) dst(%dma_wait3A_1480 : memref<128x128xf32, #tpu.memory_space<vmem>>)
      %mul3A_1488 = arith.constant 7 : i32
      %mul3A_1489 = arith.muli %mul3A_1488, %scan3A_1347 : i32
      %add3A_1490 = arith.constant 2 : i32
      %add3A_1491 = arith.addi %mul3A_1489, %add3A_1490 : i32
      %mul3A_1492 = arith.constant 128 : i32
      %mul3A_1493 = arith.muli %add3A_1491, %mul3A_1492 : i32
      %add3A_1494 = arith.addi %mul3A_32, %mul3A_1493 : i32
      %dma_start3A_1495 = arith.constant 2 : i32
      %dma_start3A_1496 = arith.constant 2 : i32
      %dma_start3A_1497 = arith.constant 0 : i32
      %dma_start3A_1498 = arith.constant 0 : i32
      %dma_start3A_1499 = tpu.memref_slice %arg6[%dma_start3A_1495, %dma_start3A_1497, %dma_start3A_1498] : memref<7x128x128xf32, #tpu.memory_space<vmem>> -> memref<1x128x128xf32, #tpu.memory_space<vmem>>
      %dma_start3A_1500 = tpu.memref_squeeze %dma_start3A_1499 : memref<1x128x128xf32, #tpu.memory_space<vmem>> -> memref<128x128xf32, #tpu.memory_space<vmem>>
      %dma_start3A_1501 = arith.constant 0 : i32
      %dma_start3A_1502 = arith.constant 0 : i32
      %dma_start3A_1503 = tpu.memref_slice %arg4[%select_n3A, %dma_start3A_1501, %dma_start3A_1502] : memref<8x25000x128xf32, #tpu.memory_space<hbm>> -> memref<1x25000x128xf32, #tpu.memory_space<hbm>>
      %dma_start3A_1504 = tpu.memref_squeeze %dma_start3A_1503 : memref<1x25000x128xf32, #tpu.memory_space<hbm>> -> memref<25000x128xf32, #tpu.memory_space<hbm>>
      %dma_start3A_1505 = arith.constant 0 : i32
      %dma_start3A_1506 = tpu.memref_slice %dma_start3A_1504[%add3A_1494, %dma_start3A_1505] : memref<25000x128xf32, #tpu.memory_space<hbm>> -> memref<128x128xf32, #tpu.memory_space<hbm>>
      %dma_start3A_1507 = tpu.memref_slice %arg8[%dma_start3A_1496] : memref<7x!tpu.dma_semaphore, #tpu.memory_space<semaphore_mem>> -> memref<1x!tpu.dma_semaphore, #tpu.memory_space<semaphore_mem>>
      %dma_start3A_1508 = tpu.memref_squeeze %dma_start3A_1507 : memref<1x!tpu.dma_semaphore, #tpu.memory_space<semaphore_mem>> -> memref<!tpu.dma_semaphore, #tpu.memory_space<semaphore_mem>>
      %dma_start3A_1509 = arith.constant 0 : i32
      %dma_start3A_1510 = arith.constant 0 : i32
      %dma_start3A_1511 = tpu.memref_slice %arg4[%select_n3A, %dma_start3A_1509, %dma_start3A_1510] : memref<8x25000x128xf32, #tpu.memory_space<hbm>> -> memref<1x25000x128xf32, #tpu.memory_space<hbm>>
      %dma_start3A_1512 = tpu.memref_squeeze %dma_start3A_1511 : memref<1x25000x128xf32, #tpu.memory_space<hbm>> -> memref<25000x128xf32, #tpu.memory_space<hbm>>
      %dma_start3A_1513 = arith.constant 0 : i32
      %dma_start3A_1514 = tpu.memref_slice %dma_start3A_1512[%add3A_1494, %dma_start3A_1513] : memref<25000x128xf32, #tpu.memory_space<hbm>> -> memref<128x128xf32, #tpu.memory_space<hbm>>
      %dma_start3A_1515 = arith.constant 0 : i32
      %dma_start3A_1516 = arith.constant 0 : i32
      %dma_start3A_1517 = tpu.memref_slice %arg6[%dma_start3A_1495, %dma_start3A_1515, %dma_start3A_1516] : memref<7x128x128xf32, #tpu.memory_space<vmem>> -> memref<1x128x128xf32, #tpu.memory_space<vmem>>
      %dma_start3A_1518 = tpu.memref_squeeze %dma_start3A_1517 : memref<1x128x128xf32, #tpu.memory_space<vmem>> -> memref<128x128xf32, #tpu.memory_space<vmem>>
      tpu.enqueue_dma source(%dma_start3A_1518 : memref<128x128xf32, #tpu.memory_space<vmem>>) target(%dma_start3A_1514 : memref<128x128xf32, #tpu.memory_space<hbm>>) target_semaphore(%dma_start3A_1508 : memref<!tpu.dma_semaphore, #tpu.memory_space<semaphore_mem>>)
      %dma_wait3A_1519 = arith.constant 3 : i32
      %dma_wait3A_1520 = arith.constant 3 : i32
      %dma_wait3A_1521 = arith.constant 0 : i32
      %dma_wait3A_1522 = arith.constant 0 : i32
      %dma_wait3A_1523 = tpu.memref_slice %arg6[%dma_wait3A_1519, %dma_wait3A_1521, %dma_wait3A_1522] : memref<7x128x128xf32, #tpu.memory_space<vmem>> -> memref<1x128x128xf32, #tpu.memory_space<vmem>>
      %dma_wait3A_1524 = tpu.memref_squeeze %dma_wait3A_1523 : memref<1x128x128xf32, #tpu.memory_space<vmem>> -> memref<128x128xf32, #tpu.memory_space<vmem>>
      %dma_wait3A_1525 = arith.constant 0 : i32
      %dma_wait3A_1526 = arith.constant 0 : i32
      %dma_wait3A_1527 = tpu.memref_slice %arg2[%select_n3A, %dma_wait3A_1525, %dma_wait3A_1526] : memref<8x50000x128xf32, #tpu.memory_space<hbm>> -> memref<1x50000x128xf32, #tpu.memory_space<hbm>>
      %dma_wait3A_1528 = tpu.memref_squeeze %dma_wait3A_1527 : memref<1x50000x128xf32, #tpu.memory_space<hbm>> -> memref<50000x128xf32, #tpu.memory_space<hbm>>
      %dma_wait3A_1529 = arith.constant 0 : i32
      %dma_wait3A_1530 = arith.constant 0 : i32
      %dma_wait3A_1531 = tpu.memref_slice %dma_wait3A_1528[%dma_wait3A_1529, %dma_wait3A_1530] : memref<50000x128xf32, #tpu.memory_space<hbm>> -> memref<128x128xf32, #tpu.memory_space<hbm>>
      %dma_wait3A_1532 = tpu.memref_slice %arg7[%dma_wait3A_1520] : memref<7x!tpu.dma_semaphore, #tpu.memory_space<semaphore_mem>> -> memref<1x!tpu.dma_semaphore, #tpu.memory_space<semaphore_mem>>
      %dma_wait3A_1533 = tpu.memref_squeeze %dma_wait3A_1532 : memref<1x!tpu.dma_semaphore, #tpu.memory_space<semaphore_mem>> -> memref<!tpu.dma_semaphore, #tpu.memory_space<semaphore_mem>>
      %dma_wait3A_1534 = arith.constant 0 : i32
      %dma_wait3A_1535 = arith.constant 0 : i32
      %dma_wait3A_1536 = tpu.memref_slice %arg6[%dma_wait3A_1519, %dma_wait3A_1534, %dma_wait3A_1535] : memref<7x128x128xf32, #tpu.memory_space<vmem>> -> memref<1x128x128xf32, #tpu.memory_space<vmem>>
      %dma_wait3A_1537 = tpu.memref_squeeze %dma_wait3A_1536 : memref<1x128x128xf32, #tpu.memory_space<vmem>> -> memref<128x128xf32, #tpu.memory_space<vmem>>
      %dma_wait3A_1538 = arith.constant 0 : i32
      %dma_wait3A_1539 = arith.constant 0 : i32
      %dma_wait3A_1540 = tpu.memref_slice %arg2[%select_n3A, %dma_wait3A_1538, %dma_wait3A_1539] : memref<8x50000x128xf32, #tpu.memory_space<hbm>> -> memref<1x50000x128xf32, #tpu.memory_space<hbm>>
      %dma_wait3A_1541 = tpu.memref_squeeze %dma_wait3A_1540 : memref<1x50000x128xf32, #tpu.memory_space<hbm>> -> memref<50000x128xf32, #tpu.memory_space<hbm>>
      %dma_wait3A_1542 = arith.constant 0 : i32
      %dma_wait3A_1543 = arith.constant 0 : i32
      %dma_wait3A_1544 = tpu.memref_slice %dma_wait3A_1541[%dma_wait3A_1542, %dma_wait3A_1543] : memref<50000x128xf32, #tpu.memory_space<hbm>> -> memref<128x128xf32, #tpu.memory_space<hbm>>
      tpu.wait_dma2 semaphore(%dma_wait3A_1533 : memref<!tpu.dma_semaphore, #tpu.memory_space<semaphore_mem>>) src(%dma_wait3A_1544 : memref<128x128xf32, #tpu.memory_space<hbm>>) dst(%dma_wait3A_1537 : memref<128x128xf32, #tpu.memory_space<vmem>>)
      %mul3A_1545 = arith.constant 7 : i32
      %mul3A_1546 = arith.muli %mul3A_1545, %scan3A_1347 : i32
      %add3A_1547 = arith.constant 3 : i32
      %add3A_1548 = arith.addi %mul3A_1546, %add3A_1547 : i32
      %mul3A_1549 = arith.constant 128 : i32
      %mul3A_1550 = arith.muli %add3A_1548, %mul3A_1549 : i32
      %add3A_1551 = arith.addi %mul3A_32, %mul3A_1550 : i32
      %dma_start3A_1552 = arith.constant 3 : i32
      %dma_start3A_1553 = arith.constant 3 : i32
      %dma_start3A_1554 = arith.constant 0 : i32
      %dma_start3A_1555 = arith.constant 0 : i32
      %dma_start3A_1556 = tpu.memref_slice %arg6[%dma_start3A_1552, %dma_start3A_1554, %dma_start3A_1555] : memref<7x128x128xf32, #tpu.memory_space<vmem>> -> memref<1x128x128xf32, #tpu.memory_space<vmem>>
      %dma_start3A_1557 = tpu.memref_squeeze %dma_start3A_1556 : memref<1x128x128xf32, #tpu.memory_space<vmem>> -> memref<128x128xf32, #tpu.memory_space<vmem>>
      %dma_start3A_1558 = arith.constant 0 : i32
      %dma_start3A_1559 = arith.constant 0 : i32
      %dma_start3A_1560 = tpu.memref_slice %arg4[%select_n3A, %dma_start3A_1558, %dma_start3A_1559] : memref<8x25000x128xf32, #tpu.memory_space<hbm>> -> memref<1x25000x128xf32, #tpu.memory_space<hbm>>
      %dma_start3A_1561 = tpu.memref_squeeze %dma_start3A_1560 : memref<1x25000x128xf32, #tpu.memory_space<hbm>> -> memref<25000x128xf32, #tpu.memory_space<hbm>>
      %dma_start3A_1562 = arith.constant 0 : i32
      %dma_start3A_1563 = tpu.memref_slice %dma_start3A_1561[%add3A_1551, %dma_start3A_1562] : memref<25000x128xf32, #tpu.memory_space<hbm>> -> memref<128x128xf32, #tpu.memory_space<hbm>>
      %dma_start3A_1564 = tpu.memref_slice %arg8[%dma_start3A_1553] : memref<7x!tpu.dma_semaphore, #tpu.memory_space<semaphore_mem>> -> memref<1x!tpu.dma_semaphore, #tpu.memory_space<semaphore_mem>>
      %dma_start3A_1565 = tpu.memref_squeeze %dma_start3A_1564 : memref<1x!tpu.dma_semaphore, #tpu.memory_space<semaphore_mem>> -> memref<!tpu.dma_semaphore, #tpu.memory_space<semaphore_mem>>
      %dma_start3A_1566 = arith.constant 0 : i32
      %dma_start3A_1567 = arith.constant 0 : i32
      %dma_start3A_1568 = tpu.memref_slice %arg4[%select_n3A, %dma_start3A_1566, %dma_start3A_1567] : memref<8x25000x128xf32, #tpu.memory_space<hbm>> -> memref<1x25000x128xf32, #tpu.memory_space<hbm>>
      %dma_start3A_1569 = tpu.memref_squeeze %dma_start3A_1568 : memref<1x25000x128xf32, #tpu.memory_space<hbm>> -> memref<25000x128xf32, #tpu.memory_space<hbm>>
      %dma_start3A_1570 = arith.constant 0 : i32
      %dma_start3A_1571 = tpu.memref_slice %dma_start3A_1569[%add3A_1551, %dma_start3A_1570] : memref<25000x128xf32, #tpu.memory_space<hbm>> -> memref<128x128xf32, #tpu.memory_space<hbm>>
      %dma_start3A_1572 = arith.constant 0 : i32
      %dma_start3A_1573 = arith.constant 0 : i32
      %dma_start3A_1574 = tpu.memref_slice %arg6[%dma_start3A_1552, %dma_start3A_1572, %dma_start3A_1573] : memref<7x128x128xf32, #tpu.memory_space<vmem>> -> memref<1x128x128xf32, #tpu.memory_space<vmem>>
      %dma_start3A_1575 = tpu.memref_squeeze %dma_start3A_1574 : memref<1x128x128xf32, #tpu.memory_space<vmem>> -> memref<128x128xf32, #tpu.memory_space<vmem>>
      tpu.enqueue_dma source(%dma_start3A_1575 : memref<128x128xf32, #tpu.memory_space<vmem>>) target(%dma_start3A_1571 : memref<128x128xf32, #tpu.memory_space<hbm>>) target_semaphore(%dma_start3A_1565 : memref<!tpu.dma_semaphore, #tpu.memory_space<semaphore_mem>>)
      %dma_wait3A_1576 = arith.constant 4 : i32
      %dma_wait3A_1577 = arith.constant 4 : i32
      %dma_wait3A_1578 = arith.constant 0 : i32
      %dma_wait3A_1579 = arith.constant 0 : i32
      %dma_wait3A_1580 = tpu.memref_slice %arg6[%dma_wait3A_1576, %dma_wait3A_1578, %dma_wait3A_1579] : memref<7x128x128xf32, #tpu.memory_space<vmem>> -> memref<1x128x128xf32, #tpu.memory_space<vmem>>
      %dma_wait3A_1581 = tpu.memref_squeeze %dma_wait3A_1580 : memref<1x128x128xf32, #tpu.memory_space<vmem>> -> memref<128x128xf32, #tpu.memory_space<vmem>>
      %dma_wait3A_1582 = arith.constant 0 : i32
      %dma_wait3A_1583 = arith.constant 0 : i32
      %dma_wait3A_1584 = tpu.memref_slice %arg2[%select_n3A, %dma_wait3A_1582, %dma_wait3A_1583] : memref<8x50000x128xf32, #tpu.memory_space<hbm>> -> memref<1x50000x128xf32, #tpu.memory_space<hbm>>
      %dma_wait3A_1585 = tpu.memref_squeeze %dma_wait3A_1584 : memref<1x50000x128xf32, #tpu.memory_space<hbm>> -> memref<50000x128xf32, #tpu.memory_space<hbm>>
      %dma_wait3A_1586 = arith.constant 0 : i32
      %dma_wait3A_1587 = arith.constant 0 : i32
      %dma_wait3A_1588 = tpu.memref_slice %dma_wait3A_1585[%dma_wait3A_1586, %dma_wait3A_1587] : memref<50000x128xf32, #tpu.memory_space<hbm>> -> memref<128x128xf32, #tpu.memory_space<hbm>>
      %dma_wait3A_1589 = tpu.memref_slice %arg7[%dma_wait3A_1577] : memref<7x!tpu.dma_semaphore, #tpu.memory_space<semaphore_mem>> -> memref<1x!tpu.dma_semaphore, #tpu.memory_space<semaphore_mem>>
      %dma_wait3A_1590 = tpu.memref_squeeze %dma_wait3A_1589 : memref<1x!tpu.dma_semaphore, #tpu.memory_space<semaphore_mem>> -> memref<!tpu.dma_semaphore, #tpu.memory_space<semaphore_mem>>
      %dma_wait3A_1591 = arith.constant 0 : i32
      %dma_wait3A_1592 = arith.constant 0 : i32
      %dma_wait3A_1593 = tpu.memref_slice %arg6[%dma_wait3A_1576, %dma_wait3A_1591, %dma_wait3A_1592] : memref<7x128x128xf32, #tpu.memory_space<vmem>> -> memref<1x128x128xf32, #tpu.memory_space<vmem>>
      %dma_wait3A_1594 = tpu.memref_squeeze %dma_wait3A_1593 : memref<1x128x128xf32, #tpu.memory_space<vmem>> -> memref<128x128xf32, #tpu.memory_space<vmem>>
      %dma_wait3A_1595 = arith.constant 0 : i32
      %dma_wait3A_1596 = arith.constant 0 : i32
      %dma_wait3A_1597 = tpu.memref_slice %arg2[%select_n3A, %dma_wait3A_1595, %dma_wait3A_1596] : memref<8x50000x128xf32, #tpu.memory_space<hbm>> -> memref<1x50000x128xf32, #tpu.memory_space<hbm>>
      %dma_wait3A_1598 = tpu.memref_squeeze %dma_wait3A_1597 : memref<1x50000x128xf32, #tpu.memory_space<hbm>> -> memref<50000x128xf32, #tpu.memory_space<hbm>>
      %dma_wait3A_1599 = arith.constant 0 : i32
      %dma_wait3A_1600 = arith.constant 0 : i32
      %dma_wait3A_1601 = tpu.memref_slice %dma_wait3A_1598[%dma_wait3A_1599, %dma_wait3A_1600] : memref<50000x128xf32, #tpu.memory_space<hbm>> -> memref<128x128xf32, #tpu.memory_space<hbm>>
      tpu.wait_dma2 semaphore(%dma_wait3A_1590 : memref<!tpu.dma_semaphore, #tpu.memory_space<semaphore_mem>>) src(%dma_wait3A_1601 : memref<128x128xf32, #tpu.memory_space<hbm>>) dst(%dma_wait3A_1594 : memref<128x128xf32, #tpu.memory_space<vmem>>)
      %mul3A_1602 = arith.constant 7 : i32
      %mul3A_1603 = arith.muli %mul3A_1602, %scan3A_1347 : i32
      %add3A_1604 = arith.constant 4 : i32
      %add3A_1605 = arith.addi %mul3A_1603, %add3A_1604 : i32
      %mul3A_1606 = arith.constant 128 : i32
      %mul3A_1607 = arith.muli %add3A_1605, %mul3A_1606 : i32
      %add3A_1608 = arith.addi %mul3A_32, %mul3A_1607 : i32
      %dma_start3A_1609 = arith.constant 4 : i32
      %dma_start3A_1610 = arith.constant 4 : i32
      %dma_start3A_1611 = arith.constant 0 : i32
      %dma_start3A_1612 = arith.constant 0 : i32
      %dma_start3A_1613 = tpu.memref_slice %arg6[%dma_start3A_1609, %dma_start3A_1611, %dma_start3A_1612] : memref<7x128x128xf32, #tpu.memory_space<vmem>> -> memref<1x128x128xf32, #tpu.memory_space<vmem>>
      %dma_start3A_1614 = tpu.memref_squeeze %dma_start3A_1613 : memref<1x128x128xf32, #tpu.memory_space<vmem>> -> memref<128x128xf32, #tpu.memory_space<vmem>>
      %dma_start3A_1615 = arith.constant 0 : i32
      %dma_start3A_1616 = arith.constant 0 : i32
      %dma_start3A_1617 = tpu.memref_slice %arg4[%select_n3A, %dma_start3A_1615, %dma_start3A_1616] : memref<8x25000x128xf32, #tpu.memory_space<hbm>> -> memref<1x25000x128xf32, #tpu.memory_space<hbm>>
      %dma_start3A_1618 = tpu.memref_squeeze %dma_start3A_1617 : memref<1x25000x128xf32, #tpu.memory_space<hbm>> -> memref<25000x128xf32, #tpu.memory_space<hbm>>
      %dma_start3A_1619 = arith.constant 0 : i32
      %dma_start3A_1620 = tpu.memref_slice %dma_start3A_1618[%add3A_1608, %dma_start3A_1619] : memref<25000x128xf32, #tpu.memory_space<hbm>> -> memref<128x128xf32, #tpu.memory_space<hbm>>
      %dma_start3A_1621 = tpu.memref_slice %arg8[%dma_start3A_1610] : memref<7x!tpu.dma_semaphore, #tpu.memory_space<semaphore_mem>> -> memref<1x!tpu.dma_semaphore, #tpu.memory_space<semaphore_mem>>
      %dma_start3A_1622 = tpu.memref_squeeze %dma_start3A_1621 : memref<1x!tpu.dma_semaphore, #tpu.memory_space<semaphore_mem>> -> memref<!tpu.dma_semaphore, #tpu.memory_space<semaphore_mem>>
      %dma_start3A_1623 = arith.constant 0 : i32
      %dma_start3A_1624 = arith.constant 0 : i32
      %dma_start3A_1625 = tpu.memref_slice %arg4[%select_n3A, %dma_start3A_1623, %dma_start3A_1624] : memref<8x25000x128xf32, #tpu.memory_space<hbm>> -> memref<1x25000x128xf32, #tpu.memory_space<hbm>>
      %dma_start3A_1626 = tpu.memref_squeeze %dma_start3A_1625 : memref<1x25000x128xf32, #tpu.memory_space<hbm>> -> memref<25000x128xf32, #tpu.memory_space<hbm>>
      %dma_start3A_1627 = arith.constant 0 : i32
      %dma_start3A_1628 = tpu.memref_slice %dma_start3A_1626[%add3A_1608, %dma_start3A_1627] : memref<25000x128xf32, #tpu.memory_space<hbm>> -> memref<128x128xf32, #tpu.memory_space<hbm>>
      %dma_start3A_1629 = arith.constant 0 : i32
      %dma_start3A_1630 = arith.constant 0 : i32
      %dma_start3A_1631 = tpu.memref_slice %arg6[%dma_start3A_1609, %dma_start3A_1629, %dma_start3A_1630] : memref<7x128x128xf32, #tpu.memory_space<vmem>> -> memref<1x128x128xf32, #tpu.memory_space<vmem>>
      %dma_start3A_1632 = tpu.memref_squeeze %dma_start3A_1631 : memref<1x128x128xf32, #tpu.memory_space<vmem>> -> memref<128x128xf32, #tpu.memory_space<vmem>>
      tpu.enqueue_dma source(%dma_start3A_1632 : memref<128x128xf32, #tpu.memory_space<vmem>>) target(%dma_start3A_1628 : memref<128x128xf32, #tpu.memory_space<hbm>>) target_semaphore(%dma_start3A_1622 : memref<!tpu.dma_semaphore, #tpu.memory_space<semaphore_mem>>)
      %dma_wait3A_1633 = arith.constant 5 : i32
      %dma_wait3A_1634 = arith.constant 5 : i32
      %dma_wait3A_1635 = arith.constant 0 : i32
      %dma_wait3A_1636 = arith.constant 0 : i32
      %dma_wait3A_1637 = tpu.memref_slice %arg6[%dma_wait3A_1633, %dma_wait3A_1635, %dma_wait3A_1636] : memref<7x128x128xf32, #tpu.memory_space<vmem>> -> memref<1x128x128xf32, #tpu.memory_space<vmem>>
      %dma_wait3A_1638 = tpu.memref_squeeze %dma_wait3A_1637 : memref<1x128x128xf32, #tpu.memory_space<vmem>> -> memref<128x128xf32, #tpu.memory_space<vmem>>
      %dma_wait3A_1639 = arith.constant 0 : i32
      %dma_wait3A_1640 = arith.constant 0 : i32
      %dma_wait3A_1641 = tpu.memref_slice %arg2[%select_n3A, %dma_wait3A_1639, %dma_wait3A_1640] : memref<8x50000x128xf32, #tpu.memory_space<hbm>> -> memref<1x50000x128xf32, #tpu.memory_space<hbm>>
      %dma_wait3A_1642 = tpu.memref_squeeze %dma_wait3A_1641 : memref<1x50000x128xf32, #tpu.memory_space<hbm>> -> memref<50000x128xf32, #tpu.memory_space<hbm>>
      %dma_wait3A_1643 = arith.constant 0 : i32
      %dma_wait3A_1644 = arith.constant 0 : i32
      %dma_wait3A_1645 = tpu.memref_slice %dma_wait3A_1642[%dma_wait3A_1643, %dma_wait3A_1644] : memref<50000x128xf32, #tpu.memory_space<hbm>> -> memref<128x128xf32, #tpu.memory_space<hbm>>
      %dma_wait3A_1646 = tpu.memref_slice %arg7[%dma_wait3A_1634] : memref<7x!tpu.dma_semaphore, #tpu.memory_space<semaphore_mem>> -> memref<1x!tpu.dma_semaphore, #tpu.memory_space<semaphore_mem>>
      %dma_wait3A_1647 = tpu.memref_squeeze %dma_wait3A_1646 : memref<1x!tpu.dma_semaphore, #tpu.memory_space<semaphore_mem>> -> memref<!tpu.dma_semaphore, #tpu.memory_space<semaphore_mem>>
      %dma_wait3A_1648 = arith.constant 0 : i32
      %dma_wait3A_1649 = arith.constant 0 : i32
      %dma_wait3A_1650 = tpu.memref_slice %arg6[%dma_wait3A_1633, %dma_wait3A_1648, %dma_wait3A_1649] : memref<7x128x128xf32, #tpu.memory_space<vmem>> -> memref<1x128x128xf32, #tpu.memory_space<vmem>>
      %dma_wait3A_1651 = tpu.memref_squeeze %dma_wait3A_1650 : memref<1x128x128xf32, #tpu.memory_space<vmem>> -> memref<128x128xf32, #tpu.memory_space<vmem>>
      %dma_wait3A_1652 = arith.constant 0 : i32
      %dma_wait3A_1653 = arith.constant 0 : i32
      %dma_wait3A_1654 = tpu.memref_slice %arg2[%select_n3A, %dma_wait3A_1652, %dma_wait3A_1653] : memref<8x50000x128xf32, #tpu.memory_space<hbm>> -> memref<1x50000x128xf32, #tpu.memory_space<hbm>>
      %dma_wait3A_1655 = tpu.memref_squeeze %dma_wait3A_1654 : memref<1x50000x128xf32, #tpu.memory_space<hbm>> -> memref<50000x128xf32, #tpu.memory_space<hbm>>
      %dma_wait3A_1656 = arith.constant 0 : i32
      %dma_wait3A_1657 = arith.constant 0 : i32
      %dma_wait3A_1658 = tpu.memref_slice %dma_wait3A_1655[%dma_wait3A_1656, %dma_wait3A_1657] : memref<50000x128xf32, #tpu.memory_space<hbm>> -> memref<128x128xf32, #tpu.memory_space<hbm>>
      tpu.wait_dma2 semaphore(%dma_wait3A_1647 : memref<!tpu.dma_semaphore, #tpu.memory_space<semaphore_mem>>) src(%dma_wait3A_1658 : memref<128x128xf32, #tpu.memory_space<hbm>>) dst(%dma_wait3A_1651 : memref<128x128xf32, #tpu.memory_space<vmem>>)
      %mul3A_1659 = arith.constant 7 : i32
      %mul3A_1660 = arith.muli %mul3A_1659, %scan3A_1347 : i32
      %add3A_1661 = arith.constant 5 : i32
      %add3A_1662 = arith.addi %mul3A_1660, %add3A_1661 : i32
      %mul3A_1663 = arith.constant 128 : i32
      %mul3A_1664 = arith.muli %add3A_1662, %mul3A_1663 : i32
      %add3A_1665 = arith.addi %mul3A_32, %mul3A_1664 : i32
      %dma_start3A_1666 = arith.constant 5 : i32
      %dma_start3A_1667 = arith.constant 5 : i32
      %dma_start3A_1668 = arith.constant 0 : i32
      %dma_start3A_1669 = arith.constant 0 : i32
      %dma_start3A_1670 = tpu.memref_slice %arg6[%dma_start3A_1666, %dma_start3A_1668, %dma_start3A_1669] : memref<7x128x128xf32, #tpu.memory_space<vmem>> -> memref<1x128x128xf32, #tpu.memory_space<vmem>>
      %dma_start3A_1671 = tpu.memref_squeeze %dma_start3A_1670 : memref<1x128x128xf32, #tpu.memory_space<vmem>> -> memref<128x128xf32, #tpu.memory_space<vmem>>
      %dma_start3A_1672 = arith.constant 0 : i32
      %dma_start3A_1673 = arith.constant 0 : i32
      %dma_start3A_1674 = tpu.memref_slice %arg4[%select_n3A, %dma_start3A_1672, %dma_start3A_1673] : memref<8x25000x128xf32, #tpu.memory_space<hbm>> -> memref<1x25000x128xf32, #tpu.memory_space<hbm>>
      %dma_start3A_1675 = tpu.memref_squeeze %dma_start3A_1674 : memref<1x25000x128xf32, #tpu.memory_space<hbm>> -> memref<25000x128xf32, #tpu.memory_space<hbm>>
      %dma_start3A_1676 = arith.constant 0 : i32
      %dma_start3A_1677 = tpu.memref_slice %dma_start3A_1675[%add3A_1665, %dma_start3A_1676] : memref<25000x128xf32, #tpu.memory_space<hbm>> -> memref<128x128xf32, #tpu.memory_space<hbm>>
      %dma_start3A_1678 = tpu.memref_slice %arg8[%dma_start3A_1667] : memref<7x!tpu.dma_semaphore, #tpu.memory_space<semaphore_mem>> -> memref<1x!tpu.dma_semaphore, #tpu.memory_space<semaphore_mem>>
      %dma_start3A_1679 = tpu.memref_squeeze %dma_start3A_1678 : memref<1x!tpu.dma_semaphore, #tpu.memory_space<semaphore_mem>> -> memref<!tpu.dma_semaphore, #tpu.memory_space<semaphore_mem>>
      %dma_start3A_1680 = arith.constant 0 : i32
      %dma_start3A_1681 = arith.constant 0 : i32
      %dma_start3A_1682 = tpu.memref_slice %arg4[%select_n3A, %dma_start3A_1680, %dma_start3A_1681] : memref<8x25000x128xf32, #tpu.memory_space<hbm>> -> memref<1x25000x128xf32, #tpu.memory_space<hbm>>
      %dma_start3A_1683 = tpu.memref_squeeze %dma_start3A_1682 : memref<1x25000x128xf32, #tpu.memory_space<hbm>> -> memref<25000x128xf32, #tpu.memory_space<hbm>>
      %dma_start3A_1684 = arith.constant 0 : i32
      %dma_start3A_1685 = tpu.memref_slice %dma_start3A_1683[%add3A_1665, %dma_start3A_1684] : memref<25000x128xf32, #tpu.memory_space<hbm>> -> memref<128x128xf32, #tpu.memory_space<hbm>>
      %dma_start3A_1686 = arith.constant 0 : i32
      %dma_start3A_1687 = arith.constant 0 : i32
      %dma_start3A_1688 = tpu.memref_slice %arg6[%dma_start3A_1666, %dma_start3A_1686, %dma_start3A_1687] : memref<7x128x128xf32, #tpu.memory_space<vmem>> -> memref<1x128x128xf32, #tpu.memory_space<vmem>>
      %dma_start3A_1689 = tpu.memref_squeeze %dma_start3A_1688 : memref<1x128x128xf32, #tpu.memory_space<vmem>> -> memref<128x128xf32, #tpu.memory_space<vmem>>
      tpu.enqueue_dma source(%dma_start3A_1689 : memref<128x128xf32, #tpu.memory_space<vmem>>) target(%dma_start3A_1685 : memref<128x128xf32, #tpu.memory_space<hbm>>) target_semaphore(%dma_start3A_1679 : memref<!tpu.dma_semaphore, #tpu.memory_space<semaphore_mem>>)
      %dma_wait3A_1690 = arith.constant 6 : i32
      %dma_wait3A_1691 = arith.constant 6 : i32
      %dma_wait3A_1692 = arith.constant 0 : i32
      %dma_wait3A_1693 = arith.constant 0 : i32
      %dma_wait3A_1694 = tpu.memref_slice %arg6[%dma_wait3A_1690, %dma_wait3A_1692, %dma_wait3A_1693] : memref<7x128x128xf32, #tpu.memory_space<vmem>> -> memref<1x128x128xf32, #tpu.memory_space<vmem>>
      %dma_wait3A_1695 = tpu.memref_squeeze %dma_wait3A_1694 : memref<1x128x128xf32, #tpu.memory_space<vmem>> -> memref<128x128xf32, #tpu.memory_space<vmem>>
      %dma_wait3A_1696 = arith.constant 0 : i32
      %dma_wait3A_1697 = arith.constant 0 : i32
      %dma_wait3A_1698 = tpu.memref_slice %arg2[%select_n3A, %dma_wait3A_1696, %dma_wait3A_1697] : memref<8x50000x128xf32, #tpu.memory_space<hbm>> -> memref<1x50000x128xf32, #tpu.memory_space<hbm>>
      %dma_wait3A_1699 = tpu.memref_squeeze %dma_wait3A_1698 : memref<1x50000x128xf32, #tpu.memory_space<hbm>> -> memref<50000x128xf32, #tpu.memory_space<hbm>>
      %dma_wait3A_1700 = arith.constant 0 : i32
      %dma_wait3A_1701 = arith.constant 0 : i32
      %dma_wait3A_1702 = tpu.memref_slice %dma_wait3A_1699[%dma_wait3A_1700, %dma_wait3A_1701] : memref<50000x128xf32, #tpu.memory_space<hbm>> -> memref<128x128xf32, #tpu.memory_space<hbm>>
      %dma_wait3A_1703 = tpu.memref_slice %arg7[%dma_wait3A_1691] : memref<7x!tpu.dma_semaphore, #tpu.memory_space<semaphore_mem>> -> memref<1x!tpu.dma_semaphore, #tpu.memory_space<semaphore_mem>>
      %dma_wait3A_1704 = tpu.memref_squeeze %dma_wait3A_1703 : memref<1x!tpu.dma_semaphore, #tpu.memory_space<semaphore_mem>> -> memref<!tpu.dma_semaphore, #tpu.memory_space<semaphore_mem>>
      %dma_wait3A_1705 = arith.constant 0 : i32
      %dma_wait3A_1706 = arith.constant 0 : i32
      %dma_wait3A_1707 = tpu.memref_slice %arg6[%dma_wait3A_1690, %dma_wait3A_1705, %dma_wait3A_1706] : memref<7x128x128xf32, #tpu.memory_space<vmem>> -> memref<1x128x128xf32, #tpu.memory_space<vmem>>
      %dma_wait3A_1708 = tpu.memref_squeeze %dma_wait3A_1707 : memref<1x128x128xf32, #tpu.memory_space<vmem>> -> memref<128x128xf32, #tpu.memory_space<vmem>>
      %dma_wait3A_1709 = arith.constant 0 : i32
      %dma_wait3A_1710 = arith.constant 0 : i32
      %dma_wait3A_1711 = tpu.memref_slice %arg2[%select_n3A, %dma_wait3A_1709, %dma_wait3A_1710] : memref<8x50000x128xf32, #tpu.memory_space<hbm>> -> memref<1x50000x128xf32, #tpu.memory_space<hbm>>
      %dma_wait3A_1712 = tpu.memref_squeeze %dma_wait3A_1711 : memref<1x50000x128xf32, #tpu.memory_space<hbm>> -> memref<50000x128xf32, #tpu.memory_space<hbm>>
      %dma_wait3A_1713 = arith.constant 0 : i32
      %dma_wait3A_1714 = arith.constant 0 : i32
      %dma_wait3A_1715 = tpu.memref_slice %dma_wait3A_1712[%dma_wait3A_1713, %dma_wait3A_1714] : memref<50000x128xf32, #tpu.memory_space<hbm>> -> memref<128x128xf32, #tpu.memory_space<hbm>>
      tpu.wait_dma2 semaphore(%dma_wait3A_1704 : memref<!tpu.dma_semaphore, #tpu.memory_space<semaphore_mem>>) src(%dma_wait3A_1715 : memref<128x128xf32, #tpu.memory_space<hbm>>) dst(%dma_wait3A_1708 : memref<128x128xf32, #tpu.memory_space<vmem>>)
      %mul3A_1716 = arith.constant 7 : i32
      %mul3A_1717 = arith.muli %mul3A_1716, %scan3A_1347 : i32
      %add3A_1718 = arith.constant 6 : i32
      %add3A_1719 = arith.addi %mul3A_1717, %add3A_1718 : i32
      %mul3A_1720 = arith.constant 128 : i32
      %mul3A_1721 = arith.muli %add3A_1719, %mul3A_1720 : i32
      %add3A_1722 = arith.addi %mul3A_32, %mul3A_1721 : i32
      %dma_start3A_1723 = arith.constant 6 : i32
      %dma_start3A_1724 = arith.constant 6 : i32
      %dma_start3A_1725 = arith.constant 0 : i32
      %dma_start3A_1726 = arith.constant 0 : i32
      %dma_start3A_1727 = tpu.memref_slice %arg6[%dma_start3A_1723, %dma_start3A_1725, %dma_start3A_1726] : memref<7x128x128xf32, #tpu.memory_space<vmem>> -> memref<1x128x128xf32, #tpu.memory_space<vmem>>
      %dma_start3A_1728 = tpu.memref_squeeze %dma_start3A_1727 : memref<1x128x128xf32, #tpu.memory_space<vmem>> -> memref<128x128xf32, #tpu.memory_space<vmem>>
      %dma_start3A_1729 = arith.constant 0 : i32
      %dma_start3A_1730 = arith.constant 0 : i32
      %dma_start3A_1731 = tpu.memref_slice %arg4[%select_n3A, %dma_start3A_1729, %dma_start3A_1730] : memref<8x25000x128xf32, #tpu.memory_space<hbm>> -> memref<1x25000x128xf32, #tpu.memory_space<hbm>>
      %dma_start3A_1732 = tpu.memref_squeeze %dma_start3A_1731 : memref<1x25000x128xf32, #tpu.memory_space<hbm>> -> memref<25000x128xf32, #tpu.memory_space<hbm>>
      %dma_start3A_1733 = arith.constant 0 : i32
      %dma_start3A_1734 = tpu.memref_slice %dma_start3A_1732[%add3A_1722, %dma_start3A_1733] : memref<25000x128xf32, #tpu.memory_space<hbm>> -> memref<128x128xf32, #tpu.memory_space<hbm>>
      %dma_start3A_1735 = tpu.memref_slice %arg8[%dma_start3A_1724] : memref<7x!tpu.dma_semaphore, #tpu.memory_space<semaphore_mem>> -> memref<1x!tpu.dma_semaphore, #tpu.memory_space<semaphore_mem>>
      %dma_start3A_1736 = tpu.memref_squeeze %dma_start3A_1735 : memref<1x!tpu.dma_semaphore, #tpu.memory_space<semaphore_mem>> -> memref<!tpu.dma_semaphore, #tpu.memory_space<semaphore_mem>>
      %dma_start3A_1737 = arith.constant 0 : i32
      %dma_start3A_1738 = arith.constant 0 : i32
      %dma_start3A_1739 = tpu.memref_slice %arg4[%select_n3A, %dma_start3A_1737, %dma_start3A_1738] : memref<8x25000x128xf32, #tpu.memory_space<hbm>> -> memref<1x25000x128xf32, #tpu.memory_space<hbm>>
      %dma_start3A_1740 = tpu.memref_squeeze %dma_start3A_1739 : memref<1x25000x128xf32, #tpu.memory_space<hbm>> -> memref<25000x128xf32, #tpu.memory_space<hbm>>
      %dma_start3A_1741 = arith.constant 0 : i32
      %dma_start3A_1742 = tpu.memref_slice %dma_start3A_1740[%add3A_1722, %dma_start3A_1741] : memref<25000x128xf32, #tpu.memory_space<hbm>> -> memref<128x128xf32, #tpu.memory_space<hbm>>
      %dma_start3A_1743 = arith.constant 0 : i32
      %dma_start3A_1744 = arith.constant 0 : i32
      %dma_start3A_1745 = tpu.memref_slice %arg6[%dma_start3A_1723, %dma_start3A_1743, %dma_start3A_1744] : memref<7x128x128xf32, #tpu.memory_space<vmem>> -> memref<1x128x128xf32, #tpu.memory_space<vmem>>
      %dma_start3A_1746 = tpu.memref_squeeze %dma_start3A_1745 : memref<1x128x128xf32, #tpu.memory_space<vmem>> -> memref<128x128xf32, #tpu.memory_space<vmem>>
      tpu.enqueue_dma source(%dma_start3A_1746 : memref<128x128xf32, #tpu.memory_space<vmem>>) target(%dma_start3A_1742 : memref<128x128xf32, #tpu.memory_space<hbm>>) target_semaphore(%dma_start3A_1736 : memref<!tpu.dma_semaphore, #tpu.memory_space<semaphore_mem>>)
      %dma_wait3A_1747 = arith.constant 0 : i32
      %dma_wait3A_1748 = arith.constant 0 : i32
      %dma_wait3A_1749 = arith.constant 0 : i32
      %dma_wait3A_1750 = arith.constant 0 : i32
      %dma_wait3A_1751 = tpu.memref_slice %arg6[%dma_wait3A_1747, %dma_wait3A_1749, %dma_wait3A_1750] : memref<7x128x128xf32, #tpu.memory_space<vmem>> -> memref<1x128x128xf32, #tpu.memory_space<vmem>>
      %dma_wait3A_1752 = tpu.memref_squeeze %dma_wait3A_1751 : memref<1x128x128xf32, #tpu.memory_space<vmem>> -> memref<128x128xf32, #tpu.memory_space<vmem>>
      %dma_wait3A_1753 = arith.constant 0 : i32
      %dma_wait3A_1754 = arith.constant 0 : i32
      %dma_wait3A_1755 = tpu.memref_slice %arg2[%select_n3A, %dma_wait3A_1753, %dma_wait3A_1754] : memref<8x50000x128xf32, #tpu.memory_space<hbm>> -> memref<1x50000x128xf32, #tpu.memory_space<hbm>>
      %dma_wait3A_1756 = tpu.memref_squeeze %dma_wait3A_1755 : memref<1x50000x128xf32, #tpu.memory_space<hbm>> -> memref<50000x128xf32, #tpu.memory_space<hbm>>
      %dma_wait3A_1757 = arith.constant 0 : i32
      %dma_wait3A_1758 = arith.constant 0 : i32
      %dma_wait3A_1759 = tpu.memref_slice %dma_wait3A_1756[%dma_wait3A_1757, %dma_wait3A_1758] : memref<50000x128xf32, #tpu.memory_space<hbm>> -> memref<128x128xf32, #tpu.memory_space<hbm>>
      %dma_wait3A_1760 = tpu.memref_slice %arg8[%dma_wait3A_1748] : memref<7x!tpu.dma_semaphore, #tpu.memory_space<semaphore_mem>> -> memref<1x!tpu.dma_semaphore, #tpu.memory_space<semaphore_mem>>
      %dma_wait3A_1761 = tpu.memref_squeeze %dma_wait3A_1760 : memref<1x!tpu.dma_semaphore, #tpu.memory_space<semaphore_mem>> -> memref<!tpu.dma_semaphore, #tpu.memory_space<semaphore_mem>>
      %dma_wait3A_1762 = arith.constant 0 : i32
      %dma_wait3A_1763 = arith.constant 0 : i32
      %dma_wait3A_1764 = tpu.memref_slice %arg6[%dma_wait3A_1747, %dma_wait3A_1762, %dma_wait3A_1763] : memref<7x128x128xf32, #tpu.memory_space<vmem>> -> memref<1x128x128xf32, #tpu.memory_space<vmem>>
      %dma_wait3A_1765 = tpu.memref_squeeze %dma_wait3A_1764 : memref<1x128x128xf32, #tpu.memory_space<vmem>> -> memref<128x128xf32, #tpu.memory_space<vmem>>
      %dma_wait3A_1766 = arith.constant 0 : i32
      %dma_wait3A_1767 = arith.constant 0 : i32
      %dma_wait3A_1768 = tpu.memref_slice %arg2[%select_n3A, %dma_wait3A_1766, %dma_wait3A_1767] : memref<8x50000x128xf32, #tpu.memory_space<hbm>> -> memref<1x50000x128xf32, #tpu.memory_space<hbm>>
      %dma_wait3A_1769 = tpu.memref_squeeze %dma_wait3A_1768 : memref<1x50000x128xf32, #tpu.memory_space<hbm>> -> memref<50000x128xf32, #tpu.memory_space<hbm>>
      %dma_wait3A_1770 = arith.constant 0 : i32
      %dma_wait3A_1771 = arith.constant 0 : i32
      %dma_wait3A_1772 = tpu.memref_slice %dma_wait3A_1769[%dma_wait3A_1770, %dma_wait3A_1771] : memref<50000x128xf32, #tpu.memory_space<hbm>> -> memref<128x128xf32, #tpu.memory_space<hbm>>
      tpu.wait_dma2 semaphore(%dma_wait3A_1761 : memref<!tpu.dma_semaphore, #tpu.memory_space<semaphore_mem>>) src(%dma_wait3A_1772 : memref<128x128xf32, #tpu.memory_space<hbm>>) dst(%dma_wait3A_1765 : memref<128x128xf32, #tpu.memory_space<vmem>>)
      %mul3A_1773 = arith.constant 7 : i32
      %mul3A_1774 = arith.muli %mul3A_1773, %scan3A_1347 : i32
      %add3A_1775 = arith.constant 0 : i32
      %add3A_1776 = arith.addi %mul3A_1774, %add3A_1775 : i32
      %add3A_1777 = arith.constant 7 : i32
      %add3A_1778 = arith.addi %add3A_1776, %add3A_1777 : i32
      %mul3A_1779 = arith.constant 128 : i32
      %mul3A_1780 = arith.muli %add3A_1778, %mul3A_1779 : i32
      %add3A_1781 = arith.addi %select_n3A_43, %mul3A_1780 : i32
      %dma_start3A_1782 = arith.constant 0 : i32
      %dma_start3A_1783 = arith.constant 0 : i32
      %dma_start3A_1784 = arith.constant 0 : i32
      %dma_start3A_1785 = arith.constant 0 : i32
      %dma_start3A_1786 = tpu.memref_slice %arg6[%dma_start3A_1782, %dma_start3A_1784, %dma_start3A_1785] : memref<7x128x128xf32, #tpu.memory_space<vmem>> -> memref<1x128x128xf32, #tpu.memory_space<vmem>>
      %dma_start3A_1787 = tpu.memref_squeeze %dma_start3A_1786 : memref<1x128x128xf32, #tpu.memory_space<vmem>> -> memref<128x128xf32, #tpu.memory_space<vmem>>
      %dma_start3A_1788 = tpu.memref_slice %arg5[%add3A_1781] : memref<6272xi32, #tpu.memory_space<vmem>> -> memref<128xi32, #tpu.memory_space<vmem>>
      %dma_start3A_1789 = arith.constant 0 : i32
      %dma_start3A_1790 = arith.constant 0 : i32
      %dma_start3A_1791 = tpu.memref_slice %arg2[%select_n3A, %dma_start3A_1789, %dma_start3A_1790] : memref<8x50000x128xf32, #tpu.memory_space<hbm>> -> memref<1x50000x128xf32, #tpu.memory_space<hbm>>
      %dma_start3A_1792 = tpu.memref_squeeze %dma_start3A_1791 : memref<1x50000x128xf32, #tpu.memory_space<hbm>> -> memref<50000x128xf32, #tpu.memory_space<hbm>>
      %dma_start3A_1793 = arith.constant 0 : i32
      %dma_start3A_1794 = arith.constant 0 : i32
      %dma_start3A_1795 = tpu.memref_slice %dma_start3A_1792[%dma_start3A_1793, %dma_start3A_1794] : memref<50000x128xf32, #tpu.memory_space<hbm>> -> memref<50000x128xf32, #tpu.memory_space<hbm>>
      %dma_start3A_1796 = tpu.memref_slice %arg7[%dma_start3A_1783] : memref<7x!tpu.dma_semaphore, #tpu.memory_space<semaphore_mem>> -> memref<1x!tpu.dma_semaphore, #tpu.memory_space<semaphore_mem>>
      %dma_start3A_1797 = tpu.memref_squeeze %dma_start3A_1796 : memref<1x!tpu.dma_semaphore, #tpu.memory_space<semaphore_mem>> -> memref<!tpu.dma_semaphore, #tpu.memory_space<semaphore_mem>>
      tpu.enqueue_indirect_dma source(%dma_start3A_1795 : memref<50000x128xf32, #tpu.memory_space<hbm>>) target(%dma_start3A_1787 : memref<128x128xf32, #tpu.memory_space<vmem>>) offsets(%dma_start3A_1788 : memref<128xi32, #tpu.memory_space<vmem>>) semaphore(%dma_start3A_1797 : memref<!tpu.dma_semaphore, #tpu.memory_space<semaphore_mem>>)
      %dma_wait3A_1798 = arith.constant 1 : i32
      %dma_wait3A_1799 = arith.constant 1 : i32
      %dma_wait3A_1800 = arith.constant 0 : i32
      %dma_wait3A_1801 = arith.constant 0 : i32
      %dma_wait3A_1802 = tpu.memref_slice %arg6[%dma_wait3A_1798, %dma_wait3A_1800, %dma_wait3A_1801] : memref<7x128x128xf32, #tpu.memory_space<vmem>> -> memref<1x128x128xf32, #tpu.memory_space<vmem>>
      %dma_wait3A_1803 = tpu.memref_squeeze %dma_wait3A_1802 : memref<1x128x128xf32, #tpu.memory_space<vmem>> -> memref<128x128xf32, #tpu.memory_space<vmem>>
      %dma_wait3A_1804 = arith.constant 0 : i32
      %dma_wait3A_1805 = arith.constant 0 : i32
      %dma_wait3A_1806 = tpu.memref_slice %arg2[%select_n3A, %dma_wait3A_1804, %dma_wait3A_1805] : memref<8x50000x128xf32, #tpu.memory_space<hbm>> -> memref<1x50000x128xf32, #tpu.memory_space<hbm>>
      %dma_wait3A_1807 = tpu.memref_squeeze %dma_wait3A_1806 : memref<1x50000x128xf32, #tpu.memory_space<hbm>> -> memref<50000x128xf32, #tpu.memory_space<hbm>>
      %dma_wait3A_1808 = arith.constant 0 : i32
      %dma_wait3A_1809 = arith.constant 0 : i32
      %dma_wait3A_1810 = tpu.memref_slice %dma_wait3A_1807[%dma_wait3A_1808, %dma_wait3A_1809] : memref<50000x128xf32, #tpu.memory_space<hbm>> -> memref<128x128xf32, #tpu.memory_space<hbm>>
      %dma_wait3A_1811 = tpu.memref_slice %arg8[%dma_wait3A_1799] : memref<7x!tpu.dma_semaphore, #tpu.memory_space<semaphore_mem>> -> memref<1x!tpu.dma_semaphore, #tpu.memory_space<semaphore_mem>>
      %dma_wait3A_1812 = tpu.memref_squeeze %dma_wait3A_1811 : memref<1x!tpu.dma_semaphore, #tpu.memory_space<semaphore_mem>> -> memref<!tpu.dma_semaphore, #tpu.memory_space<semaphore_mem>>
      %dma_wait3A_1813 = arith.constant 0 : i32
      %dma_wait3A_1814 = arith.constant 0 : i32
      %dma_wait3A_1815 = tpu.memref_slice %arg6[%dma_wait3A_1798, %dma_wait3A_1813, %dma_wait3A_1814] : memref<7x128x128xf32, #tpu.memory_space<vmem>> -> memref<1x128x128xf32, #tpu.memory_space<vmem>>
      %dma_wait3A_1816 = tpu.memref_squeeze %dma_wait3A_1815 : memref<1x128x128xf32, #tpu.memory_space<vmem>> -> memref<128x128xf32, #tpu.memory_space<vmem>>
      %dma_wait3A_1817 = arith.constant 0 : i32
      %dma_wait3A_1818 = arith.constant 0 : i32
      %dma_wait3A_1819 = tpu.memref_slice %arg2[%select_n3A, %dma_wait3A_1817, %dma_wait3A_1818] : memref<8x50000x128xf32, #tpu.memory_space<hbm>> -> memref<1x50000x128xf32, #tpu.memory_space<hbm>>
      %dma_wait3A_1820 = tpu.memref_squeeze %dma_wait3A_1819 : memref<1x50000x128xf32, #tpu.memory_space<hbm>> -> memref<50000x128xf32, #tpu.memory_space<hbm>>
      %dma_wait3A_1821 = arith.constant 0 : i32
      %dma_wait3A_1822 = arith.constant 0 : i32
      %dma_wait3A_1823 = tpu.memref_slice %dma_wait3A_1820[%dma_wait3A_1821, %dma_wait3A_1822] : memref<50000x128xf32, #tpu.memory_space<hbm>> -> memref<128x128xf32, #tpu.memory_space<hbm>>
      tpu.wait_dma2 semaphore(%dma_wait3A_1812 : memref<!tpu.dma_semaphore, #tpu.memory_space<semaphore_mem>>) src(%dma_wait3A_1823 : memref<128x128xf32, #tpu.memory_space<hbm>>) dst(%dma_wait3A_1816 : memref<128x128xf32, #tpu.memory_space<vmem>>)
      %mul3A_1824 = arith.constant 7 : i32
      %mul3A_1825 = arith.muli %mul3A_1824, %scan3A_1347 : i32
      %add3A_1826 = arith.constant 1 : i32
      %add3A_1827 = arith.addi %mul3A_1825, %add3A_1826 : i32
      %add3A_1828 = arith.constant 7 : i32
      %add3A_1829 = arith.addi %add3A_1827, %add3A_1828 : i32
      %mul3A_1830 = arith.constant 128 : i32
      %mul3A_1831 = arith.muli %add3A_1829, %mul3A_1830 : i32
      %add3A_1832 = arith.addi %select_n3A_43, %mul3A_1831 : i32
      %dma_start3A_1833 = arith.constant 1 : i32
      %dma_start3A_1834 = arith.constant 1 : i32
      %dma_start3A_1835 = arith.constant 0 : i32
      %dma_start3A_1836 = arith.constant 0 : i32
      %dma_start3A_1837 = tpu.memref_slice %arg6[%dma_start3A_1833, %dma_start3A_1835, %dma_start3A_1836] : memref<7x128x128xf32, #tpu.memory_space<vmem>> -> memref<1x128x128xf32, #tpu.memory_space<vmem>>
      %dma_start3A_1838 = tpu.memref_squeeze %dma_start3A_1837 : memref<1x128x128xf32, #tpu.memory_space<vmem>> -> memref<128x128xf32, #tpu.memory_space<vmem>>
      %dma_start3A_1839 = tpu.memref_slice %arg5[%add3A_1832] : memref<6272xi32, #tpu.memory_space<vmem>> -> memref<128xi32, #tpu.memory_space<vmem>>
      %dma_start3A_1840 = arith.constant 0 : i32
      %dma_start3A_1841 = arith.constant 0 : i32
      %dma_start3A_1842 = tpu.memref_slice %arg2[%select_n3A, %dma_start3A_1840, %dma_start3A_1841] : memref<8x50000x128xf32, #tpu.memory_space<hbm>> -> memref<1x50000x128xf32, #tpu.memory_space<hbm>>
      %dma_start3A_1843 = tpu.memref_squeeze %dma_start3A_1842 : memref<1x50000x128xf32, #tpu.memory_space<hbm>> -> memref<50000x128xf32, #tpu.memory_space<hbm>>
      %dma_start3A_1844 = arith.constant 0 : i32
      %dma_start3A_1845 = arith.constant 0 : i32
      %dma_start3A_1846 = tpu.memref_slice %dma_start3A_1843[%dma_start3A_1844, %dma_start3A_1845] : memref<50000x128xf32, #tpu.memory_space<hbm>> -> memref<50000x128xf32, #tpu.memory_space<hbm>>
      %dma_start3A_1847 = tpu.memref_slice %arg7[%dma_start3A_1834] : memref<7x!tpu.dma_semaphore, #tpu.memory_space<semaphore_mem>> -> memref<1x!tpu.dma_semaphore, #tpu.memory_space<semaphore_mem>>
      %dma_start3A_1848 = tpu.memref_squeeze %dma_start3A_1847 : memref<1x!tpu.dma_semaphore, #tpu.memory_space<semaphore_mem>> -> memref<!tpu.dma_semaphore, #tpu.memory_space<semaphore_mem>>
      tpu.enqueue_indirect_dma source(%dma_start3A_1846 : memref<50000x128xf32, #tpu.memory_space<hbm>>) target(%dma_start3A_1838 : memref<128x128xf32, #tpu.memory_space<vmem>>) offsets(%dma_start3A_1839 : memref<128xi32, #tpu.memory_space<vmem>>) semaphore(%dma_start3A_1848 : memref<!tpu.dma_semaphore, #tpu.memory_space<semaphore_mem>>)
      %dma_wait3A_1849 = arith.constant 2 : i32
      %dma_wait3A_1850 = arith.constant 2 : i32
      %dma_wait3A_1851 = arith.constant 0 : i32
      %dma_wait3A_1852 = arith.constant 0 : i32
      %dma_wait3A_1853 = tpu.memref_slice %arg6[%dma_wait3A_1849, %dma_wait3A_1851, %dma_wait3A_1852] : memref<7x128x128xf32, #tpu.memory_space<vmem>> -> memref<1x128x128xf32, #tpu.memory_space<vmem>>
      %dma_wait3A_1854 = tpu.memref_squeeze %dma_wait3A_1853 : memref<1x128x128xf32, #tpu.memory_space<vmem>> -> memref<128x128xf32, #tpu.memory_space<vmem>>
      %dma_wait3A_1855 = arith.constant 0 : i32
      %dma_wait3A_1856 = arith.constant 0 : i32
      %dma_wait3A_1857 = tpu.memref_slice %arg2[%select_n3A, %dma_wait3A_1855, %dma_wait3A_1856] : memref<8x50000x128xf32, #tpu.memory_space<hbm>> -> memref<1x50000x128xf32, #tpu.memory_space<hbm>>
      %dma_wait3A_1858 = tpu.memref_squeeze %dma_wait3A_1857 : memref<1x50000x128xf32, #tpu.memory_space<hbm>> -> memref<50000x128xf32, #tpu.memory_space<hbm>>
      %dma_wait3A_1859 = arith.constant 0 : i32
      %dma_wait3A_1860 = arith.constant 0 : i32
      %dma_wait3A_1861 = tpu.memref_slice %dma_wait3A_1858[%dma_wait3A_1859, %dma_wait3A_1860] : memref<50000x128xf32, #tpu.memory_space<hbm>> -> memref<128x128xf32, #tpu.memory_space<hbm>>
      %dma_wait3A_1862 = tpu.memref_slice %arg8[%dma_wait3A_1850] : memref<7x!tpu.dma_semaphore, #tpu.memory_space<semaphore_mem>> -> memref<1x!tpu.dma_semaphore, #tpu.memory_space<semaphore_mem>>
      %dma_wait3A_1863 = tpu.memref_squeeze %dma_wait3A_1862 : memref<1x!tpu.dma_semaphore, #tpu.memory_space<semaphore_mem>> -> memref<!tpu.dma_semaphore, #tpu.memory_space<semaphore_mem>>
      %dma_wait3A_1864 = arith.constant 0 : i32
      %dma_wait3A_1865 = arith.constant 0 : i32
      %dma_wait3A_1866 = tpu.memref_slice %arg6[%dma_wait3A_1849, %dma_wait3A_1864, %dma_wait3A_1865] : memref<7x128x128xf32, #tpu.memory_space<vmem>> -> memref<1x128x128xf32, #tpu.memory_space<vmem>>
      %dma_wait3A_1867 = tpu.memref_squeeze %dma_wait3A_1866 : memref<1x128x128xf32, #tpu.memory_space<vmem>> -> memref<128x128xf32, #tpu.memory_space<vmem>>
      %dma_wait3A_1868 = arith.constant 0 : i32
      %dma_wait3A_1869 = arith.constant 0 : i32
      %dma_wait3A_1870 = tpu.memref_slice %arg2[%select_n3A, %dma_wait3A_1868, %dma_wait3A_1869] : memref<8x50000x128xf32, #tpu.memory_space<hbm>> -> memref<1x50000x128xf32, #tpu.memory_space<hbm>>
      %dma_wait3A_1871 = tpu.memref_squeeze %dma_wait3A_1870 : memref<1x50000x128xf32, #tpu.memory_space<hbm>> -> memref<50000x128xf32, #tpu.memory_space<hbm>>
      %dma_wait3A_1872 = arith.constant 0 : i32
      %dma_wait3A_1873 = arith.constant 0 : i32
      %dma_wait3A_1874 = tpu.memref_slice %dma_wait3A_1871[%dma_wait3A_1872, %dma_wait3A_1873] : memref<50000x128xf32, #tpu.memory_space<hbm>> -> memref<128x128xf32, #tpu.memory_space<hbm>>
      tpu.wait_dma2 semaphore(%dma_wait3A_1863 : memref<!tpu.dma_semaphore, #tpu.memory_space<semaphore_mem>>) src(%dma_wait3A_1874 : memref<128x128xf32, #tpu.memory_space<hbm>>) dst(%dma_wait3A_1867 : memref<128x128xf32, #tpu.memory_space<vmem>>)
      %mul3A_1875 = arith.constant 7 : i32
      %mul3A_1876 = arith.muli %mul3A_1875, %scan3A_1347 : i32
      %add3A_1877 = arith.constant 2 : i32
      %add3A_1878 = arith.addi %mul3A_1876, %add3A_1877 : i32
      %add3A_1879 = arith.constant 7 : i32
      %add3A_1880 = arith.addi %add3A_1878, %add3A_1879 : i32
      %mul3A_1881 = arith.constant 128 : i32
      %mul3A_1882 = arith.muli %add3A_1880, %mul3A_1881 : i32
      %add3A_1883 = arith.addi %select_n3A_43, %mul3A_1882 : i32
      %dma_start3A_1884 = arith.constant 2 : i32
      %dma_start3A_1885 = arith.constant 2 : i32
      %dma_start3A_1886 = arith.constant 0 : i32
      %dma_start3A_1887 = arith.constant 0 : i32
      %dma_start3A_1888 = tpu.memref_slice %arg6[%dma_start3A_1884, %dma_start3A_1886, %dma_start3A_1887] : memref<7x128x128xf32, #tpu.memory_space<vmem>> -> memref<1x128x128xf32, #tpu.memory_space<vmem>>
      %dma_start3A_1889 = tpu.memref_squeeze %dma_start3A_1888 : memref<1x128x128xf32, #tpu.memory_space<vmem>> -> memref<128x128xf32, #tpu.memory_space<vmem>>
      %dma_start3A_1890 = tpu.memref_slice %arg5[%add3A_1883] : memref<6272xi32, #tpu.memory_space<vmem>> -> memref<128xi32, #tpu.memory_space<vmem>>
      %dma_start3A_1891 = arith.constant 0 : i32
      %dma_start3A_1892 = arith.constant 0 : i32
      %dma_start3A_1893 = tpu.memref_slice %arg2[%select_n3A, %dma_start3A_1891, %dma_start3A_1892] : memref<8x50000x128xf32, #tpu.memory_space<hbm>> -> memref<1x50000x128xf32, #tpu.memory_space<hbm>>
      %dma_start3A_1894 = tpu.memref_squeeze %dma_start3A_1893 : memref<1x50000x128xf32, #tpu.memory_space<hbm>> -> memref<50000x128xf32, #tpu.memory_space<hbm>>
      %dma_start3A_1895 = arith.constant 0 : i32
      %dma_start3A_1896 = arith.constant 0 : i32
      %dma_start3A_1897 = tpu.memref_slice %dma_start3A_1894[%dma_start3A_1895, %dma_start3A_1896] : memref<50000x128xf32, #tpu.memory_space<hbm>> -> memref<50000x128xf32, #tpu.memory_space<hbm>>
      %dma_start3A_1898 = tpu.memref_slice %arg7[%dma_start3A_1885] : memref<7x!tpu.dma_semaphore, #tpu.memory_space<semaphore_mem>> -> memref<1x!tpu.dma_semaphore, #tpu.memory_space<semaphore_mem>>
      %dma_start3A_1899 = tpu.memref_squeeze %dma_start3A_1898 : memref<1x!tpu.dma_semaphore, #tpu.memory_space<semaphore_mem>> -> memref<!tpu.dma_semaphore, #tpu.memory_space<semaphore_mem>>
      tpu.enqueue_indirect_dma source(%dma_start3A_1897 : memref<50000x128xf32, #tpu.memory_space<hbm>>) target(%dma_start3A_1889 : memref<128x128xf32, #tpu.memory_space<vmem>>) offsets(%dma_start3A_1890 : memref<128xi32, #tpu.memory_space<vmem>>) semaphore(%dma_start3A_1899 : memref<!tpu.dma_semaphore, #tpu.memory_space<semaphore_mem>>)
      %dma_wait3A_1900 = arith.constant 3 : i32
      %dma_wait3A_1901 = arith.constant 3 : i32
      %dma_wait3A_1902 = arith.constant 0 : i32
      %dma_wait3A_1903 = arith.constant 0 : i32
      %dma_wait3A_1904 = tpu.memref_slice %arg6[%dma_wait3A_1900, %dma_wait3A_1902, %dma_wait3A_1903] : memref<7x128x128xf32, #tpu.memory_space<vmem>> -> memref<1x128x128xf32, #tpu.memory_space<vmem>>
      %dma_wait3A_1905 = tpu.memref_squeeze %dma_wait3A_1904 : memref<1x128x128xf32, #tpu.memory_space<vmem>> -> memref<128x128xf32, #tpu.memory_space<vmem>>
      %dma_wait3A_1906 = arith.constant 0 : i32
      %dma_wait3A_1907 = arith.constant 0 : i32
      %dma_wait3A_1908 = tpu.memref_slice %arg2[%select_n3A, %dma_wait3A_1906, %dma_wait3A_1907] : memref<8x50000x128xf32, #tpu.memory_space<hbm>> -> memref<1x50000x128xf32, #tpu.memory_space<hbm>>
      %dma_wait3A_1909 = tpu.memref_squeeze %dma_wait3A_1908 : memref<1x50000x128xf32, #tpu.memory_space<hbm>> -> memref<50000x128xf32, #tpu.memory_space<hbm>>
      %dma_wait3A_1910 = arith.constant 0 : i32
      %dma_wait3A_1911 = arith.constant 0 : i32
      %dma_wait3A_1912 = tpu.memref_slice %dma_wait3A_1909[%dma_wait3A_1910, %dma_wait3A_1911] : memref<50000x128xf32, #tpu.memory_space<hbm>> -> memref<128x128xf32, #tpu.memory_space<hbm>>
      %dma_wait3A_1913 = tpu.memref_slice %arg8[%dma_wait3A_1901] : memref<7x!tpu.dma_semaphore, #tpu.memory_space<semaphore_mem>> -> memref<1x!tpu.dma_semaphore, #tpu.memory_space<semaphore_mem>>
      %dma_wait3A_1914 = tpu.memref_squeeze %dma_wait3A_1913 : memref<1x!tpu.dma_semaphore, #tpu.memory_space<semaphore_mem>> -> memref<!tpu.dma_semaphore, #tpu.memory_space<semaphore_mem>>
      %dma_wait3A_1915 = arith.constant 0 : i32
      %dma_wait3A_1916 = arith.constant 0 : i32
      %dma_wait3A_1917 = tpu.memref_slice %arg6[%dma_wait3A_1900, %dma_wait3A_1915, %dma_wait3A_1916] : memref<7x128x128xf32, #tpu.memory_space<vmem>> -> memref<1x128x128xf32, #tpu.memory_space<vmem>>
      %dma_wait3A_1918 = tpu.memref_squeeze %dma_wait3A_1917 : memref<1x128x128xf32, #tpu.memory_space<vmem>> -> memref<128x128xf32, #tpu.memory_space<vmem>>
      %dma_wait3A_1919 = arith.constant 0 : i32
      %dma_wait3A_1920 = arith.constant 0 : i32
      %dma_wait3A_1921 = tpu.memref_slice %arg2[%select_n3A, %dma_wait3A_1919, %dma_wait3A_1920] : memref<8x50000x128xf32, #tpu.memory_space<hbm>> -> memref<1x50000x128xf32, #tpu.memory_space<hbm>>
      %dma_wait3A_1922 = tpu.memref_squeeze %dma_wait3A_1921 : memref<1x50000x128xf32, #tpu.memory_space<hbm>> -> memref<50000x128xf32, #tpu.memory_space<hbm>>
      %dma_wait3A_1923 = arith.constant 0 : i32
      %dma_wait3A_1924 = arith.constant 0 : i32
      %dma_wait3A_1925 = tpu.memref_slice %dma_wait3A_1922[%dma_wait3A_1923, %dma_wait3A_1924] : memref<50000x128xf32, #tpu.memory_space<hbm>> -> memref<128x128xf32, #tpu.memory_space<hbm>>
      tpu.wait_dma2 semaphore(%dma_wait3A_1914 : memref<!tpu.dma_semaphore, #tpu.memory_space<semaphore_mem>>) src(%dma_wait3A_1925 : memref<128x128xf32, #tpu.memory_space<hbm>>) dst(%dma_wait3A_1918 : memref<128x128xf32, #tpu.memory_space<vmem>>)
      %mul3A_1926 = arith.constant 7 : i32
      %mul3A_1927 = arith.muli %mul3A_1926, %scan3A_1347 : i32
      %add3A_1928 = arith.constant 3 : i32
      %add3A_1929 = arith.addi %mul3A_1927, %add3A_1928 : i32
      %add3A_1930 = arith.constant 7 : i32
      %add3A_1931 = arith.addi %add3A_1929, %add3A_1930 : i32
      %mul3A_1932 = arith.constant 128 : i32
      %mul3A_1933 = arith.muli %add3A_1931, %mul3A_1932 : i32
      %add3A_1934 = arith.addi %select_n3A_43, %mul3A_1933 : i32
      %dma_start3A_1935 = arith.constant 3 : i32
      %dma_start3A_1936 = arith.constant 3 : i32
      %dma_start3A_1937 = arith.constant 0 : i32
      %dma_start3A_1938 = arith.constant 0 : i32
      %dma_start3A_1939 = tpu.memref_slice %arg6[%dma_start3A_1935, %dma_start3A_1937, %dma_start3A_1938] : memref<7x128x128xf32, #tpu.memory_space<vmem>> -> memref<1x128x128xf32, #tpu.memory_space<vmem>>
      %dma_start3A_1940 = tpu.memref_squeeze %dma_start3A_1939 : memref<1x128x128xf32, #tpu.memory_space<vmem>> -> memref<128x128xf32, #tpu.memory_space<vmem>>
      %dma_start3A_1941 = tpu.memref_slice %arg5[%add3A_1934] : memref<6272xi32, #tpu.memory_space<vmem>> -> memref<128xi32, #tpu.memory_space<vmem>>
      %dma_start3A_1942 = arith.constant 0 : i32
      %dma_start3A_1943 = arith.constant 0 : i32
      %dma_start3A_1944 = tpu.memref_slice %arg2[%select_n3A, %dma_start3A_1942, %dma_start3A_1943] : memref<8x50000x128xf32, #tpu.memory_space<hbm>> -> memref<1x50000x128xf32, #tpu.memory_space<hbm>>
      %dma_start3A_1945 = tpu.memref_squeeze %dma_start3A_1944 : memref<1x50000x128xf32, #tpu.memory_space<hbm>> -> memref<50000x128xf32, #tpu.memory_space<hbm>>
      %dma_start3A_1946 = arith.constant 0 : i32
      %dma_start3A_1947 = arith.constant 0 : i32
      %dma_start3A_1948 = tpu.memref_slice %dma_start3A_1945[%dma_start3A_1946, %dma_start3A_1947] : memref<50000x128xf32, #tpu.memory_space<hbm>> -> memref<50000x128xf32, #tpu.memory_space<hbm>>
      %dma_start3A_1949 = tpu.memref_slice %arg7[%dma_start3A_1936] : memref<7x!tpu.dma_semaphore, #tpu.memory_space<semaphore_mem>> -> memref<1x!tpu.dma_semaphore, #tpu.memory_space<semaphore_mem>>
      %dma_start3A_1950 = tpu.memref_squeeze %dma_start3A_1949 : memref<1x!tpu.dma_semaphore, #tpu.memory_space<semaphore_mem>> -> memref<!tpu.dma_semaphore, #tpu.memory_space<semaphore_mem>>
      tpu.enqueue_indirect_dma source(%dma_start3A_1948 : memref<50000x128xf32, #tpu.memory_space<hbm>>) target(%dma_start3A_1940 : memref<128x128xf32, #tpu.memory_space<vmem>>) offsets(%dma_start3A_1941 : memref<128xi32, #tpu.memory_space<vmem>>) semaphore(%dma_start3A_1950 : memref<!tpu.dma_semaphore, #tpu.memory_space<semaphore_mem>>)
      %dma_wait3A_1951 = arith.constant 4 : i32
      %dma_wait3A_1952 = arith.constant 4 : i32
      %dma_wait3A_1953 = arith.constant 0 : i32
      %dma_wait3A_1954 = arith.constant 0 : i32
      %dma_wait3A_1955 = tpu.memref_slice %arg6[%dma_wait3A_1951, %dma_wait3A_1953, %dma_wait3A_1954] : memref<7x128x128xf32, #tpu.memory_space<vmem>> -> memref<1x128x128xf32, #tpu.memory_space<vmem>>
      %dma_wait3A_1956 = tpu.memref_squeeze %dma_wait3A_1955 : memref<1x128x128xf32, #tpu.memory_space<vmem>> -> memref<128x128xf32, #tpu.memory_space<vmem>>
      %dma_wait3A_1957 = arith.constant 0 : i32
      %dma_wait3A_1958 = arith.constant 0 : i32
      %dma_wait3A_1959 = tpu.memref_slice %arg2[%select_n3A, %dma_wait3A_1957, %dma_wait3A_1958] : memref<8x50000x128xf32, #tpu.memory_space<hbm>> -> memref<1x50000x128xf32, #tpu.memory_space<hbm>>
      %dma_wait3A_1960 = tpu.memref_squeeze %dma_wait3A_1959 : memref<1x50000x128xf32, #tpu.memory_space<hbm>> -> memref<50000x128xf32, #tpu.memory_space<hbm>>
      %dma_wait3A_1961 = arith.constant 0 : i32
      %dma_wait3A_1962 = arith.constant 0 : i32
      %dma_wait3A_1963 = tpu.memref_slice %dma_wait3A_1960[%dma_wait3A_1961, %dma_wait3A_1962] : memref<50000x128xf32, #tpu.memory_space<hbm>> -> memref<128x128xf32, #tpu.memory_space<hbm>>
      %dma_wait3A_1964 = tpu.memref_slice %arg8[%dma_wait3A_1952] : memref<7x!tpu.dma_semaphore, #tpu.memory_space<semaphore_mem>> -> memref<1x!tpu.dma_semaphore, #tpu.memory_space<semaphore_mem>>
      %dma_wait3A_1965 = tpu.memref_squeeze %dma_wait3A_1964 : memref<1x!tpu.dma_semaphore, #tpu.memory_space<semaphore_mem>> -> memref<!tpu.dma_semaphore, #tpu.memory_space<semaphore_mem>>
      %dma_wait3A_1966 = arith.constant 0 : i32
      %dma_wait3A_1967 = arith.constant 0 : i32
      %dma_wait3A_1968 = tpu.memref_slice %arg6[%dma_wait3A_1951, %dma_wait3A_1966, %dma_wait3A_1967] : memref<7x128x128xf32, #tpu.memory_space<vmem>> -> memref<1x128x128xf32, #tpu.memory_space<vmem>>
      %dma_wait3A_1969 = tpu.memref_squeeze %dma_wait3A_1968 : memref<1x128x128xf32, #tpu.memory_space<vmem>> -> memref<128x128xf32, #tpu.memory_space<vmem>>
      %dma_wait3A_1970 = arith.constant 0 : i32
      %dma_wait3A_1971 = arith.constant 0 : i32
      %dma_wait3A_1972 = tpu.memref_slice %arg2[%select_n3A, %dma_wait3A_1970, %dma_wait3A_1971] : memref<8x50000x128xf32, #tpu.memory_space<hbm>> -> memref<1x50000x128xf32, #tpu.memory_space<hbm>>
      %dma_wait3A_1973 = tpu.memref_squeeze %dma_wait3A_1972 : memref<1x50000x128xf32, #tpu.memory_space<hbm>> -> memref<50000x128xf32, #tpu.memory_space<hbm>>
      %dma_wait3A_1974 = arith.constant 0 : i32
      %dma_wait3A_1975 = arith.constant 0 : i32
      %dma_wait3A_1976 = tpu.memref_slice %dma_wait3A_1973[%dma_wait3A_1974, %dma_wait3A_1975] : memref<50000x128xf32, #tpu.memory_space<hbm>> -> memref<128x128xf32, #tpu.memory_space<hbm>>
      tpu.wait_dma2 semaphore(%dma_wait3A_1965 : memref<!tpu.dma_semaphore, #tpu.memory_space<semaphore_mem>>) src(%dma_wait3A_1976 : memref<128x128xf32, #tpu.memory_space<hbm>>) dst(%dma_wait3A_1969 : memref<128x128xf32, #tpu.memory_space<vmem>>)
      %mul3A_1977 = arith.constant 7 : i32
      %mul3A_1978 = arith.muli %mul3A_1977, %scan3A_1347 : i32
      %add3A_1979 = arith.constant 4 : i32
      %add3A_1980 = arith.addi %mul3A_1978, %add3A_1979 : i32
      %add3A_1981 = arith.constant 7 : i32
      %add3A_1982 = arith.addi %add3A_1980, %add3A_1981 : i32
      %mul3A_1983 = arith.constant 128 : i32
      %mul3A_1984 = arith.muli %add3A_1982, %mul3A_1983 : i32
      %add3A_1985 = arith.addi %select_n3A_43, %mul3A_1984 : i32
      %dma_start3A_1986 = arith.constant 4 : i32
      %dma_start3A_1987 = arith.constant 4 : i32
      %dma_start3A_1988 = arith.constant 0 : i32
      %dma_start3A_1989 = arith.constant 0 : i32
      %dma_start3A_1990 = tpu.memref_slice %arg6[%dma_start3A_1986, %dma_start3A_1988, %dma_start3A_1989] : memref<7x128x128xf32, #tpu.memory_space<vmem>> -> memref<1x128x128xf32, #tpu.memory_space<vmem>>
      %dma_start3A_1991 = tpu.memref_squeeze %dma_start3A_1990 : memref<1x128x128xf32, #tpu.memory_space<vmem>> -> memref<128x128xf32, #tpu.memory_space<vmem>>
      %dma_start3A_1992 = tpu.memref_slice %arg5[%add3A_1985] : memref<6272xi32, #tpu.memory_space<vmem>> -> memref<128xi32, #tpu.memory_space<vmem>>
      %dma_start3A_1993 = arith.constant 0 : i32
      %dma_start3A_1994 = arith.constant 0 : i32
      %dma_start3A_1995 = tpu.memref_slice %arg2[%select_n3A, %dma_start3A_1993, %dma_start3A_1994] : memref<8x50000x128xf32, #tpu.memory_space<hbm>> -> memref<1x50000x128xf32, #tpu.memory_space<hbm>>
      %dma_start3A_1996 = tpu.memref_squeeze %dma_start3A_1995 : memref<1x50000x128xf32, #tpu.memory_space<hbm>> -> memref<50000x128xf32, #tpu.memory_space<hbm>>
      %dma_start3A_1997 = arith.constant 0 : i32
      %dma_start3A_1998 = arith.constant 0 : i32
      %dma_start3A_1999 = tpu.memref_slice %dma_start3A_1996[%dma_start3A_1997, %dma_start3A_1998] : memref<50000x128xf32, #tpu.memory_space<hbm>> -> memref<50000x128xf32, #tpu.memory_space<hbm>>
      %dma_start3A_2000 = tpu.memref_slice %arg7[%dma_start3A_1987] : memref<7x!tpu.dma_semaphore, #tpu.memory_space<semaphore_mem>> -> memref<1x!tpu.dma_semaphore, #tpu.memory_space<semaphore_mem>>
      %dma_start3A_2001 = tpu.memref_squeeze %dma_start3A_2000 : memref<1x!tpu.dma_semaphore, #tpu.memory_space<semaphore_mem>> -> memref<!tpu.dma_semaphore, #tpu.memory_space<semaphore_mem>>
      tpu.enqueue_indirect_dma source(%dma_start3A_1999 : memref<50000x128xf32, #tpu.memory_space<hbm>>) target(%dma_start3A_1991 : memref<128x128xf32, #tpu.memory_space<vmem>>) offsets(%dma_start3A_1992 : memref<128xi32, #tpu.memory_space<vmem>>) semaphore(%dma_start3A_2001 : memref<!tpu.dma_semaphore, #tpu.memory_space<semaphore_mem>>)
      %dma_wait3A_2002 = arith.constant 5 : i32
      %dma_wait3A_2003 = arith.constant 5 : i32
      %dma_wait3A_2004 = arith.constant 0 : i32
      %dma_wait3A_2005 = arith.constant 0 : i32
      %dma_wait3A_2006 = tpu.memref_slice %arg6[%dma_wait3A_2002, %dma_wait3A_2004, %dma_wait3A_2005] : memref<7x128x128xf32, #tpu.memory_space<vmem>> -> memref<1x128x128xf32, #tpu.memory_space<vmem>>
      %dma_wait3A_2007 = tpu.memref_squeeze %dma_wait3A_2006 : memref<1x128x128xf32, #tpu.memory_space<vmem>> -> memref<128x128xf32, #tpu.memory_space<vmem>>
      %dma_wait3A_2008 = arith.constant 0 : i32
      %dma_wait3A_2009 = arith.constant 0 : i32
      %dma_wait3A_2010 = tpu.memref_slice %arg2[%select_n3A, %dma_wait3A_2008, %dma_wait3A_2009] : memref<8x50000x128xf32, #tpu.memory_space<hbm>> -> memref<1x50000x128xf32, #tpu.memory_space<hbm>>
      %dma_wait3A_2011 = tpu.memref_squeeze %dma_wait3A_2010 : memref<1x50000x128xf32, #tpu.memory_space<hbm>> -> memref<50000x128xf32, #tpu.memory_space<hbm>>
      %dma_wait3A_2012 = arith.constant 0 : i32
      %dma_wait3A_2013 = arith.constant 0 : i32
      %dma_wait3A_2014 = tpu.memref_slice %dma_wait3A_2011[%dma_wait3A_2012, %dma_wait3A_2013] : memref<50000x128xf32, #tpu.memory_space<hbm>> -> memref<128x128xf32, #tpu.memory_space<hbm>>
      %dma_wait3A_2015 = tpu.memref_slice %arg8[%dma_wait3A_2003] : memref<7x!tpu.dma_semaphore, #tpu.memory_space<semaphore_mem>> -> memref<1x!tpu.dma_semaphore, #tpu.memory_space<semaphore_mem>>
      %dma_wait3A_2016 = tpu.memref_squeeze %dma_wait3A_2015 : memref<1x!tpu.dma_semaphore, #tpu.memory_space<semaphore_mem>> -> memref<!tpu.dma_semaphore, #tpu.memory_space<semaphore_mem>>
      %dma_wait3A_2017 = arith.constant 0 : i32
      %dma_wait3A_2018 = arith.constant 0 : i32
      %dma_wait3A_2019 = tpu.memref_slice %arg6[%dma_wait3A_2002, %dma_wait3A_2017, %dma_wait3A_2018] : memref<7x128x128xf32, #tpu.memory_space<vmem>> -> memref<1x128x128xf32, #tpu.memory_space<vmem>>
      %dma_wait3A_2020 = tpu.memref_squeeze %dma_wait3A_2019 : memref<1x128x128xf32, #tpu.memory_space<vmem>> -> memref<128x128xf32, #tpu.memory_space<vmem>>
      %dma_wait3A_2021 = arith.constant 0 : i32
      %dma_wait3A_2022 = arith.constant 0 : i32
      %dma_wait3A_2023 = tpu.memref_slice %arg2[%select_n3A, %dma_wait3A_2021, %dma_wait3A_2022] : memref<8x50000x128xf32, #tpu.memory_space<hbm>> -> memref<1x50000x128xf32, #tpu.memory_space<hbm>>
      %dma_wait3A_2024 = tpu.memref_squeeze %dma_wait3A_2023 : memref<1x50000x128xf32, #tpu.memory_space<hbm>> -> memref<50000x128xf32, #tpu.memory_space<hbm>>
      %dma_wait3A_2025 = arith.constant 0 : i32
      %dma_wait3A_2026 = arith.constant 0 : i32
      %dma_wait3A_2027 = tpu.memref_slice %dma_wait3A_2024[%dma_wait3A_2025, %dma_wait3A_2026] : memref<50000x128xf32, #tpu.memory_space<hbm>> -> memref<128x128xf32, #tpu.memory_space<hbm>>
      tpu.wait_dma2 semaphore(%dma_wait3A_2016 : memref<!tpu.dma_semaphore, #tpu.memory_space<semaphore_mem>>) src(%dma_wait3A_2027 : memref<128x128xf32, #tpu.memory_space<hbm>>) dst(%dma_wait3A_2020 : memref<128x128xf32, #tpu.memory_space<vmem>>)
      %mul3A_2028 = arith.constant 7 : i32
      %mul3A_2029 = arith.muli %mul3A_2028, %scan3A_1347 : i32
      %add3A_2030 = arith.constant 5 : i32
      %add3A_2031 = arith.addi %mul3A_2029, %add3A_2030 : i32
      %add3A_2032 = arith.constant 7 : i32
      %add3A_2033 = arith.addi %add3A_2031, %add3A_2032 : i32
      %mul3A_2034 = arith.constant 128 : i32
      %mul3A_2035 = arith.muli %add3A_2033, %mul3A_2034 : i32
      %add3A_2036 = arith.addi %select_n3A_43, %mul3A_2035 : i32
      %dma_start3A_2037 = arith.constant 5 : i32
      %dma_start3A_2038 = arith.constant 5 : i32
      %dma_start3A_2039 = arith.constant 0 : i32
      %dma_start3A_2040 = arith.constant 0 : i32
      %dma_start3A_2041 = tpu.memref_slice %arg6[%dma_start3A_2037, %dma_start3A_2039, %dma_start3A_2040] : memref<7x128x128xf32, #tpu.memory_space<vmem>> -> memref<1x128x128xf32, #tpu.memory_space<vmem>>
      %dma_start3A_2042 = tpu.memref_squeeze %dma_start3A_2041 : memref<1x128x128xf32, #tpu.memory_space<vmem>> -> memref<128x128xf32, #tpu.memory_space<vmem>>
      %dma_start3A_2043 = tpu.memref_slice %arg5[%add3A_2036] : memref<6272xi32, #tpu.memory_space<vmem>> -> memref<128xi32, #tpu.memory_space<vmem>>
      %dma_start3A_2044 = arith.constant 0 : i32
      %dma_start3A_2045 = arith.constant 0 : i32
      %dma_start3A_2046 = tpu.memref_slice %arg2[%select_n3A, %dma_start3A_2044, %dma_start3A_2045] : memref<8x50000x128xf32, #tpu.memory_space<hbm>> -> memref<1x50000x128xf32, #tpu.memory_space<hbm>>
      %dma_start3A_2047 = tpu.memref_squeeze %dma_start3A_2046 : memref<1x50000x128xf32, #tpu.memory_space<hbm>> -> memref<50000x128xf32, #tpu.memory_space<hbm>>
      %dma_start3A_2048 = arith.constant 0 : i32
      %dma_start3A_2049 = arith.constant 0 : i32
      %dma_start3A_2050 = tpu.memref_slice %dma_start3A_2047[%dma_start3A_2048, %dma_start3A_2049] : memref<50000x128xf32, #tpu.memory_space<hbm>> -> memref<50000x128xf32, #tpu.memory_space<hbm>>
      %dma_start3A_2051 = tpu.memref_slice %arg7[%dma_start3A_2038] : memref<7x!tpu.dma_semaphore, #tpu.memory_space<semaphore_mem>> -> memref<1x!tpu.dma_semaphore, #tpu.memory_space<semaphore_mem>>
      %dma_start3A_2052 = tpu.memref_squeeze %dma_start3A_2051 : memref<1x!tpu.dma_semaphore, #tpu.memory_space<semaphore_mem>> -> memref<!tpu.dma_semaphore, #tpu.memory_space<semaphore_mem>>
      tpu.enqueue_indirect_dma source(%dma_start3A_2050 : memref<50000x128xf32, #tpu.memory_space<hbm>>) target(%dma_start3A_2042 : memref<128x128xf32, #tpu.memory_space<vmem>>) offsets(%dma_start3A_2043 : memref<128xi32, #tpu.memory_space<vmem>>) semaphore(%dma_start3A_2052 : memref<!tpu.dma_semaphore, #tpu.memory_space<semaphore_mem>>)
      %dma_wait3A_2053 = arith.constant 6 : i32
      %dma_wait3A_2054 = arith.constant 6 : i32
      %dma_wait3A_2055 = arith.constant 0 : i32
      %dma_wait3A_2056 = arith.constant 0 : i32
      %dma_wait3A_2057 = tpu.memref_slice %arg6[%dma_wait3A_2053, %dma_wait3A_2055, %dma_wait3A_2056] : memref<7x128x128xf32, #tpu.memory_space<vmem>> -> memref<1x128x128xf32, #tpu.memory_space<vmem>>
      %dma_wait3A_2058 = tpu.memref_squeeze %dma_wait3A_2057 : memref<1x128x128xf32, #tpu.memory_space<vmem>> -> memref<128x128xf32, #tpu.memory_space<vmem>>
      %dma_wait3A_2059 = arith.constant 0 : i32
      %dma_wait3A_2060 = arith.constant 0 : i32
      %dma_wait3A_2061 = tpu.memref_slice %arg2[%select_n3A, %dma_wait3A_2059, %dma_wait3A_2060] : memref<8x50000x128xf32, #tpu.memory_space<hbm>> -> memref<1x50000x128xf32, #tpu.memory_space<hbm>>
      %dma_wait3A_2062 = tpu.memref_squeeze %dma_wait3A_2061 : memref<1x50000x128xf32, #tpu.memory_space<hbm>> -> memref<50000x128xf32, #tpu.memory_space<hbm>>
      %dma_wait3A_2063 = arith.constant 0 : i32
      %dma_wait3A_2064 = arith.constant 0 : i32
      %dma_wait3A_2065 = tpu.memref_slice %dma_wait3A_2062[%dma_wait3A_2063, %dma_wait3A_2064] : memref<50000x128xf32, #tpu.memory_space<hbm>> -> memref<128x128xf32, #tpu.memory_space<hbm>>
      %dma_wait3A_2066 = tpu.memref_slice %arg8[%dma_wait3A_2054] : memref<7x!tpu.dma_semaphore, #tpu.memory_space<semaphore_mem>> -> memref<1x!tpu.dma_semaphore, #tpu.memory_space<semaphore_mem>>
      %dma_wait3A_2067 = tpu.memref_squeeze %dma_wait3A_2066 : memref<1x!tpu.dma_semaphore, #tpu.memory_space<semaphore_mem>> -> memref<!tpu.dma_semaphore, #tpu.memory_space<semaphore_mem>>
      %dma_wait3A_2068 = arith.constant 0 : i32
      %dma_wait3A_2069 = arith.constant 0 : i32
      %dma_wait3A_2070 = tpu.memref_slice %arg6[%dma_wait3A_2053, %dma_wait3A_2068, %dma_wait3A_2069] : memref<7x128x128xf32, #tpu.memory_space<vmem>> -> memref<1x128x128xf32, #tpu.memory_space<vmem>>
      %dma_wait3A_2071 = tpu.memref_squeeze %dma_wait3A_2070 : memref<1x128x128xf32, #tpu.memory_space<vmem>> -> memref<128x128xf32, #tpu.memory_space<vmem>>
      %dma_wait3A_2072 = arith.constant 0 : i32
      %dma_wait3A_2073 = arith.constant 0 : i32
      %dma_wait3A_2074 = tpu.memref_slice %arg2[%select_n3A, %dma_wait3A_2072, %dma_wait3A_2073] : memref<8x50000x128xf32, #tpu.memory_space<hbm>> -> memref<1x50000x128xf32, #tpu.memory_space<hbm>>
      %dma_wait3A_2075 = tpu.memref_squeeze %dma_wait3A_2074 : memref<1x50000x128xf32, #tpu.memory_space<hbm>> -> memref<50000x128xf32, #tpu.memory_space<hbm>>
      %dma_wait3A_2076 = arith.constant 0 : i32
      %dma_wait3A_2077 = arith.constant 0 : i32
      %dma_wait3A_2078 = tpu.memref_slice %dma_wait3A_2075[%dma_wait3A_2076, %dma_wait3A_2077] : memref<50000x128xf32, #tpu.memory_space<hbm>> -> memref<128x128xf32, #tpu.memory_space<hbm>>
      tpu.wait_dma2 semaphore(%dma_wait3A_2067 : memref<!tpu.dma_semaphore, #tpu.memory_space<semaphore_mem>>) src(%dma_wait3A_2078 : memref<128x128xf32, #tpu.memory_space<hbm>>) dst(%dma_wait3A_2071 : memref<128x128xf32, #tpu.memory_space<vmem>>)
      %mul3A_2079 = arith.constant 7 : i32
      %mul3A_2080 = arith.muli %mul3A_2079, %scan3A_1347 : i32
      %add3A_2081 = arith.constant 6 : i32
      %add3A_2082 = arith.addi %mul3A_2080, %add3A_2081 : i32
      %add3A_2083 = arith.constant 7 : i32
      %add3A_2084 = arith.addi %add3A_2082, %add3A_2083 : i32
      %mul3A_2085 = arith.constant 128 : i32
      %mul3A_2086 = arith.muli %add3A_2084, %mul3A_2085 : i32
      %add3A_2087 = arith.addi %select_n3A_43, %mul3A_2086 : i32
      %dma_start3A_2088 = arith.constant 6 : i32
      %dma_start3A_2089 = arith.constant 6 : i32
      %dma_start3A_2090 = arith.constant 0 : i32
      %dma_start3A_2091 = arith.constant 0 : i32
      %dma_start3A_2092 = tpu.memref_slice %arg6[%dma_start3A_2088, %dma_start3A_2090, %dma_start3A_2091] : memref<7x128x128xf32, #tpu.memory_space<vmem>> -> memref<1x128x128xf32, #tpu.memory_space<vmem>>
      %dma_start3A_2093 = tpu.memref_squeeze %dma_start3A_2092 : memref<1x128x128xf32, #tpu.memory_space<vmem>> -> memref<128x128xf32, #tpu.memory_space<vmem>>
      %dma_start3A_2094 = tpu.memref_slice %arg5[%add3A_2087] : memref<6272xi32, #tpu.memory_space<vmem>> -> memref<128xi32, #tpu.memory_space<vmem>>
      %dma_start3A_2095 = arith.constant 0 : i32
      %dma_start3A_2096 = arith.constant 0 : i32
      %dma_start3A_2097 = tpu.memref_slice %arg2[%select_n3A, %dma_start3A_2095, %dma_start3A_2096] : memref<8x50000x128xf32, #tpu.memory_space<hbm>> -> memref<1x50000x128xf32, #tpu.memory_space<hbm>>
      %dma_start3A_2098 = tpu.memref_squeeze %dma_start3A_2097 : memref<1x50000x128xf32, #tpu.memory_space<hbm>> -> memref<50000x128xf32, #tpu.memory_space<hbm>>
      %dma_start3A_2099 = arith.constant 0 : i32
      %dma_start3A_2100 = arith.constant 0 : i32
      %dma_start3A_2101 = tpu.memref_slice %dma_start3A_2098[%dma_start3A_2099, %dma_start3A_2100] : memref<50000x128xf32, #tpu.memory_space<hbm>> -> memref<50000x128xf32, #tpu.memory_space<hbm>>
      %dma_start3A_2102 = tpu.memref_slice %arg7[%dma_start3A_2089] : memref<7x!tpu.dma_semaphore, #tpu.memory_space<semaphore_mem>> -> memref<1x!tpu.dma_semaphore, #tpu.memory_space<semaphore_mem>>
      %dma_start3A_2103 = tpu.memref_squeeze %dma_start3A_2102 : memref<1x!tpu.dma_semaphore, #tpu.memory_space<semaphore_mem>> -> memref<!tpu.dma_semaphore, #tpu.memory_space<semaphore_mem>>
      tpu.enqueue_indirect_dma source(%dma_start3A_2101 : memref<50000x128xf32, #tpu.memory_space<hbm>>) target(%dma_start3A_2093 : memref<128x128xf32, #tpu.memory_space<vmem>>) offsets(%dma_start3A_2094 : memref<128xi32, #tpu.memory_space<vmem>>) semaphore(%dma_start3A_2103 : memref<!tpu.dma_semaphore, #tpu.memory_space<semaphore_mem>>)
    }
    %scan3A_174 = arith.constant 5 : i32
    %dma_wait3A = arith.constant 0 : i32
    %dma_wait3A_175 = arith.constant 0 : i32
    %dma_wait3A_176 = arith.constant 0 : i32
    %dma_wait3A_177 = arith.constant 0 : i32
    %dma_wait3A_178 = tpu.memref_slice %arg6[%dma_wait3A, %dma_wait3A_176, %dma_wait3A_177] : memref<7x128x128xf32, #tpu.memory_space<vmem>> -> memref<1x128x128xf32, #tpu.memory_space<vmem>>
    %dma_wait3A_179 = tpu.memref_squeeze %dma_wait3A_178 : memref<1x128x128xf32, #tpu.memory_space<vmem>> -> memref<128x128xf32, #tpu.memory_space<vmem>>
    %dma_wait3A_180 = arith.constant 0 : i32
    %dma_wait3A_181 = arith.constant 0 : i32
    %dma_wait3A_182 = tpu.memref_slice %arg2[%select_n3A, %dma_wait3A_180, %dma_wait3A_181] : memref<8x50000x128xf32, #tpu.memory_space<hbm>> -> memref<1x50000x128xf32, #tpu.memory_space<hbm>>
    %dma_wait3A_183 = tpu.memref_squeeze %dma_wait3A_182 : memref<1x50000x128xf32, #tpu.memory_space<hbm>> -> memref<50000x128xf32, #tpu.memory_space<hbm>>
    %dma_wait3A_184 = arith.constant 0 : i32
    %dma_wait3A_185 = arith.constant 0 : i32
    %dma_wait3A_186 = tpu.memref_slice %dma_wait3A_183[%dma_wait3A_184, %dma_wait3A_185] : memref<50000x128xf32, #tpu.memory_space<hbm>> -> memref<128x128xf32, #tpu.memory_space<hbm>>
    %dma_wait3A_187 = tpu.memref_slice %arg7[%dma_wait3A_175] : memref<7x!tpu.dma_semaphore, #tpu.memory_space<semaphore_mem>> -> memref<1x!tpu.dma_semaphore, #tpu.memory_space<semaphore_mem>>
    %dma_wait3A_188 = tpu.memref_squeeze %dma_wait3A_187 : memref<1x!tpu.dma_semaphore, #tpu.memory_space<semaphore_mem>> -> memref<!tpu.dma_semaphore, #tpu.memory_space<semaphore_mem>>
    %dma_wait3A_189 = arith.constant 0 : i32
    %dma_wait3A_190 = arith.constant 0 : i32
    %dma_wait3A_191 = tpu.memref_slice %arg6[%dma_wait3A, %dma_wait3A_189, %dma_wait3A_190] : memref<7x128x128xf32, #tpu.memory_space<vmem>> -> memref<1x128x128xf32, #tpu.memory_space<vmem>>
    %dma_wait3A_192 = tpu.memref_squeeze %dma_wait3A_191 : memref<1x128x128xf32, #tpu.memory_space<vmem>> -> memref<128x128xf32, #tpu.memory_space<vmem>>
    %dma_wait3A_193 = arith.constant 0 : i32
    %dma_wait3A_194 = arith.constant 0 : i32
    %dma_wait3A_195 = tpu.memref_slice %arg2[%select_n3A, %dma_wait3A_193, %dma_wait3A_194] : memref<8x50000x128xf32, #tpu.memory_space<hbm>> -> memref<1x50000x128xf32, #tpu.memory_space<hbm>>
    %dma_wait3A_196 = tpu.memref_squeeze %dma_wait3A_195 : memref<1x50000x128xf32, #tpu.memory_space<hbm>> -> memref<50000x128xf32, #tpu.memory_space<hbm>>
    %dma_wait3A_197 = arith.constant 0 : i32
    %dma_wait3A_198 = arith.constant 0 : i32
    %dma_wait3A_199 = tpu.memref_slice %dma_wait3A_196[%dma_wait3A_197, %dma_wait3A_198] : memref<50000x128xf32, #tpu.memory_space<hbm>> -> memref<128x128xf32, #tpu.memory_space<hbm>>
    tpu.wait_dma2 semaphore(%dma_wait3A_188 : memref<!tpu.dma_semaphore, #tpu.memory_space<semaphore_mem>>) src(%dma_wait3A_199 : memref<128x128xf32, #tpu.memory_space<hbm>>) dst(%dma_wait3A_192 : memref<128x128xf32, #tpu.memory_space<vmem>>)
    %add3A_200 = arith.constant 4480 : i32
    %add3A_201 = arith.addi %mul3A_32, %add3A_200 : i32
    %dma_start3A_202 = arith.constant 0 : i32
    %dma_start3A_203 = arith.constant 0 : i32
    %dma_start3A_204 = arith.constant 0 : i32
    %dma_start3A_205 = arith.constant 0 : i32
    %dma_start3A_206 = tpu.memref_slice %arg6[%dma_start3A_202, %dma_start3A_204, %dma_start3A_205] : memref<7x128x128xf32, #tpu.memory_space<vmem>> -> memref<1x128x128xf32, #tpu.memory_space<vmem>>
    %dma_start3A_207 = tpu.memref_squeeze %dma_start3A_206 : memref<1x128x128xf32, #tpu.memory_space<vmem>> -> memref<128x128xf32, #tpu.memory_space<vmem>>
    %dma_start3A_208 = arith.constant 0 : i32
    %dma_start3A_209 = arith.constant 0 : i32
    %dma_start3A_210 = tpu.memref_slice %arg4[%select_n3A, %dma_start3A_208, %dma_start3A_209] : memref<8x25000x128xf32, #tpu.memory_space<hbm>> -> memref<1x25000x128xf32, #tpu.memory_space<hbm>>
    %dma_start3A_211 = tpu.memref_squeeze %dma_start3A_210 : memref<1x25000x128xf32, #tpu.memory_space<hbm>> -> memref<25000x128xf32, #tpu.memory_space<hbm>>
    %dma_start3A_212 = arith.constant 0 : i32
    %dma_start3A_213 = tpu.memref_slice %dma_start3A_211[%add3A_201, %dma_start3A_212] : memref<25000x128xf32, #tpu.memory_space<hbm>> -> memref<128x128xf32, #tpu.memory_space<hbm>>
    %dma_start3A_214 = tpu.memref_slice %arg8[%dma_start3A_203] : memref<7x!tpu.dma_semaphore, #tpu.memory_space<semaphore_mem>> -> memref<1x!tpu.dma_semaphore, #tpu.memory_space<semaphore_mem>>
    %dma_start3A_215 = tpu.memref_squeeze %dma_start3A_214 : memref<1x!tpu.dma_semaphore, #tpu.memory_space<semaphore_mem>> -> memref<!tpu.dma_semaphore, #tpu.memory_space<semaphore_mem>>
    %dma_start3A_216 = arith.constant 0 : i32
    %dma_start3A_217 = arith.constant 0 : i32
    %dma_start3A_218 = tpu.memref_slice %arg4[%select_n3A, %dma_start3A_216, %dma_start3A_217] : memref<8x25000x128xf32, #tpu.memory_space<hbm>> -> memref<1x25000x128xf32, #tpu.memory_space<hbm>>
    %dma_start3A_219 = tpu.memref_squeeze %dma_start3A_218 : memref<1x25000x128xf32, #tpu.memory_space<hbm>> -> memref<25000x128xf32, #tpu.memory_space<hbm>>
    %dma_start3A_220 = arith.constant 0 : i32
    %dma_start3A_221 = tpu.memref_slice %dma_start3A_219[%add3A_201, %dma_start3A_220] : memref<25000x128xf32, #tpu.memory_space<hbm>> -> memref<128x128xf32, #tpu.memory_space<hbm>>
    %dma_start3A_222 = arith.constant 0 : i32
    %dma_start3A_223 = arith.constant 0 : i32
    %dma_start3A_224 = tpu.memref_slice %arg6[%dma_start3A_202, %dma_start3A_222, %dma_start3A_223] : memref<7x128x128xf32, #tpu.memory_space<vmem>> -> memref<1x128x128xf32, #tpu.memory_space<vmem>>
    %dma_start3A_225 = tpu.memref_squeeze %dma_start3A_224 : memref<1x128x128xf32, #tpu.memory_space<vmem>> -> memref<128x128xf32, #tpu.memory_space<vmem>>
    tpu.enqueue_dma source(%dma_start3A_225 : memref<128x128xf32, #tpu.memory_space<vmem>>) target(%dma_start3A_221 : memref<128x128xf32, #tpu.memory_space<hbm>>) target_semaphore(%dma_start3A_215 : memref<!tpu.dma_semaphore, #tpu.memory_space<semaphore_mem>>)
    %dma_wait3A_226 = arith.constant 1 : i32
    %dma_wait3A_227 = arith.constant 1 : i32
    %dma_wait3A_228 = arith.constant 0 : i32
    %dma_wait3A_229 = arith.constant 0 : i32
    %dma_wait3A_230 = tpu.memref_slice %arg6[%dma_wait3A_226, %dma_wait3A_228, %dma_wait3A_229] : memref<7x128x128xf32, #tpu.memory_space<vmem>> -> memref<1x128x128xf32, #tpu.memory_space<vmem>>
    %dma_wait3A_231 = tpu.memref_squeeze %dma_wait3A_230 : memref<1x128x128xf32, #tpu.memory_space<vmem>> -> memref<128x128xf32, #tpu.memory_space<vmem>>
    %dma_wait3A_232 = arith.constant 0 : i32
    %dma_wait3A_233 = arith.constant 0 : i32
    %dma_wait3A_234 = tpu.memref_slice %arg2[%select_n3A, %dma_wait3A_232, %dma_wait3A_233] : memref<8x50000x128xf32, #tpu.memory_space<hbm>> -> memref<1x50000x128xf32, #tpu.memory_space<hbm>>
    %dma_wait3A_235 = tpu.memref_squeeze %dma_wait3A_234 : memref<1x50000x128xf32, #tpu.memory_space<hbm>> -> memref<50000x128xf32, #tpu.memory_space<hbm>>
    %dma_wait3A_236 = arith.constant 0 : i32
    %dma_wait3A_237 = arith.constant 0 : i32
    %dma_wait3A_238 = tpu.memref_slice %dma_wait3A_235[%dma_wait3A_236, %dma_wait3A_237] : memref<50000x128xf32, #tpu.memory_space<hbm>> -> memref<128x128xf32, #tpu.memory_space<hbm>>
    %dma_wait3A_239 = tpu.memref_slice %arg7[%dma_wait3A_227] : memref<7x!tpu.dma_semaphore, #tpu.memory_space<semaphore_mem>> -> memref<1x!tpu.dma_semaphore, #tpu.memory_space<semaphore_mem>>
    %dma_wait3A_240 = tpu.memref_squeeze %dma_wait3A_239 : memref<1x!tpu.dma_semaphore, #tpu.memory_space<semaphore_mem>> -> memref<!tpu.dma_semaphore, #tpu.memory_space<semaphore_mem>>
    %dma_wait3A_241 = arith.constant 0 : i32
    %dma_wait3A_242 = arith.constant 0 : i32
    %dma_wait3A_243 = tpu.memref_slice %arg6[%dma_wait3A_226, %dma_wait3A_241, %dma_wait3A_242] : memref<7x128x128xf32, #tpu.memory_space<vmem>> -> memref<1x128x128xf32, #tpu.memory_space<vmem>>
    %dma_wait3A_244 = tpu.memref_squeeze %dma_wait3A_243 : memref<1x128x128xf32, #tpu.memory_space<vmem>> -> memref<128x128xf32, #tpu.memory_space<vmem>>
    %dma_wait3A_245 = arith.constant 0 : i32
    %dma_wait3A_246 = arith.constant 0 : i32
    %dma_wait3A_247 = tpu.memref_slice %arg2[%select_n3A, %dma_wait3A_245, %dma_wait3A_246] : memref<8x50000x128xf32, #tpu.memory_space<hbm>> -> memref<1x50000x128xf32, #tpu.memory_space<hbm>>
    %dma_wait3A_248 = tpu.memref_squeeze %dma_wait3A_247 : memref<1x50000x128xf32, #tpu.memory_space<hbm>> -> memref<50000x128xf32, #tpu.memory_space<hbm>>
    %dma_wait3A_249 = arith.constant 0 : i32
    %dma_wait3A_250 = arith.constant 0 : i32
    %dma_wait3A_251 = tpu.memref_slice %dma_wait3A_248[%dma_wait3A_249, %dma_wait3A_250] : memref<50000x128xf32, #tpu.memory_space<hbm>> -> memref<128x128xf32, #tpu.memory_space<hbm>>
    tpu.wait_dma2 semaphore(%dma_wait3A_240 : memref<!tpu.dma_semaphore, #tpu.memory_space<semaphore_mem>>) src(%dma_wait3A_251 : memref<128x128xf32, #tpu.memory_space<hbm>>) dst(%dma_wait3A_244 : memref<128x128xf32, #tpu.memory_space<vmem>>)
    %add3A_252 = arith.constant 4608 : i32
    %add3A_253 = arith.addi %mul3A_32, %add3A_252 : i32
    %dma_start3A_254 = arith.constant 1 : i32
    %dma_start3A_255 = arith.constant 1 : i32
    %dma_start3A_256 = arith.constant 0 : i32
    %dma_start3A_257 = arith.constant 0 : i32
    %dma_start3A_258 = tpu.memref_slice %arg6[%dma_start3A_254, %dma_start3A_256, %dma_start3A_257] : memref<7x128x128xf32, #tpu.memory_space<vmem>> -> memref<1x128x128xf32, #tpu.memory_space<vmem>>
    %dma_start3A_259 = tpu.memref_squeeze %dma_start3A_258 : memref<1x128x128xf32, #tpu.memory_space<vmem>> -> memref<128x128xf32, #tpu.memory_space<vmem>>
    %dma_start3A_260 = arith.constant 0 : i32
    %dma_start3A_261 = arith.constant 0 : i32
    %dma_start3A_262 = tpu.memref_slice %arg4[%select_n3A, %dma_start3A_260, %dma_start3A_261] : memref<8x25000x128xf32, #tpu.memory_space<hbm>> -> memref<1x25000x128xf32, #tpu.memory_space<hbm>>
    %dma_start3A_263 = tpu.memref_squeeze %dma_start3A_262 : memref<1x25000x128xf32, #tpu.memory_space<hbm>> -> memref<25000x128xf32, #tpu.memory_space<hbm>>
    %dma_start3A_264 = arith.constant 0 : i32
    %dma_start3A_265 = tpu.memref_slice %dma_start3A_263[%add3A_253, %dma_start3A_264] : memref<25000x128xf32, #tpu.memory_space<hbm>> -> memref<128x128xf32, #tpu.memory_space<hbm>>
    %dma_start3A_266 = tpu.memref_slice %arg8[%dma_start3A_255] : memref<7x!tpu.dma_semaphore, #tpu.memory_space<semaphore_mem>> -> memref<1x!tpu.dma_semaphore, #tpu.memory_space<semaphore_mem>>
    %dma_start3A_267 = tpu.memref_squeeze %dma_start3A_266 : memref<1x!tpu.dma_semaphore, #tpu.memory_space<semaphore_mem>> -> memref<!tpu.dma_semaphore, #tpu.memory_space<semaphore_mem>>
    %dma_start3A_268 = arith.constant 0 : i32
    %dma_start3A_269 = arith.constant 0 : i32
    %dma_start3A_270 = tpu.memref_slice %arg4[%select_n3A, %dma_start3A_268, %dma_start3A_269] : memref<8x25000x128xf32, #tpu.memory_space<hbm>> -> memref<1x25000x128xf32, #tpu.memory_space<hbm>>
    %dma_start3A_271 = tpu.memref_squeeze %dma_start3A_270 : memref<1x25000x128xf32, #tpu.memory_space<hbm>> -> memref<25000x128xf32, #tpu.memory_space<hbm>>
    %dma_start3A_272 = arith.constant 0 : i32
    %dma_start3A_273 = tpu.memref_slice %dma_start3A_271[%add3A_253, %dma_start3A_272] : memref<25000x128xf32, #tpu.memory_space<hbm>> -> memref<128x128xf32, #tpu.memory_space<hbm>>
    %dma_start3A_274 = arith.constant 0 : i32
    %dma_start3A_275 = arith.constant 0 : i32
    %dma_start3A_276 = tpu.memref_slice %arg6[%dma_start3A_254, %dma_start3A_274, %dma_start3A_275] : memref<7x128x128xf32, #tpu.memory_space<vmem>> -> memref<1x128x128xf32, #tpu.memory_space<vmem>>
    %dma_start3A_277 = tpu.memref_squeeze %dma_start3A_276 : memref<1x128x128xf32, #tpu.memory_space<vmem>> -> memref<128x128xf32, #tpu.memory_space<vmem>>
    tpu.enqueue_dma source(%dma_start3A_277 : memref<128x128xf32, #tpu.memory_space<vmem>>) target(%dma_start3A_273 : memref<128x128xf32, #tpu.memory_space<hbm>>) target_semaphore(%dma_start3A_267 : memref<!tpu.dma_semaphore, #tpu.memory_space<semaphore_mem>>)
    %dma_wait3A_278 = arith.constant 2 : i32
    %dma_wait3A_279 = arith.constant 2 : i32
    %dma_wait3A_280 = arith.constant 0 : i32
    %dma_wait3A_281 = arith.constant 0 : i32
    %dma_wait3A_282 = tpu.memref_slice %arg6[%dma_wait3A_278, %dma_wait3A_280, %dma_wait3A_281] : memref<7x128x128xf32, #tpu.memory_space<vmem>> -> memref<1x128x128xf32, #tpu.memory_space<vmem>>
    %dma_wait3A_283 = tpu.memref_squeeze %dma_wait3A_282 : memref<1x128x128xf32, #tpu.memory_space<vmem>> -> memref<128x128xf32, #tpu.memory_space<vmem>>
    %dma_wait3A_284 = arith.constant 0 : i32
    %dma_wait3A_285 = arith.constant 0 : i32
    %dma_wait3A_286 = tpu.memref_slice %arg2[%select_n3A, %dma_wait3A_284, %dma_wait3A_285] : memref<8x50000x128xf32, #tpu.memory_space<hbm>> -> memref<1x50000x128xf32, #tpu.memory_space<hbm>>
    %dma_wait3A_287 = tpu.memref_squeeze %dma_wait3A_286 : memref<1x50000x128xf32, #tpu.memory_space<hbm>> -> memref<50000x128xf32, #tpu.memory_space<hbm>>
    %dma_wait3A_288 = arith.constant 0 : i32
    %dma_wait3A_289 = arith.constant 0 : i32
    %dma_wait3A_290 = tpu.memref_slice %dma_wait3A_287[%dma_wait3A_288, %dma_wait3A_289] : memref<50000x128xf32, #tpu.memory_space<hbm>> -> memref<128x128xf32, #tpu.memory_space<hbm>>
    %dma_wait3A_291 = tpu.memref_slice %arg7[%dma_wait3A_279] : memref<7x!tpu.dma_semaphore, #tpu.memory_space<semaphore_mem>> -> memref<1x!tpu.dma_semaphore, #tpu.memory_space<semaphore_mem>>
    %dma_wait3A_292 = tpu.memref_squeeze %dma_wait3A_291 : memref<1x!tpu.dma_semaphore, #tpu.memory_space<semaphore_mem>> -> memref<!tpu.dma_semaphore, #tpu.memory_space<semaphore_mem>>
    %dma_wait3A_293 = arith.constant 0 : i32
    %dma_wait3A_294 = arith.constant 0 : i32
    %dma_wait3A_295 = tpu.memref_slice %arg6[%dma_wait3A_278, %dma_wait3A_293, %dma_wait3A_294] : memref<7x128x128xf32, #tpu.memory_space<vmem>> -> memref<1x128x128xf32, #tpu.memory_space<vmem>>
    %dma_wait3A_296 = tpu.memref_squeeze %dma_wait3A_295 : memref<1x128x128xf32, #tpu.memory_space<vmem>> -> memref<128x128xf32, #tpu.memory_space<vmem>>
    %dma_wait3A_297 = arith.constant 0 : i32
    %dma_wait3A_298 = arith.constant 0 : i32
    %dma_wait3A_299 = tpu.memref_slice %arg2[%select_n3A, %dma_wait3A_297, %dma_wait3A_298] : memref<8x50000x128xf32, #tpu.memory_space<hbm>> -> memref<1x50000x128xf32, #tpu.memory_space<hbm>>
    %dma_wait3A_300 = tpu.memref_squeeze %dma_wait3A_299 : memref<1x50000x128xf32, #tpu.memory_space<hbm>> -> memref<50000x128xf32, #tpu.memory_space<hbm>>
    %dma_wait3A_301 = arith.constant 0 : i32
    %dma_wait3A_302 = arith.constant 0 : i32
    %dma_wait3A_303 = tpu.memref_slice %dma_wait3A_300[%dma_wait3A_301, %dma_wait3A_302] : memref<50000x128xf32, #tpu.memory_space<hbm>> -> memref<128x128xf32, #tpu.memory_space<hbm>>
    tpu.wait_dma2 semaphore(%dma_wait3A_292 : memref<!tpu.dma_semaphore, #tpu.memory_space<semaphore_mem>>) src(%dma_wait3A_303 : memref<128x128xf32, #tpu.memory_space<hbm>>) dst(%dma_wait3A_296 : memref<128x128xf32, #tpu.memory_space<vmem>>)
    %add3A_304 = arith.constant 4736 : i32
    %add3A_305 = arith.addi %mul3A_32, %add3A_304 : i32
    %dma_start3A_306 = arith.constant 2 : i32
    %dma_start3A_307 = arith.constant 2 : i32
    %dma_start3A_308 = arith.constant 0 : i32
    %dma_start3A_309 = arith.constant 0 : i32
    %dma_start3A_310 = tpu.memref_slice %arg6[%dma_start3A_306, %dma_start3A_308, %dma_start3A_309] : memref<7x128x128xf32, #tpu.memory_space<vmem>> -> memref<1x128x128xf32, #tpu.memory_space<vmem>>
    %dma_start3A_311 = tpu.memref_squeeze %dma_start3A_310 : memref<1x128x128xf32, #tpu.memory_space<vmem>> -> memref<128x128xf32, #tpu.memory_space<vmem>>
    %dma_start3A_312 = arith.constant 0 : i32
    %dma_start3A_313 = arith.constant 0 : i32
    %dma_start3A_314 = tpu.memref_slice %arg4[%select_n3A, %dma_start3A_312, %dma_start3A_313] : memref<8x25000x128xf32, #tpu.memory_space<hbm>> -> memref<1x25000x128xf32, #tpu.memory_space<hbm>>
    %dma_start3A_315 = tpu.memref_squeeze %dma_start3A_314 : memref<1x25000x128xf32, #tpu.memory_space<hbm>> -> memref<25000x128xf32, #tpu.memory_space<hbm>>
    %dma_start3A_316 = arith.constant 0 : i32
    %dma_start3A_317 = tpu.memref_slice %dma_start3A_315[%add3A_305, %dma_start3A_316] : memref<25000x128xf32, #tpu.memory_space<hbm>> -> memref<128x128xf32, #tpu.memory_space<hbm>>
    %dma_start3A_318 = tpu.memref_slice %arg8[%dma_start3A_307] : memref<7x!tpu.dma_semaphore, #tpu.memory_space<semaphore_mem>> -> memref<1x!tpu.dma_semaphore, #tpu.memory_space<semaphore_mem>>
    %dma_start3A_319 = tpu.memref_squeeze %dma_start3A_318 : memref<1x!tpu.dma_semaphore, #tpu.memory_space<semaphore_mem>> -> memref<!tpu.dma_semaphore, #tpu.memory_space<semaphore_mem>>
    %dma_start3A_320 = arith.constant 0 : i32
    %dma_start3A_321 = arith.constant 0 : i32
    %dma_start3A_322 = tpu.memref_slice %arg4[%select_n3A, %dma_start3A_320, %dma_start3A_321] : memref<8x25000x128xf32, #tpu.memory_space<hbm>> -> memref<1x25000x128xf32, #tpu.memory_space<hbm>>
    %dma_start3A_323 = tpu.memref_squeeze %dma_start3A_322 : memref<1x25000x128xf32, #tpu.memory_space<hbm>> -> memref<25000x128xf32, #tpu.memory_space<hbm>>
    %dma_start3A_324 = arith.constant 0 : i32
    %dma_start3A_325 = tpu.memref_slice %dma_start3A_323[%add3A_305, %dma_start3A_324] : memref<25000x128xf32, #tpu.memory_space<hbm>> -> memref<128x128xf32, #tpu.memory_space<hbm>>
    %dma_start3A_326 = arith.constant 0 : i32
    %dma_start3A_327 = arith.constant 0 : i32
    %dma_start3A_328 = tpu.memref_slice %arg6[%dma_start3A_306, %dma_start3A_326, %dma_start3A_327] : memref<7x128x128xf32, #tpu.memory_space<vmem>> -> memref<1x128x128xf32, #tpu.memory_space<vmem>>
    %dma_start3A_329 = tpu.memref_squeeze %dma_start3A_328 : memref<1x128x128xf32, #tpu.memory_space<vmem>> -> memref<128x128xf32, #tpu.memory_space<vmem>>
    tpu.enqueue_dma source(%dma_start3A_329 : memref<128x128xf32, #tpu.memory_space<vmem>>) target(%dma_start3A_325 : memref<128x128xf32, #tpu.memory_space<hbm>>) target_semaphore(%dma_start3A_319 : memref<!tpu.dma_semaphore, #tpu.memory_space<semaphore_mem>>)
    %dma_wait3A_330 = arith.constant 3 : i32
    %dma_wait3A_331 = arith.constant 3 : i32
    %dma_wait3A_332 = arith.constant 0 : i32
    %dma_wait3A_333 = arith.constant 0 : i32
    %dma_wait3A_334 = tpu.memref_slice %arg6[%dma_wait3A_330, %dma_wait3A_332, %dma_wait3A_333] : memref<7x128x128xf32, #tpu.memory_space<vmem>> -> memref<1x128x128xf32, #tpu.memory_space<vmem>>
    %dma_wait3A_335 = tpu.memref_squeeze %dma_wait3A_334 : memref<1x128x128xf32, #tpu.memory_space<vmem>> -> memref<128x128xf32, #tpu.memory_space<vmem>>
    %dma_wait3A_336 = arith.constant 0 : i32
    %dma_wait3A_337 = arith.constant 0 : i32
    %dma_wait3A_338 = tpu.memref_slice %arg2[%select_n3A, %dma_wait3A_336, %dma_wait3A_337] : memref<8x50000x128xf32, #tpu.memory_space<hbm>> -> memref<1x50000x128xf32, #tpu.memory_space<hbm>>
    %dma_wait3A_339 = tpu.memref_squeeze %dma_wait3A_338 : memref<1x50000x128xf32, #tpu.memory_space<hbm>> -> memref<50000x128xf32, #tpu.memory_space<hbm>>
    %dma_wait3A_340 = arith.constant 0 : i32
    %dma_wait3A_341 = arith.constant 0 : i32
    %dma_wait3A_342 = tpu.memref_slice %dma_wait3A_339[%dma_wait3A_340, %dma_wait3A_341] : memref<50000x128xf32, #tpu.memory_space<hbm>> -> memref<128x128xf32, #tpu.memory_space<hbm>>
    %dma_wait3A_343 = tpu.memref_slice %arg7[%dma_wait3A_331] : memref<7x!tpu.dma_semaphore, #tpu.memory_space<semaphore_mem>> -> memref<1x!tpu.dma_semaphore, #tpu.memory_space<semaphore_mem>>
    %dma_wait3A_344 = tpu.memref_squeeze %dma_wait3A_343 : memref<1x!tpu.dma_semaphore, #tpu.memory_space<semaphore_mem>> -> memref<!tpu.dma_semaphore, #tpu.memory_space<semaphore_mem>>
    %dma_wait3A_345 = arith.constant 0 : i32
    %dma_wait3A_346 = arith.constant 0 : i32
    %dma_wait3A_347 = tpu.memref_slice %arg6[%dma_wait3A_330, %dma_wait3A_345, %dma_wait3A_346] : memref<7x128x128xf32, #tpu.memory_space<vmem>> -> memref<1x128x128xf32, #tpu.memory_space<vmem>>
    %dma_wait3A_348 = tpu.memref_squeeze %dma_wait3A_347 : memref<1x128x128xf32, #tpu.memory_space<vmem>> -> memref<128x128xf32, #tpu.memory_space<vmem>>
    %dma_wait3A_349 = arith.constant 0 : i32
    %dma_wait3A_350 = arith.constant 0 : i32
    %dma_wait3A_351 = tpu.memref_slice %arg2[%select_n3A, %dma_wait3A_349, %dma_wait3A_350] : memref<8x50000x128xf32, #tpu.memory_space<hbm>> -> memref<1x50000x128xf32, #tpu.memory_space<hbm>>
    %dma_wait3A_352 = tpu.memref_squeeze %dma_wait3A_351 : memref<1x50000x128xf32, #tpu.memory_space<hbm>> -> memref<50000x128xf32, #tpu.memory_space<hbm>>
    %dma_wait3A_353 = arith.constant 0 : i32
    %dma_wait3A_354 = arith.constant 0 : i32
    %dma_wait3A_355 = tpu.memref_slice %dma_wait3A_352[%dma_wait3A_353, %dma_wait3A_354] : memref<50000x128xf32, #tpu.memory_space<hbm>> -> memref<128x128xf32, #tpu.memory_space<hbm>>
    tpu.wait_dma2 semaphore(%dma_wait3A_344 : memref<!tpu.dma_semaphore, #tpu.memory_space<semaphore_mem>>) src(%dma_wait3A_355 : memref<128x128xf32, #tpu.memory_space<hbm>>) dst(%dma_wait3A_348 : memref<128x128xf32, #tpu.memory_space<vmem>>)
    %add3A_356 = arith.constant 4864 : i32
    %add3A_357 = arith.addi %mul3A_32, %add3A_356 : i32
    %dma_start3A_358 = arith.constant 3 : i32
    %dma_start3A_359 = arith.constant 3 : i32
    %dma_start3A_360 = arith.constant 0 : i32
    %dma_start3A_361 = arith.constant 0 : i32
    %dma_start3A_362 = tpu.memref_slice %arg6[%dma_start3A_358, %dma_start3A_360, %dma_start3A_361] : memref<7x128x128xf32, #tpu.memory_space<vmem>> -> memref<1x128x128xf32, #tpu.memory_space<vmem>>
    %dma_start3A_363 = tpu.memref_squeeze %dma_start3A_362 : memref<1x128x128xf32, #tpu.memory_space<vmem>> -> memref<128x128xf32, #tpu.memory_space<vmem>>
    %dma_start3A_364 = arith.constant 0 : i32
    %dma_start3A_365 = arith.constant 0 : i32
    %dma_start3A_366 = tpu.memref_slice %arg4[%select_n3A, %dma_start3A_364, %dma_start3A_365] : memref<8x25000x128xf32, #tpu.memory_space<hbm>> -> memref<1x25000x128xf32, #tpu.memory_space<hbm>>
    %dma_start3A_367 = tpu.memref_squeeze %dma_start3A_366 : memref<1x25000x128xf32, #tpu.memory_space<hbm>> -> memref<25000x128xf32, #tpu.memory_space<hbm>>
    %dma_start3A_368 = arith.constant 0 : i32
    %dma_start3A_369 = tpu.memref_slice %dma_start3A_367[%add3A_357, %dma_start3A_368] : memref<25000x128xf32, #tpu.memory_space<hbm>> -> memref<128x128xf32, #tpu.memory_space<hbm>>
    %dma_start3A_370 = tpu.memref_slice %arg8[%dma_start3A_359] : memref<7x!tpu.dma_semaphore, #tpu.memory_space<semaphore_mem>> -> memref<1x!tpu.dma_semaphore, #tpu.memory_space<semaphore_mem>>
    %dma_start3A_371 = tpu.memref_squeeze %dma_start3A_370 : memref<1x!tpu.dma_semaphore, #tpu.memory_space<semaphore_mem>> -> memref<!tpu.dma_semaphore, #tpu.memory_space<semaphore_mem>>
    %dma_start3A_372 = arith.constant 0 : i32
    %dma_start3A_373 = arith.constant 0 : i32
    %dma_start3A_374 = tpu.memref_slice %arg4[%select_n3A, %dma_start3A_372, %dma_start3A_373] : memref<8x25000x128xf32, #tpu.memory_space<hbm>> -> memref<1x25000x128xf32, #tpu.memory_space<hbm>>
    %dma_start3A_375 = tpu.memref_squeeze %dma_start3A_374 : memref<1x25000x128xf32, #tpu.memory_space<hbm>> -> memref<25000x128xf32, #tpu.memory_space<hbm>>
    %dma_start3A_376 = arith.constant 0 : i32
    %dma_start3A_377 = tpu.memref_slice %dma_start3A_375[%add3A_357, %dma_start3A_376] : memref<25000x128xf32, #tpu.memory_space<hbm>> -> memref<128x128xf32, #tpu.memory_space<hbm>>
    %dma_start3A_378 = arith.constant 0 : i32
    %dma_start3A_379 = arith.constant 0 : i32
    %dma_start3A_380 = tpu.memref_slice %arg6[%dma_start3A_358, %dma_start3A_378, %dma_start3A_379] : memref<7x128x128xf32, #tpu.memory_space<vmem>> -> memref<1x128x128xf32, #tpu.memory_space<vmem>>
    %dma_start3A_381 = tpu.memref_squeeze %dma_start3A_380 : memref<1x128x128xf32, #tpu.memory_space<vmem>> -> memref<128x128xf32, #tpu.memory_space<vmem>>
    tpu.enqueue_dma source(%dma_start3A_381 : memref<128x128xf32, #tpu.memory_space<vmem>>) target(%dma_start3A_377 : memref<128x128xf32, #tpu.memory_space<hbm>>) target_semaphore(%dma_start3A_371 : memref<!tpu.dma_semaphore, #tpu.memory_space<semaphore_mem>>)
    %dma_wait3A_382 = arith.constant 4 : i32
    %dma_wait3A_383 = arith.constant 4 : i32
    %dma_wait3A_384 = arith.constant 0 : i32
    %dma_wait3A_385 = arith.constant 0 : i32
    %dma_wait3A_386 = tpu.memref_slice %arg6[%dma_wait3A_382, %dma_wait3A_384, %dma_wait3A_385] : memref<7x128x128xf32, #tpu.memory_space<vmem>> -> memref<1x128x128xf32, #tpu.memory_space<vmem>>
    %dma_wait3A_387 = tpu.memref_squeeze %dma_wait3A_386 : memref<1x128x128xf32, #tpu.memory_space<vmem>> -> memref<128x128xf32, #tpu.memory_space<vmem>>
    %dma_wait3A_388 = arith.constant 0 : i32
    %dma_wait3A_389 = arith.constant 0 : i32
    %dma_wait3A_390 = tpu.memref_slice %arg2[%select_n3A, %dma_wait3A_388, %dma_wait3A_389] : memref<8x50000x128xf32, #tpu.memory_space<hbm>> -> memref<1x50000x128xf32, #tpu.memory_space<hbm>>
    %dma_wait3A_391 = tpu.memref_squeeze %dma_wait3A_390 : memref<1x50000x128xf32, #tpu.memory_space<hbm>> -> memref<50000x128xf32, #tpu.memory_space<hbm>>
    %dma_wait3A_392 = arith.constant 0 : i32
    %dma_wait3A_393 = arith.constant 0 : i32
    %dma_wait3A_394 = tpu.memref_slice %dma_wait3A_391[%dma_wait3A_392, %dma_wait3A_393] : memref<50000x128xf32, #tpu.memory_space<hbm>> -> memref<128x128xf32, #tpu.memory_space<hbm>>
    %dma_wait3A_395 = tpu.memref_slice %arg7[%dma_wait3A_383] : memref<7x!tpu.dma_semaphore, #tpu.memory_space<semaphore_mem>> -> memref<1x!tpu.dma_semaphore, #tpu.memory_space<semaphore_mem>>
    %dma_wait3A_396 = tpu.memref_squeeze %dma_wait3A_395 : memref<1x!tpu.dma_semaphore, #tpu.memory_space<semaphore_mem>> -> memref<!tpu.dma_semaphore, #tpu.memory_space<semaphore_mem>>
    %dma_wait3A_397 = arith.constant 0 : i32
    %dma_wait3A_398 = arith.constant 0 : i32
    %dma_wait3A_399 = tpu.memref_slice %arg6[%dma_wait3A_382, %dma_wait3A_397, %dma_wait3A_398] : memref<7x128x128xf32, #tpu.memory_space<vmem>> -> memref<1x128x128xf32, #tpu.memory_space<vmem>>
    %dma_wait3A_400 = tpu.memref_squeeze %dma_wait3A_399 : memref<1x128x128xf32, #tpu.memory_space<vmem>> -> memref<128x128xf32, #tpu.memory_space<vmem>>
    %dma_wait3A_401 = arith.constant 0 : i32
    %dma_wait3A_402 = arith.constant 0 : i32
    %dma_wait3A_403 = tpu.memref_slice %arg2[%select_n3A, %dma_wait3A_401, %dma_wait3A_402] : memref<8x50000x128xf32, #tpu.memory_space<hbm>> -> memref<1x50000x128xf32, #tpu.memory_space<hbm>>
    %dma_wait3A_404 = tpu.memref_squeeze %dma_wait3A_403 : memref<1x50000x128xf32, #tpu.memory_space<hbm>> -> memref<50000x128xf32, #tpu.memory_space<hbm>>
    %dma_wait3A_405 = arith.constant 0 : i32
    %dma_wait3A_406 = arith.constant 0 : i32
    %dma_wait3A_407 = tpu.memref_slice %dma_wait3A_404[%dma_wait3A_405, %dma_wait3A_406] : memref<50000x128xf32, #tpu.memory_space<hbm>> -> memref<128x128xf32, #tpu.memory_space<hbm>>
    tpu.wait_dma2 semaphore(%dma_wait3A_396 : memref<!tpu.dma_semaphore, #tpu.memory_space<semaphore_mem>>) src(%dma_wait3A_407 : memref<128x128xf32, #tpu.memory_space<hbm>>) dst(%dma_wait3A_400 : memref<128x128xf32, #tpu.memory_space<vmem>>)
    %add3A_408 = arith.constant 4992 : i32
    %add3A_409 = arith.addi %mul3A_32, %add3A_408 : i32
    %dma_start3A_410 = arith.constant 4 : i32
    %dma_start3A_411 = arith.constant 4 : i32
    %dma_start3A_412 = arith.constant 0 : i32
    %dma_start3A_413 = arith.constant 0 : i32
    %dma_start3A_414 = tpu.memref_slice %arg6[%dma_start3A_410, %dma_start3A_412, %dma_start3A_413] : memref<7x128x128xf32, #tpu.memory_space<vmem>> -> memref<1x128x128xf32, #tpu.memory_space<vmem>>
    %dma_start3A_415 = tpu.memref_squeeze %dma_start3A_414 : memref<1x128x128xf32, #tpu.memory_space<vmem>> -> memref<128x128xf32, #tpu.memory_space<vmem>>
    %dma_start3A_416 = arith.constant 0 : i32
    %dma_start3A_417 = arith.constant 0 : i32
    %dma_start3A_418 = tpu.memref_slice %arg4[%select_n3A, %dma_start3A_416, %dma_start3A_417] : memref<8x25000x128xf32, #tpu.memory_space<hbm>> -> memref<1x25000x128xf32, #tpu.memory_space<hbm>>
    %dma_start3A_419 = tpu.memref_squeeze %dma_start3A_418 : memref<1x25000x128xf32, #tpu.memory_space<hbm>> -> memref<25000x128xf32, #tpu.memory_space<hbm>>
    %dma_start3A_420 = arith.constant 0 : i32
    %dma_start3A_421 = tpu.memref_slice %dma_start3A_419[%add3A_409, %dma_start3A_420] : memref<25000x128xf32, #tpu.memory_space<hbm>> -> memref<128x128xf32, #tpu.memory_space<hbm>>
    %dma_start3A_422 = tpu.memref_slice %arg8[%dma_start3A_411] : memref<7x!tpu.dma_semaphore, #tpu.memory_space<semaphore_mem>> -> memref<1x!tpu.dma_semaphore, #tpu.memory_space<semaphore_mem>>
    %dma_start3A_423 = tpu.memref_squeeze %dma_start3A_422 : memref<1x!tpu.dma_semaphore, #tpu.memory_space<semaphore_mem>> -> memref<!tpu.dma_semaphore, #tpu.memory_space<semaphore_mem>>
    %dma_start3A_424 = arith.constant 0 : i32
    %dma_start3A_425 = arith.constant 0 : i32
    %dma_start3A_426 = tpu.memref_slice %arg4[%select_n3A, %dma_start3A_424, %dma_start3A_425] : memref<8x25000x128xf32, #tpu.memory_space<hbm>> -> memref<1x25000x128xf32, #tpu.memory_space<hbm>>
    %dma_start3A_427 = tpu.memref_squeeze %dma_start3A_426 : memref<1x25000x128xf32, #tpu.memory_space<hbm>> -> memref<25000x128xf32, #tpu.memory_space<hbm>>
    %dma_start3A_428 = arith.constant 0 : i32
    %dma_start3A_429 = tpu.memref_slice %dma_start3A_427[%add3A_409, %dma_start3A_428] : memref<25000x128xf32, #tpu.memory_space<hbm>> -> memref<128x128xf32, #tpu.memory_space<hbm>>
    %dma_start3A_430 = arith.constant 0 : i32
    %dma_start3A_431 = arith.constant 0 : i32
    %dma_start3A_432 = tpu.memref_slice %arg6[%dma_start3A_410, %dma_start3A_430, %dma_start3A_431] : memref<7x128x128xf32, #tpu.memory_space<vmem>> -> memref<1x128x128xf32, #tpu.memory_space<vmem>>
    %dma_start3A_433 = tpu.memref_squeeze %dma_start3A_432 : memref<1x128x128xf32, #tpu.memory_space<vmem>> -> memref<128x128xf32, #tpu.memory_space<vmem>>
    tpu.enqueue_dma source(%dma_start3A_433 : memref<128x128xf32, #tpu.memory_space<vmem>>) target(%dma_start3A_429 : memref<128x128xf32, #tpu.memory_space<hbm>>) target_semaphore(%dma_start3A_423 : memref<!tpu.dma_semaphore, #tpu.memory_space<semaphore_mem>>)
    %dma_wait3A_434 = arith.constant 5 : i32
    %dma_wait3A_435 = arith.constant 5 : i32
    %dma_wait3A_436 = arith.constant 0 : i32
    %dma_wait3A_437 = arith.constant 0 : i32
    %dma_wait3A_438 = tpu.memref_slice %arg6[%dma_wait3A_434, %dma_wait3A_436, %dma_wait3A_437] : memref<7x128x128xf32, #tpu.memory_space<vmem>> -> memref<1x128x128xf32, #tpu.memory_space<vmem>>
    %dma_wait3A_439 = tpu.memref_squeeze %dma_wait3A_438 : memref<1x128x128xf32, #tpu.memory_space<vmem>> -> memref<128x128xf32, #tpu.memory_space<vmem>>
    %dma_wait3A_440 = arith.constant 0 : i32
    %dma_wait3A_441 = arith.constant 0 : i32
    %dma_wait3A_442 = tpu.memref_slice %arg2[%select_n3A, %dma_wait3A_440, %dma_wait3A_441] : memref<8x50000x128xf32, #tpu.memory_space<hbm>> -> memref<1x50000x128xf32, #tpu.memory_space<hbm>>
    %dma_wait3A_443 = tpu.memref_squeeze %dma_wait3A_442 : memref<1x50000x128xf32, #tpu.memory_space<hbm>> -> memref<50000x128xf32, #tpu.memory_space<hbm>>
    %dma_wait3A_444 = arith.constant 0 : i32
    %dma_wait3A_445 = arith.constant 0 : i32
    %dma_wait3A_446 = tpu.memref_slice %dma_wait3A_443[%dma_wait3A_444, %dma_wait3A_445] : memref<50000x128xf32, #tpu.memory_space<hbm>> -> memref<128x128xf32, #tpu.memory_space<hbm>>
    %dma_wait3A_447 = tpu.memref_slice %arg7[%dma_wait3A_435] : memref<7x!tpu.dma_semaphore, #tpu.memory_space<semaphore_mem>> -> memref<1x!tpu.dma_semaphore, #tpu.memory_space<semaphore_mem>>
    %dma_wait3A_448 = tpu.memref_squeeze %dma_wait3A_447 : memref<1x!tpu.dma_semaphore, #tpu.memory_space<semaphore_mem>> -> memref<!tpu.dma_semaphore, #tpu.memory_space<semaphore_mem>>
    %dma_wait3A_449 = arith.constant 0 : i32
    %dma_wait3A_450 = arith.constant 0 : i32
    %dma_wait3A_451 = tpu.memref_slice %arg6[%dma_wait3A_434, %dma_wait3A_449, %dma_wait3A_450] : memref<7x128x128xf32, #tpu.memory_space<vmem>> -> memref<1x128x128xf32, #tpu.memory_space<vmem>>
    %dma_wait3A_452 = tpu.memref_squeeze %dma_wait3A_451 : memref<1x128x128xf32, #tpu.memory_space<vmem>> -> memref<128x128xf32, #tpu.memory_space<vmem>>
    %dma_wait3A_453 = arith.constant 0 : i32
    %dma_wait3A_454 = arith.constant 0 : i32
    %dma_wait3A_455 = tpu.memref_slice %arg2[%select_n3A, %dma_wait3A_453, %dma_wait3A_454] : memref<8x50000x128xf32, #tpu.memory_space<hbm>> -> memref<1x50000x128xf32, #tpu.memory_space<hbm>>
    %dma_wait3A_456 = tpu.memref_squeeze %dma_wait3A_455 : memref<1x50000x128xf32, #tpu.memory_space<hbm>> -> memref<50000x128xf32, #tpu.memory_space<hbm>>
    %dma_wait3A_457 = arith.constant 0 : i32
    %dma_wait3A_458 = arith.constant 0 : i32
    %dma_wait3A_459 = tpu.memref_slice %dma_wait3A_456[%dma_wait3A_457, %dma_wait3A_458] : memref<50000x128xf32, #tpu.memory_space<hbm>> -> memref<128x128xf32, #tpu.memory_space<hbm>>
    tpu.wait_dma2 semaphore(%dma_wait3A_448 : memref<!tpu.dma_semaphore, #tpu.memory_space<semaphore_mem>>) src(%dma_wait3A_459 : memref<128x128xf32, #tpu.memory_space<hbm>>) dst(%dma_wait3A_452 : memref<128x128xf32, #tpu.memory_space<vmem>>)
    %add3A_460 = arith.constant 5120 : i32
    %add3A_461 = arith.addi %mul3A_32, %add3A_460 : i32
    %dma_start3A_462 = arith.constant 5 : i32
    %dma_start3A_463 = arith.constant 5 : i32
    %dma_start3A_464 = arith.constant 0 : i32
    %dma_start3A_465 = arith.constant 0 : i32
    %dma_start3A_466 = tpu.memref_slice %arg6[%dma_start3A_462, %dma_start3A_464, %dma_start3A_465] : memref<7x128x128xf32, #tpu.memory_space<vmem>> -> memref<1x128x128xf32, #tpu.memory_space<vmem>>
    %dma_start3A_467 = tpu.memref_squeeze %dma_start3A_466 : memref<1x128x128xf32, #tpu.memory_space<vmem>> -> memref<128x128xf32, #tpu.memory_space<vmem>>
    %dma_start3A_468 = arith.constant 0 : i32
    %dma_start3A_469 = arith.constant 0 : i32
    %dma_start3A_470 = tpu.memref_slice %arg4[%select_n3A, %dma_start3A_468, %dma_start3A_469] : memref<8x25000x128xf32, #tpu.memory_space<hbm>> -> memref<1x25000x128xf32, #tpu.memory_space<hbm>>
    %dma_start3A_471 = tpu.memref_squeeze %dma_start3A_470 : memref<1x25000x128xf32, #tpu.memory_space<hbm>> -> memref<25000x128xf32, #tpu.memory_space<hbm>>
    %dma_start3A_472 = arith.constant 0 : i32
    %dma_start3A_473 = tpu.memref_slice %dma_start3A_471[%add3A_461, %dma_start3A_472] : memref<25000x128xf32, #tpu.memory_space<hbm>> -> memref<128x128xf32, #tpu.memory_space<hbm>>
    %dma_start3A_474 = tpu.memref_slice %arg8[%dma_start3A_463] : memref<7x!tpu.dma_semaphore, #tpu.memory_space<semaphore_mem>> -> memref<1x!tpu.dma_semaphore, #tpu.memory_space<semaphore_mem>>
    %dma_start3A_475 = tpu.memref_squeeze %dma_start3A_474 : memref<1x!tpu.dma_semaphore, #tpu.memory_space<semaphore_mem>> -> memref<!tpu.dma_semaphore, #tpu.memory_space<semaphore_mem>>
    %dma_start3A_476 = arith.constant 0 : i32
    %dma_start3A_477 = arith.constant 0 : i32
    %dma_start3A_478 = tpu.memref_slice %arg4[%select_n3A, %dma_start3A_476, %dma_start3A_477] : memref<8x25000x128xf32, #tpu.memory_space<hbm>> -> memref<1x25000x128xf32, #tpu.memory_space<hbm>>
    %dma_start3A_479 = tpu.memref_squeeze %dma_start3A_478 : memref<1x25000x128xf32, #tpu.memory_space<hbm>> -> memref<25000x128xf32, #tpu.memory_space<hbm>>
    %dma_start3A_480 = arith.constant 0 : i32
    %dma_start3A_481 = tpu.memref_slice %dma_start3A_479[%add3A_461, %dma_start3A_480] : memref<25000x128xf32, #tpu.memory_space<hbm>> -> memref<128x128xf32, #tpu.memory_space<hbm>>
    %dma_start3A_482 = arith.constant 0 : i32
    %dma_start3A_483 = arith.constant 0 : i32
    %dma_start3A_484 = tpu.memref_slice %arg6[%dma_start3A_462, %dma_start3A_482, %dma_start3A_483] : memref<7x128x128xf32, #tpu.memory_space<vmem>> -> memref<1x128x128xf32, #tpu.memory_space<vmem>>
    %dma_start3A_485 = tpu.memref_squeeze %dma_start3A_484 : memref<1x128x128xf32, #tpu.memory_space<vmem>> -> memref<128x128xf32, #tpu.memory_space<vmem>>
    tpu.enqueue_dma source(%dma_start3A_485 : memref<128x128xf32, #tpu.memory_space<vmem>>) target(%dma_start3A_481 : memref<128x128xf32, #tpu.memory_space<hbm>>) target_semaphore(%dma_start3A_475 : memref<!tpu.dma_semaphore, #tpu.memory_space<semaphore_mem>>)
    %dma_wait3A_486 = arith.constant 6 : i32
    %dma_wait3A_487 = arith.constant 6 : i32
    %dma_wait3A_488 = arith.constant 0 : i32
    %dma_wait3A_489 = arith.constant 0 : i32
    %dma_wait3A_490 = tpu.memref_slice %arg6[%dma_wait3A_486, %dma_wait3A_488, %dma_wait3A_489] : memref<7x128x128xf32, #tpu.memory_space<vmem>> -> memref<1x128x128xf32, #tpu.memory_space<vmem>>
    %dma_wait3A_491 = tpu.memref_squeeze %dma_wait3A_490 : memref<1x128x128xf32, #tpu.memory_space<vmem>> -> memref<128x128xf32, #tpu.memory_space<vmem>>
    %dma_wait3A_492 = arith.constant 0 : i32
    %dma_wait3A_493 = arith.constant 0 : i32
    %dma_wait3A_494 = tpu.memref_slice %arg2[%select_n3A, %dma_wait3A_492, %dma_wait3A_493] : memref<8x50000x128xf32, #tpu.memory_space<hbm>> -> memref<1x50000x128xf32, #tpu.memory_space<hbm>>
    %dma_wait3A_495 = tpu.memref_squeeze %dma_wait3A_494 : memref<1x50000x128xf32, #tpu.memory_space<hbm>> -> memref<50000x128xf32, #tpu.memory_space<hbm>>
    %dma_wait3A_496 = arith.constant 0 : i32
    %dma_wait3A_497 = arith.constant 0 : i32
    %dma_wait3A_498 = tpu.memref_slice %dma_wait3A_495[%dma_wait3A_496, %dma_wait3A_497] : memref<50000x128xf32, #tpu.memory_space<hbm>> -> memref<128x128xf32, #tpu.memory_space<hbm>>
    %dma_wait3A_499 = tpu.memref_slice %arg7[%dma_wait3A_487] : memref<7x!tpu.dma_semaphore, #tpu.memory_space<semaphore_mem>> -> memref<1x!tpu.dma_semaphore, #tpu.memory_space<semaphore_mem>>
    %dma_wait3A_500 = tpu.memref_squeeze %dma_wait3A_499 : memref<1x!tpu.dma_semaphore, #tpu.memory_space<semaphore_mem>> -> memref<!tpu.dma_semaphore, #tpu.memory_space<semaphore_mem>>
    %dma_wait3A_501 = arith.constant 0 : i32
    %dma_wait3A_502 = arith.constant 0 : i32
    %dma_wait3A_503 = tpu.memref_slice %arg6[%dma_wait3A_486, %dma_wait3A_501, %dma_wait3A_502] : memref<7x128x128xf32, #tpu.memory_space<vmem>> -> memref<1x128x128xf32, #tpu.memory_space<vmem>>
    %dma_wait3A_504 = tpu.memref_squeeze %dma_wait3A_503 : memref<1x128x128xf32, #tpu.memory_space<vmem>> -> memref<128x128xf32, #tpu.memory_space<vmem>>
    %dma_wait3A_505 = arith.constant 0 : i32
    %dma_wait3A_506 = arith.constant 0 : i32
    %dma_wait3A_507 = tpu.memref_slice %arg2[%select_n3A, %dma_wait3A_505, %dma_wait3A_506] : memref<8x50000x128xf32, #tpu.memory_space<hbm>> -> memref<1x50000x128xf32, #tpu.memory_space<hbm>>
    %dma_wait3A_508 = tpu.memref_squeeze %dma_wait3A_507 : memref<1x50000x128xf32, #tpu.memory_space<hbm>> -> memref<50000x128xf32, #tpu.memory_space<hbm>>
    %dma_wait3A_509 = arith.constant 0 : i32
    %dma_wait3A_510 = arith.constant 0 : i32
    %dma_wait3A_511 = tpu.memref_slice %dma_wait3A_508[%dma_wait3A_509, %dma_wait3A_510] : memref<50000x128xf32, #tpu.memory_space<hbm>> -> memref<128x128xf32, #tpu.memory_space<hbm>>
    tpu.wait_dma2 semaphore(%dma_wait3A_500 : memref<!tpu.dma_semaphore, #tpu.memory_space<semaphore_mem>>) src(%dma_wait3A_511 : memref<128x128xf32, #tpu.memory_space<hbm>>) dst(%dma_wait3A_504 : memref<128x128xf32, #tpu.memory_space<vmem>>)
    %add3A_512 = arith.constant 5248 : i32
    %add3A_513 = arith.addi %mul3A_32, %add3A_512 : i32
    %dma_start3A_514 = arith.constant 6 : i32
    %dma_start3A_515 = arith.constant 6 : i32
    %dma_start3A_516 = arith.constant 0 : i32
    %dma_start3A_517 = arith.constant 0 : i32
    %dma_start3A_518 = tpu.memref_slice %arg6[%dma_start3A_514, %dma_start3A_516, %dma_start3A_517] : memref<7x128x128xf32, #tpu.memory_space<vmem>> -> memref<1x128x128xf32, #tpu.memory_space<vmem>>
    %dma_start3A_519 = tpu.memref_squeeze %dma_start3A_518 : memref<1x128x128xf32, #tpu.memory_space<vmem>> -> memref<128x128xf32, #tpu.memory_space<vmem>>
    %dma_start3A_520 = arith.constant 0 : i32
    %dma_start3A_521 = arith.constant 0 : i32
    %dma_start3A_522 = tpu.memref_slice %arg4[%select_n3A, %dma_start3A_520, %dma_start3A_521] : memref<8x25000x128xf32, #tpu.memory_space<hbm>> -> memref<1x25000x128xf32, #tpu.memory_space<hbm>>
    %dma_start3A_523 = tpu.memref_squeeze %dma_start3A_522 : memref<1x25000x128xf32, #tpu.memory_space<hbm>> -> memref<25000x128xf32, #tpu.memory_space<hbm>>
    %dma_start3A_524 = arith.constant 0 : i32
    %dma_start3A_525 = tpu.memref_slice %dma_start3A_523[%add3A_513, %dma_start3A_524] : memref<25000x128xf32, #tpu.memory_space<hbm>> -> memref<128x128xf32, #tpu.memory_space<hbm>>
    %dma_start3A_526 = tpu.memref_slice %arg8[%dma_start3A_515] : memref<7x!tpu.dma_semaphore, #tpu.memory_space<semaphore_mem>> -> memref<1x!tpu.dma_semaphore, #tpu.memory_space<semaphore_mem>>
    %dma_start3A_527 = tpu.memref_squeeze %dma_start3A_526 : memref<1x!tpu.dma_semaphore, #tpu.memory_space<semaphore_mem>> -> memref<!tpu.dma_semaphore, #tpu.memory_space<semaphore_mem>>
    %dma_start3A_528 = arith.constant 0 : i32
    %dma_start3A_529 = arith.constant 0 : i32
    %dma_start3A_530 = tpu.memref_slice %arg4[%select_n3A, %dma_start3A_528, %dma_start3A_529] : memref<8x25000x128xf32, #tpu.memory_space<hbm>> -> memref<1x25000x128xf32, #tpu.memory_space<hbm>>
    %dma_start3A_531 = tpu.memref_squeeze %dma_start3A_530 : memref<1x25000x128xf32, #tpu.memory_space<hbm>> -> memref<25000x128xf32, #tpu.memory_space<hbm>>
    %dma_start3A_532 = arith.constant 0 : i32
    %dma_start3A_533 = tpu.memref_slice %dma_start3A_531[%add3A_513, %dma_start3A_532] : memref<25000x128xf32, #tpu.memory_space<hbm>> -> memref<128x128xf32, #tpu.memory_space<hbm>>
    %dma_start3A_534 = arith.constant 0 : i32
    %dma_start3A_535 = arith.constant 0 : i32
    %dma_start3A_536 = tpu.memref_slice %arg6[%dma_start3A_514, %dma_start3A_534, %dma_start3A_535] : memref<7x128x128xf32, #tpu.memory_space<vmem>> -> memref<1x128x128xf32, #tpu.memory_space<vmem>>
    %dma_start3A_537 = tpu.memref_squeeze %dma_start3A_536 : memref<1x128x128xf32, #tpu.memory_space<vmem>> -> memref<128x128xf32, #tpu.memory_space<vmem>>
    tpu.enqueue_dma source(%dma_start3A_537 : memref<128x128xf32, #tpu.memory_space<vmem>>) target(%dma_start3A_533 : memref<128x128xf32, #tpu.memory_space<hbm>>) target_semaphore(%dma_start3A_527 : memref<!tpu.dma_semaphore, #tpu.memory_space<semaphore_mem>>)
    %dma_wait3A_538 = arith.constant 0 : i32
    %dma_wait3A_539 = arith.constant 0 : i32
    %dma_wait3A_540 = arith.constant 0 : i32
    %dma_wait3A_541 = arith.constant 0 : i32
    %dma_wait3A_542 = tpu.memref_slice %arg6[%dma_wait3A_538, %dma_wait3A_540, %dma_wait3A_541] : memref<7x128x128xf32, #tpu.memory_space<vmem>> -> memref<1x128x128xf32, #tpu.memory_space<vmem>>
    %dma_wait3A_543 = tpu.memref_squeeze %dma_wait3A_542 : memref<1x128x128xf32, #tpu.memory_space<vmem>> -> memref<128x128xf32, #tpu.memory_space<vmem>>
    %dma_wait3A_544 = arith.constant 0 : i32
    %dma_wait3A_545 = arith.constant 0 : i32
    %dma_wait3A_546 = tpu.memref_slice %arg2[%select_n3A, %dma_wait3A_544, %dma_wait3A_545] : memref<8x50000x128xf32, #tpu.memory_space<hbm>> -> memref<1x50000x128xf32, #tpu.memory_space<hbm>>
    %dma_wait3A_547 = tpu.memref_squeeze %dma_wait3A_546 : memref<1x50000x128xf32, #tpu.memory_space<hbm>> -> memref<50000x128xf32, #tpu.memory_space<hbm>>
    %dma_wait3A_548 = arith.constant 0 : i32
    %dma_wait3A_549 = arith.constant 0 : i32
    %dma_wait3A_550 = tpu.memref_slice %dma_wait3A_547[%dma_wait3A_548, %dma_wait3A_549] : memref<50000x128xf32, #tpu.memory_space<hbm>> -> memref<128x128xf32, #tpu.memory_space<hbm>>
    %dma_wait3A_551 = tpu.memref_slice %arg8[%dma_wait3A_539] : memref<7x!tpu.dma_semaphore, #tpu.memory_space<semaphore_mem>> -> memref<1x!tpu.dma_semaphore, #tpu.memory_space<semaphore_mem>>
    %dma_wait3A_552 = tpu.memref_squeeze %dma_wait3A_551 : memref<1x!tpu.dma_semaphore, #tpu.memory_space<semaphore_mem>> -> memref<!tpu.dma_semaphore, #tpu.memory_space<semaphore_mem>>
    %dma_wait3A_553 = arith.constant 0 : i32
    %dma_wait3A_554 = arith.constant 0 : i32
    %dma_wait3A_555 = tpu.memref_slice %arg6[%dma_wait3A_538, %dma_wait3A_553, %dma_wait3A_554] : memref<7x128x128xf32, #tpu.memory_space<vmem>> -> memref<1x128x128xf32, #tpu.memory_space<vmem>>
    %dma_wait3A_556 = tpu.memref_squeeze %dma_wait3A_555 : memref<1x128x128xf32, #tpu.memory_space<vmem>> -> memref<128x128xf32, #tpu.memory_space<vmem>>
    %dma_wait3A_557 = arith.constant 0 : i32
    %dma_wait3A_558 = arith.constant 0 : i32
    %dma_wait3A_559 = tpu.memref_slice %arg2[%select_n3A, %dma_wait3A_557, %dma_wait3A_558] : memref<8x50000x128xf32, #tpu.memory_space<hbm>> -> memref<1x50000x128xf32, #tpu.memory_space<hbm>>
    %dma_wait3A_560 = tpu.memref_squeeze %dma_wait3A_559 : memref<1x50000x128xf32, #tpu.memory_space<hbm>> -> memref<50000x128xf32, #tpu.memory_space<hbm>>
    %dma_wait3A_561 = arith.constant 0 : i32
    %dma_wait3A_562 = arith.constant 0 : i32
    %dma_wait3A_563 = tpu.memref_slice %dma_wait3A_560[%dma_wait3A_561, %dma_wait3A_562] : memref<50000x128xf32, #tpu.memory_space<hbm>> -> memref<128x128xf32, #tpu.memory_space<hbm>>
    tpu.wait_dma2 semaphore(%dma_wait3A_552 : memref<!tpu.dma_semaphore, #tpu.memory_space<semaphore_mem>>) src(%dma_wait3A_563 : memref<128x128xf32, #tpu.memory_space<hbm>>) dst(%dma_wait3A_556 : memref<128x128xf32, #tpu.memory_space<vmem>>)
    %add3A_564 = arith.constant 5376 : i32
    %add3A_565 = arith.addi %select_n3A_43, %add3A_564 : i32
    %dma_start3A_566 = arith.constant 0 : i32
    %dma_start3A_567 = arith.constant 0 : i32
    %dma_start3A_568 = arith.constant 0 : i32
    %dma_start3A_569 = arith.constant 0 : i32
    %dma_start3A_570 = tpu.memref_slice %arg6[%dma_start3A_566, %dma_start3A_568, %dma_start3A_569] : memref<7x128x128xf32, #tpu.memory_space<vmem>> -> memref<1x128x128xf32, #tpu.memory_space<vmem>>
    %dma_start3A_571 = tpu.memref_squeeze %dma_start3A_570 : memref<1x128x128xf32, #tpu.memory_space<vmem>> -> memref<128x128xf32, #tpu.memory_space<vmem>>
    %dma_start3A_572 = tpu.memref_slice %arg5[%add3A_565] : memref<6272xi32, #tpu.memory_space<vmem>> -> memref<128xi32, #tpu.memory_space<vmem>>
    %dma_start3A_573 = arith.constant 0 : i32
    %dma_start3A_574 = arith.constant 0 : i32
    %dma_start3A_575 = tpu.memref_slice %arg2[%select_n3A, %dma_start3A_573, %dma_start3A_574] : memref<8x50000x128xf32, #tpu.memory_space<hbm>> -> memref<1x50000x128xf32, #tpu.memory_space<hbm>>
    %dma_start3A_576 = tpu.memref_squeeze %dma_start3A_575 : memref<1x50000x128xf32, #tpu.memory_space<hbm>> -> memref<50000x128xf32, #tpu.memory_space<hbm>>
    %dma_start3A_577 = arith.constant 0 : i32
    %dma_start3A_578 = arith.constant 0 : i32
    %dma_start3A_579 = tpu.memref_slice %dma_start3A_576[%dma_start3A_577, %dma_start3A_578] : memref<50000x128xf32, #tpu.memory_space<hbm>> -> memref<50000x128xf32, #tpu.memory_space<hbm>>
    %dma_start3A_580 = tpu.memref_slice %arg7[%dma_start3A_567] : memref<7x!tpu.dma_semaphore, #tpu.memory_space<semaphore_mem>> -> memref<1x!tpu.dma_semaphore, #tpu.memory_space<semaphore_mem>>
    %dma_start3A_581 = tpu.memref_squeeze %dma_start3A_580 : memref<1x!tpu.dma_semaphore, #tpu.memory_space<semaphore_mem>> -> memref<!tpu.dma_semaphore, #tpu.memory_space<semaphore_mem>>
    tpu.enqueue_indirect_dma source(%dma_start3A_579 : memref<50000x128xf32, #tpu.memory_space<hbm>>) target(%dma_start3A_571 : memref<128x128xf32, #tpu.memory_space<vmem>>) offsets(%dma_start3A_572 : memref<128xi32, #tpu.memory_space<vmem>>) semaphore(%dma_start3A_581 : memref<!tpu.dma_semaphore, #tpu.memory_space<semaphore_mem>>)
    %dma_wait3A_582 = arith.constant 1 : i32
    %dma_wait3A_583 = arith.constant 1 : i32
    %dma_wait3A_584 = arith.constant 0 : i32
    %dma_wait3A_585 = arith.constant 0 : i32
    %dma_wait3A_586 = tpu.memref_slice %arg6[%dma_wait3A_582, %dma_wait3A_584, %dma_wait3A_585] : memref<7x128x128xf32, #tpu.memory_space<vmem>> -> memref<1x128x128xf32, #tpu.memory_space<vmem>>
    %dma_wait3A_587 = tpu.memref_squeeze %dma_wait3A_586 : memref<1x128x128xf32, #tpu.memory_space<vmem>> -> memref<128x128xf32, #tpu.memory_space<vmem>>
    %dma_wait3A_588 = arith.constant 0 : i32
    %dma_wait3A_589 = arith.constant 0 : i32
    %dma_wait3A_590 = tpu.memref_slice %arg2[%select_n3A, %dma_wait3A_588, %dma_wait3A_589] : memref<8x50000x128xf32, #tpu.memory_space<hbm>> -> memref<1x50000x128xf32, #tpu.memory_space<hbm>>
    %dma_wait3A_591 = tpu.memref_squeeze %dma_wait3A_590 : memref<1x50000x128xf32, #tpu.memory_space<hbm>> -> memref<50000x128xf32, #tpu.memory_space<hbm>>
    %dma_wait3A_592 = arith.constant 0 : i32
    %dma_wait3A_593 = arith.constant 0 : i32
    %dma_wait3A_594 = tpu.memref_slice %dma_wait3A_591[%dma_wait3A_592, %dma_wait3A_593] : memref<50000x128xf32, #tpu.memory_space<hbm>> -> memref<128x128xf32, #tpu.memory_space<hbm>>
    %dma_wait3A_595 = tpu.memref_slice %arg8[%dma_wait3A_583] : memref<7x!tpu.dma_semaphore, #tpu.memory_space<semaphore_mem>> -> memref<1x!tpu.dma_semaphore, #tpu.memory_space<semaphore_mem>>
    %dma_wait3A_596 = tpu.memref_squeeze %dma_wait3A_595 : memref<1x!tpu.dma_semaphore, #tpu.memory_space<semaphore_mem>> -> memref<!tpu.dma_semaphore, #tpu.memory_space<semaphore_mem>>
    %dma_wait3A_597 = arith.constant 0 : i32
    %dma_wait3A_598 = arith.constant 0 : i32
    %dma_wait3A_599 = tpu.memref_slice %arg6[%dma_wait3A_582, %dma_wait3A_597, %dma_wait3A_598] : memref<7x128x128xf32, #tpu.memory_space<vmem>> -> memref<1x128x128xf32, #tpu.memory_space<vmem>>
    %dma_wait3A_600 = tpu.memref_squeeze %dma_wait3A_599 : memref<1x128x128xf32, #tpu.memory_space<vmem>> -> memref<128x128xf32, #tpu.memory_space<vmem>>
    %dma_wait3A_601 = arith.constant 0 : i32
    %dma_wait3A_602 = arith.constant 0 : i32
    %dma_wait3A_603 = tpu.memref_slice %arg2[%select_n3A, %dma_wait3A_601, %dma_wait3A_602] : memref<8x50000x128xf32, #tpu.memory_space<hbm>> -> memref<1x50000x128xf32, #tpu.memory_space<hbm>>
    %dma_wait3A_604 = tpu.memref_squeeze %dma_wait3A_603 : memref<1x50000x128xf32, #tpu.memory_space<hbm>> -> memref<50000x128xf32, #tpu.memory_space<hbm>>
    %dma_wait3A_605 = arith.constant 0 : i32
    %dma_wait3A_606 = arith.constant 0 : i32
    %dma_wait3A_607 = tpu.memref_slice %dma_wait3A_604[%dma_wait3A_605, %dma_wait3A_606] : memref<50000x128xf32, #tpu.memory_space<hbm>> -> memref<128x128xf32, #tpu.memory_space<hbm>>
    tpu.wait_dma2 semaphore(%dma_wait3A_596 : memref<!tpu.dma_semaphore, #tpu.memory_space<semaphore_mem>>) src(%dma_wait3A_607 : memref<128x128xf32, #tpu.memory_space<hbm>>) dst(%dma_wait3A_600 : memref<128x128xf32, #tpu.memory_space<vmem>>)
    %add3A_608 = arith.constant 5504 : i32
    %add3A_609 = arith.addi %select_n3A_43, %add3A_608 : i32
    %dma_start3A_610 = arith.constant 1 : i32
    %dma_start3A_611 = arith.constant 1 : i32
    %dma_start3A_612 = arith.constant 0 : i32
    %dma_start3A_613 = arith.constant 0 : i32
    %dma_start3A_614 = tpu.memref_slice %arg6[%dma_start3A_610, %dma_start3A_612, %dma_start3A_613] : memref<7x128x128xf32, #tpu.memory_space<vmem>> -> memref<1x128x128xf32, #tpu.memory_space<vmem>>
    %dma_start3A_615 = tpu.memref_squeeze %dma_start3A_614 : memref<1x128x128xf32, #tpu.memory_space<vmem>> -> memref<128x128xf32, #tpu.memory_space<vmem>>
    %dma_start3A_616 = tpu.memref_slice %arg5[%add3A_609] : memref<6272xi32, #tpu.memory_space<vmem>> -> memref<128xi32, #tpu.memory_space<vmem>>
    %dma_start3A_617 = arith.constant 0 : i32
    %dma_start3A_618 = arith.constant 0 : i32
    %dma_start3A_619 = tpu.memref_slice %arg2[%select_n3A, %dma_start3A_617, %dma_start3A_618] : memref<8x50000x128xf32, #tpu.memory_space<hbm>> -> memref<1x50000x128xf32, #tpu.memory_space<hbm>>
    %dma_start3A_620 = tpu.memref_squeeze %dma_start3A_619 : memref<1x50000x128xf32, #tpu.memory_space<hbm>> -> memref<50000x128xf32, #tpu.memory_space<hbm>>
    %dma_start3A_621 = arith.constant 0 : i32
    %dma_start3A_622 = arith.constant 0 : i32
    %dma_start3A_623 = tpu.memref_slice %dma_start3A_620[%dma_start3A_621, %dma_start3A_622] : memref<50000x128xf32, #tpu.memory_space<hbm>> -> memref<50000x128xf32, #tpu.memory_space<hbm>>
    %dma_start3A_624 = tpu.memref_slice %arg7[%dma_start3A_611] : memref<7x!tpu.dma_semaphore, #tpu.memory_space<semaphore_mem>> -> memref<1x!tpu.dma_semaphore, #tpu.memory_space<semaphore_mem>>
    %dma_start3A_625 = tpu.memref_squeeze %dma_start3A_624 : memref<1x!tpu.dma_semaphore, #tpu.memory_space<semaphore_mem>> -> memref<!tpu.dma_semaphore, #tpu.memory_space<semaphore_mem>>
    tpu.enqueue_indirect_dma source(%dma_start3A_623 : memref<50000x128xf32, #tpu.memory_space<hbm>>) target(%dma_start3A_615 : memref<128x128xf32, #tpu.memory_space<vmem>>) offsets(%dma_start3A_616 : memref<128xi32, #tpu.memory_space<vmem>>) semaphore(%dma_start3A_625 : memref<!tpu.dma_semaphore, #tpu.memory_space<semaphore_mem>>)
    %dma_wait3A_626 = arith.constant 2 : i32
    %dma_wait3A_627 = arith.constant 2 : i32
    %dma_wait3A_628 = arith.constant 0 : i32
    %dma_wait3A_629 = arith.constant 0 : i32
    %dma_wait3A_630 = tpu.memref_slice %arg6[%dma_wait3A_626, %dma_wait3A_628, %dma_wait3A_629] : memref<7x128x128xf32, #tpu.memory_space<vmem>> -> memref<1x128x128xf32, #tpu.memory_space<vmem>>
    %dma_wait3A_631 = tpu.memref_squeeze %dma_wait3A_630 : memref<1x128x128xf32, #tpu.memory_space<vmem>> -> memref<128x128xf32, #tpu.memory_space<vmem>>
    %dma_wait3A_632 = arith.constant 0 : i32
    %dma_wait3A_633 = arith.constant 0 : i32
    %dma_wait3A_634 = tpu.memref_slice %arg2[%select_n3A, %dma_wait3A_632, %dma_wait3A_633] : memref<8x50000x128xf32, #tpu.memory_space<hbm>> -> memref<1x50000x128xf32, #tpu.memory_space<hbm>>
    %dma_wait3A_635 = tpu.memref_squeeze %dma_wait3A_634 : memref<1x50000x128xf32, #tpu.memory_space<hbm>> -> memref<50000x128xf32, #tpu.memory_space<hbm>>
    %dma_wait3A_636 = arith.constant 0 : i32
    %dma_wait3A_637 = arith.constant 0 : i32
    %dma_wait3A_638 = tpu.memref_slice %dma_wait3A_635[%dma_wait3A_636, %dma_wait3A_637] : memref<50000x128xf32, #tpu.memory_space<hbm>> -> memref<128x128xf32, #tpu.memory_space<hbm>>
    %dma_wait3A_639 = tpu.memref_slice %arg8[%dma_wait3A_627] : memref<7x!tpu.dma_semaphore, #tpu.memory_space<semaphore_mem>> -> memref<1x!tpu.dma_semaphore, #tpu.memory_space<semaphore_mem>>
    %dma_wait3A_640 = tpu.memref_squeeze %dma_wait3A_639 : memref<1x!tpu.dma_semaphore, #tpu.memory_space<semaphore_mem>> -> memref<!tpu.dma_semaphore, #tpu.memory_space<semaphore_mem>>
    %dma_wait3A_641 = arith.constant 0 : i32
    %dma_wait3A_642 = arith.constant 0 : i32
    %dma_wait3A_643 = tpu.memref_slice %arg6[%dma_wait3A_626, %dma_wait3A_641, %dma_wait3A_642] : memref<7x128x128xf32, #tpu.memory_space<vmem>> -> memref<1x128x128xf32, #tpu.memory_space<vmem>>
    %dma_wait3A_644 = tpu.memref_squeeze %dma_wait3A_643 : memref<1x128x128xf32, #tpu.memory_space<vmem>> -> memref<128x128xf32, #tpu.memory_space<vmem>>
    %dma_wait3A_645 = arith.constant 0 : i32
    %dma_wait3A_646 = arith.constant 0 : i32
    %dma_wait3A_647 = tpu.memref_slice %arg2[%select_n3A, %dma_wait3A_645, %dma_wait3A_646] : memref<8x50000x128xf32, #tpu.memory_space<hbm>> -> memref<1x50000x128xf32, #tpu.memory_space<hbm>>
    %dma_wait3A_648 = tpu.memref_squeeze %dma_wait3A_647 : memref<1x50000x128xf32, #tpu.memory_space<hbm>> -> memref<50000x128xf32, #tpu.memory_space<hbm>>
    %dma_wait3A_649 = arith.constant 0 : i32
    %dma_wait3A_650 = arith.constant 0 : i32
    %dma_wait3A_651 = tpu.memref_slice %dma_wait3A_648[%dma_wait3A_649, %dma_wait3A_650] : memref<50000x128xf32, #tpu.memory_space<hbm>> -> memref<128x128xf32, #tpu.memory_space<hbm>>
    tpu.wait_dma2 semaphore(%dma_wait3A_640 : memref<!tpu.dma_semaphore, #tpu.memory_space<semaphore_mem>>) src(%dma_wait3A_651 : memref<128x128xf32, #tpu.memory_space<hbm>>) dst(%dma_wait3A_644 : memref<128x128xf32, #tpu.memory_space<vmem>>)
    %add3A_652 = arith.constant 5632 : i32
    %add3A_653 = arith.addi %select_n3A_43, %add3A_652 : i32
    %dma_start3A_654 = arith.constant 2 : i32
    %dma_start3A_655 = arith.constant 2 : i32
    %dma_start3A_656 = arith.constant 0 : i32
    %dma_start3A_657 = arith.constant 0 : i32
    %dma_start3A_658 = tpu.memref_slice %arg6[%dma_start3A_654, %dma_start3A_656, %dma_start3A_657] : memref<7x128x128xf32, #tpu.memory_space<vmem>> -> memref<1x128x128xf32, #tpu.memory_space<vmem>>
    %dma_start3A_659 = tpu.memref_squeeze %dma_start3A_658 : memref<1x128x128xf32, #tpu.memory_space<vmem>> -> memref<128x128xf32, #tpu.memory_space<vmem>>
    %dma_start3A_660 = tpu.memref_slice %arg5[%add3A_653] : memref<6272xi32, #tpu.memory_space<vmem>> -> memref<128xi32, #tpu.memory_space<vmem>>
    %dma_start3A_661 = arith.constant 0 : i32
    %dma_start3A_662 = arith.constant 0 : i32
    %dma_start3A_663 = tpu.memref_slice %arg2[%select_n3A, %dma_start3A_661, %dma_start3A_662] : memref<8x50000x128xf32, #tpu.memory_space<hbm>> -> memref<1x50000x128xf32, #tpu.memory_space<hbm>>
    %dma_start3A_664 = tpu.memref_squeeze %dma_start3A_663 : memref<1x50000x128xf32, #tpu.memory_space<hbm>> -> memref<50000x128xf32, #tpu.memory_space<hbm>>
    %dma_start3A_665 = arith.constant 0 : i32
    %dma_start3A_666 = arith.constant 0 : i32
    %dma_start3A_667 = tpu.memref_slice %dma_start3A_664[%dma_start3A_665, %dma_start3A_666] : memref<50000x128xf32, #tpu.memory_space<hbm>> -> memref<50000x128xf32, #tpu.memory_space<hbm>>
    %dma_start3A_668 = tpu.memref_slice %arg7[%dma_start3A_655] : memref<7x!tpu.dma_semaphore, #tpu.memory_space<semaphore_mem>> -> memref<1x!tpu.dma_semaphore, #tpu.memory_space<semaphore_mem>>
    %dma_start3A_669 = tpu.memref_squeeze %dma_start3A_668 : memref<1x!tpu.dma_semaphore, #tpu.memory_space<semaphore_mem>> -> memref<!tpu.dma_semaphore, #tpu.memory_space<semaphore_mem>>
    tpu.enqueue_indirect_dma source(%dma_start3A_667 : memref<50000x128xf32, #tpu.memory_space<hbm>>) target(%dma_start3A_659 : memref<128x128xf32, #tpu.memory_space<vmem>>) offsets(%dma_start3A_660 : memref<128xi32, #tpu.memory_space<vmem>>) semaphore(%dma_start3A_669 : memref<!tpu.dma_semaphore, #tpu.memory_space<semaphore_mem>>)
    %dma_wait3A_670 = arith.constant 3 : i32
    %dma_wait3A_671 = arith.constant 3 : i32
    %dma_wait3A_672 = arith.constant 0 : i32
    %dma_wait3A_673 = arith.constant 0 : i32
    %dma_wait3A_674 = tpu.memref_slice %arg6[%dma_wait3A_670, %dma_wait3A_672, %dma_wait3A_673] : memref<7x128x128xf32, #tpu.memory_space<vmem>> -> memref<1x128x128xf32, #tpu.memory_space<vmem>>
    %dma_wait3A_675 = tpu.memref_squeeze %dma_wait3A_674 : memref<1x128x128xf32, #tpu.memory_space<vmem>> -> memref<128x128xf32, #tpu.memory_space<vmem>>
    %dma_wait3A_676 = arith.constant 0 : i32
    %dma_wait3A_677 = arith.constant 0 : i32
    %dma_wait3A_678 = tpu.memref_slice %arg2[%select_n3A, %dma_wait3A_676, %dma_wait3A_677] : memref<8x50000x128xf32, #tpu.memory_space<hbm>> -> memref<1x50000x128xf32, #tpu.memory_space<hbm>>
    %dma_wait3A_679 = tpu.memref_squeeze %dma_wait3A_678 : memref<1x50000x128xf32, #tpu.memory_space<hbm>> -> memref<50000x128xf32, #tpu.memory_space<hbm>>
    %dma_wait3A_680 = arith.constant 0 : i32
    %dma_wait3A_681 = arith.constant 0 : i32
    %dma_wait3A_682 = tpu.memref_slice %dma_wait3A_679[%dma_wait3A_680, %dma_wait3A_681] : memref<50000x128xf32, #tpu.memory_space<hbm>> -> memref<128x128xf32, #tpu.memory_space<hbm>>
    %dma_wait3A_683 = tpu.memref_slice %arg8[%dma_wait3A_671] : memref<7x!tpu.dma_semaphore, #tpu.memory_space<semaphore_mem>> -> memref<1x!tpu.dma_semaphore, #tpu.memory_space<semaphore_mem>>
    %dma_wait3A_684 = tpu.memref_squeeze %dma_wait3A_683 : memref<1x!tpu.dma_semaphore, #tpu.memory_space<semaphore_mem>> -> memref<!tpu.dma_semaphore, #tpu.memory_space<semaphore_mem>>
    %dma_wait3A_685 = arith.constant 0 : i32
    %dma_wait3A_686 = arith.constant 0 : i32
    %dma_wait3A_687 = tpu.memref_slice %arg6[%dma_wait3A_670, %dma_wait3A_685, %dma_wait3A_686] : memref<7x128x128xf32, #tpu.memory_space<vmem>> -> memref<1x128x128xf32, #tpu.memory_space<vmem>>
    %dma_wait3A_688 = tpu.memref_squeeze %dma_wait3A_687 : memref<1x128x128xf32, #tpu.memory_space<vmem>> -> memref<128x128xf32, #tpu.memory_space<vmem>>
    %dma_wait3A_689 = arith.constant 0 : i32
    %dma_wait3A_690 = arith.constant 0 : i32
    %dma_wait3A_691 = tpu.memref_slice %arg2[%select_n3A, %dma_wait3A_689, %dma_wait3A_690] : memref<8x50000x128xf32, #tpu.memory_space<hbm>> -> memref<1x50000x128xf32, #tpu.memory_space<hbm>>
    %dma_wait3A_692 = tpu.memref_squeeze %dma_wait3A_691 : memref<1x50000x128xf32, #tpu.memory_space<hbm>> -> memref<50000x128xf32, #tpu.memory_space<hbm>>
    %dma_wait3A_693 = arith.constant 0 : i32
    %dma_wait3A_694 = arith.constant 0 : i32
    %dma_wait3A_695 = tpu.memref_slice %dma_wait3A_692[%dma_wait3A_693, %dma_wait3A_694] : memref<50000x128xf32, #tpu.memory_space<hbm>> -> memref<128x128xf32, #tpu.memory_space<hbm>>
    tpu.wait_dma2 semaphore(%dma_wait3A_684 : memref<!tpu.dma_semaphore, #tpu.memory_space<semaphore_mem>>) src(%dma_wait3A_695 : memref<128x128xf32, #tpu.memory_space<hbm>>) dst(%dma_wait3A_688 : memref<128x128xf32, #tpu.memory_space<vmem>>)
    %add3A_696 = arith.constant 5760 : i32
    %add3A_697 = arith.addi %select_n3A_43, %add3A_696 : i32
    %dma_start3A_698 = arith.constant 3 : i32
    %dma_start3A_699 = arith.constant 3 : i32
    %dma_start3A_700 = arith.constant 0 : i32
    %dma_start3A_701 = arith.constant 0 : i32
    %dma_start3A_702 = tpu.memref_slice %arg6[%dma_start3A_698, %dma_start3A_700, %dma_start3A_701] : memref<7x128x128xf32, #tpu.memory_space<vmem>> -> memref<1x128x128xf32, #tpu.memory_space<vmem>>
    %dma_start3A_703 = tpu.memref_squeeze %dma_start3A_702 : memref<1x128x128xf32, #tpu.memory_space<vmem>> -> memref<128x128xf32, #tpu.memory_space<vmem>>
    %dma_start3A_704 = tpu.memref_slice %arg5[%add3A_697] : memref<6272xi32, #tpu.memory_space<vmem>> -> memref<128xi32, #tpu.memory_space<vmem>>
    %dma_start3A_705 = arith.constant 0 : i32
    %dma_start3A_706 = arith.constant 0 : i32
    %dma_start3A_707 = tpu.memref_slice %arg2[%select_n3A, %dma_start3A_705, %dma_start3A_706] : memref<8x50000x128xf32, #tpu.memory_space<hbm>> -> memref<1x50000x128xf32, #tpu.memory_space<hbm>>
    %dma_start3A_708 = tpu.memref_squeeze %dma_start3A_707 : memref<1x50000x128xf32, #tpu.memory_space<hbm>> -> memref<50000x128xf32, #tpu.memory_space<hbm>>
    %dma_start3A_709 = arith.constant 0 : i32
    %dma_start3A_710 = arith.constant 0 : i32
    %dma_start3A_711 = tpu.memref_slice %dma_start3A_708[%dma_start3A_709, %dma_start3A_710] : memref<50000x128xf32, #tpu.memory_space<hbm>> -> memref<50000x128xf32, #tpu.memory_space<hbm>>
    %dma_start3A_712 = tpu.memref_slice %arg7[%dma_start3A_699] : memref<7x!tpu.dma_semaphore, #tpu.memory_space<semaphore_mem>> -> memref<1x!tpu.dma_semaphore, #tpu.memory_space<semaphore_mem>>
    %dma_start3A_713 = tpu.memref_squeeze %dma_start3A_712 : memref<1x!tpu.dma_semaphore, #tpu.memory_space<semaphore_mem>> -> memref<!tpu.dma_semaphore, #tpu.memory_space<semaphore_mem>>
    tpu.enqueue_indirect_dma source(%dma_start3A_711 : memref<50000x128xf32, #tpu.memory_space<hbm>>) target(%dma_start3A_703 : memref<128x128xf32, #tpu.memory_space<vmem>>) offsets(%dma_start3A_704 : memref<128xi32, #tpu.memory_space<vmem>>) semaphore(%dma_start3A_713 : memref<!tpu.dma_semaphore, #tpu.memory_space<semaphore_mem>>)
    %dma_wait3A_714 = arith.constant 4 : i32
    %dma_wait3A_715 = arith.constant 4 : i32
    %dma_wait3A_716 = arith.constant 0 : i32
    %dma_wait3A_717 = arith.constant 0 : i32
    %dma_wait3A_718 = tpu.memref_slice %arg6[%dma_wait3A_714, %dma_wait3A_716, %dma_wait3A_717] : memref<7x128x128xf32, #tpu.memory_space<vmem>> -> memref<1x128x128xf32, #tpu.memory_space<vmem>>
    %dma_wait3A_719 = tpu.memref_squeeze %dma_wait3A_718 : memref<1x128x128xf32, #tpu.memory_space<vmem>> -> memref<128x128xf32, #tpu.memory_space<vmem>>
    %dma_wait3A_720 = arith.constant 0 : i32
    %dma_wait3A_721 = arith.constant 0 : i32
    %dma_wait3A_722 = tpu.memref_slice %arg2[%select_n3A, %dma_wait3A_720, %dma_wait3A_721] : memref<8x50000x128xf32, #tpu.memory_space<hbm>> -> memref<1x50000x128xf32, #tpu.memory_space<hbm>>
    %dma_wait3A_723 = tpu.memref_squeeze %dma_wait3A_722 : memref<1x50000x128xf32, #tpu.memory_space<hbm>> -> memref<50000x128xf32, #tpu.memory_space<hbm>>
    %dma_wait3A_724 = arith.constant 0 : i32
    %dma_wait3A_725 = arith.constant 0 : i32
    %dma_wait3A_726 = tpu.memref_slice %dma_wait3A_723[%dma_wait3A_724, %dma_wait3A_725] : memref<50000x128xf32, #tpu.memory_space<hbm>> -> memref<128x128xf32, #tpu.memory_space<hbm>>
    %dma_wait3A_727 = tpu.memref_slice %arg8[%dma_wait3A_715] : memref<7x!tpu.dma_semaphore, #tpu.memory_space<semaphore_mem>> -> memref<1x!tpu.dma_semaphore, #tpu.memory_space<semaphore_mem>>
    %dma_wait3A_728 = tpu.memref_squeeze %dma_wait3A_727 : memref<1x!tpu.dma_semaphore, #tpu.memory_space<semaphore_mem>> -> memref<!tpu.dma_semaphore, #tpu.memory_space<semaphore_mem>>
    %dma_wait3A_729 = arith.constant 0 : i32
    %dma_wait3A_730 = arith.constant 0 : i32
    %dma_wait3A_731 = tpu.memref_slice %arg6[%dma_wait3A_714, %dma_wait3A_729, %dma_wait3A_730] : memref<7x128x128xf32, #tpu.memory_space<vmem>> -> memref<1x128x128xf32, #tpu.memory_space<vmem>>
    %dma_wait3A_732 = tpu.memref_squeeze %dma_wait3A_731 : memref<1x128x128xf32, #tpu.memory_space<vmem>> -> memref<128x128xf32, #tpu.memory_space<vmem>>
    %dma_wait3A_733 = arith.constant 0 : i32
    %dma_wait3A_734 = arith.constant 0 : i32
    %dma_wait3A_735 = tpu.memref_slice %arg2[%select_n3A, %dma_wait3A_733, %dma_wait3A_734] : memref<8x50000x128xf32, #tpu.memory_space<hbm>> -> memref<1x50000x128xf32, #tpu.memory_space<hbm>>
    %dma_wait3A_736 = tpu.memref_squeeze %dma_wait3A_735 : memref<1x50000x128xf32, #tpu.memory_space<hbm>> -> memref<50000x128xf32, #tpu.memory_space<hbm>>
    %dma_wait3A_737 = arith.constant 0 : i32
    %dma_wait3A_738 = arith.constant 0 : i32
    %dma_wait3A_739 = tpu.memref_slice %dma_wait3A_736[%dma_wait3A_737, %dma_wait3A_738] : memref<50000x128xf32, #tpu.memory_space<hbm>> -> memref<128x128xf32, #tpu.memory_space<hbm>>
    tpu.wait_dma2 semaphore(%dma_wait3A_728 : memref<!tpu.dma_semaphore, #tpu.memory_space<semaphore_mem>>) src(%dma_wait3A_739 : memref<128x128xf32, #tpu.memory_space<hbm>>) dst(%dma_wait3A_732 : memref<128x128xf32, #tpu.memory_space<vmem>>)
    %add3A_740 = arith.constant 5888 : i32
    %add3A_741 = arith.addi %select_n3A_43, %add3A_740 : i32
    %dma_start3A_742 = arith.constant 4 : i32
    %dma_start3A_743 = arith.constant 4 : i32
    %dma_start3A_744 = arith.constant 0 : i32
    %dma_start3A_745 = arith.constant 0 : i32
    %dma_start3A_746 = tpu.memref_slice %arg6[%dma_start3A_742, %dma_start3A_744, %dma_start3A_745] : memref<7x128x128xf32, #tpu.memory_space<vmem>> -> memref<1x128x128xf32, #tpu.memory_space<vmem>>
    %dma_start3A_747 = tpu.memref_squeeze %dma_start3A_746 : memref<1x128x128xf32, #tpu.memory_space<vmem>> -> memref<128x128xf32, #tpu.memory_space<vmem>>
    %dma_start3A_748 = tpu.memref_slice %arg5[%add3A_741] : memref<6272xi32, #tpu.memory_space<vmem>> -> memref<128xi32, #tpu.memory_space<vmem>>
    %dma_start3A_749 = arith.constant 0 : i32
    %dma_start3A_750 = arith.constant 0 : i32
    %dma_start3A_751 = tpu.memref_slice %arg2[%select_n3A, %dma_start3A_749, %dma_start3A_750] : memref<8x50000x128xf32, #tpu.memory_space<hbm>> -> memref<1x50000x128xf32, #tpu.memory_space<hbm>>
    %dma_start3A_752 = tpu.memref_squeeze %dma_start3A_751 : memref<1x50000x128xf32, #tpu.memory_space<hbm>> -> memref<50000x128xf32, #tpu.memory_space<hbm>>
    %dma_start3A_753 = arith.constant 0 : i32
    %dma_start3A_754 = arith.constant 0 : i32
    %dma_start3A_755 = tpu.memref_slice %dma_start3A_752[%dma_start3A_753, %dma_start3A_754] : memref<50000x128xf32, #tpu.memory_space<hbm>> -> memref<50000x128xf32, #tpu.memory_space<hbm>>
    %dma_start3A_756 = tpu.memref_slice %arg7[%dma_start3A_743] : memref<7x!tpu.dma_semaphore, #tpu.memory_space<semaphore_mem>> -> memref<1x!tpu.dma_semaphore, #tpu.memory_space<semaphore_mem>>
    %dma_start3A_757 = tpu.memref_squeeze %dma_start3A_756 : memref<1x!tpu.dma_semaphore, #tpu.memory_space<semaphore_mem>> -> memref<!tpu.dma_semaphore, #tpu.memory_space<semaphore_mem>>
    tpu.enqueue_indirect_dma source(%dma_start3A_755 : memref<50000x128xf32, #tpu.memory_space<hbm>>) target(%dma_start3A_747 : memref<128x128xf32, #tpu.memory_space<vmem>>) offsets(%dma_start3A_748 : memref<128xi32, #tpu.memory_space<vmem>>) semaphore(%dma_start3A_757 : memref<!tpu.dma_semaphore, #tpu.memory_space<semaphore_mem>>)
    %dma_wait3A_758 = arith.constant 5 : i32
    %dma_wait3A_759 = arith.constant 5 : i32
    %dma_wait3A_760 = arith.constant 0 : i32
    %dma_wait3A_761 = arith.constant 0 : i32
    %dma_wait3A_762 = tpu.memref_slice %arg6[%dma_wait3A_758, %dma_wait3A_760, %dma_wait3A_761] : memref<7x128x128xf32, #tpu.memory_space<vmem>> -> memref<1x128x128xf32, #tpu.memory_space<vmem>>
    %dma_wait3A_763 = tpu.memref_squeeze %dma_wait3A_762 : memref<1x128x128xf32, #tpu.memory_space<vmem>> -> memref<128x128xf32, #tpu.memory_space<vmem>>
    %dma_wait3A_764 = arith.constant 0 : i32
    %dma_wait3A_765 = arith.constant 0 : i32
    %dma_wait3A_766 = tpu.memref_slice %arg2[%select_n3A, %dma_wait3A_764, %dma_wait3A_765] : memref<8x50000x128xf32, #tpu.memory_space<hbm>> -> memref<1x50000x128xf32, #tpu.memory_space<hbm>>
    %dma_wait3A_767 = tpu.memref_squeeze %dma_wait3A_766 : memref<1x50000x128xf32, #tpu.memory_space<hbm>> -> memref<50000x128xf32, #tpu.memory_space<hbm>>
    %dma_wait3A_768 = arith.constant 0 : i32
    %dma_wait3A_769 = arith.constant 0 : i32
    %dma_wait3A_770 = tpu.memref_slice %dma_wait3A_767[%dma_wait3A_768, %dma_wait3A_769] : memref<50000x128xf32, #tpu.memory_space<hbm>> -> memref<128x128xf32, #tpu.memory_space<hbm>>
    %dma_wait3A_771 = tpu.memref_slice %arg8[%dma_wait3A_759] : memref<7x!tpu.dma_semaphore, #tpu.memory_space<semaphore_mem>> -> memref<1x!tpu.dma_semaphore, #tpu.memory_space<semaphore_mem>>
    %dma_wait3A_772 = tpu.memref_squeeze %dma_wait3A_771 : memref<1x!tpu.dma_semaphore, #tpu.memory_space<semaphore_mem>> -> memref<!tpu.dma_semaphore, #tpu.memory_space<semaphore_mem>>
    %dma_wait3A_773 = arith.constant 0 : i32
    %dma_wait3A_774 = arith.constant 0 : i32
    %dma_wait3A_775 = tpu.memref_slice %arg6[%dma_wait3A_758, %dma_wait3A_773, %dma_wait3A_774] : memref<7x128x128xf32, #tpu.memory_space<vmem>> -> memref<1x128x128xf32, #tpu.memory_space<vmem>>
    %dma_wait3A_776 = tpu.memref_squeeze %dma_wait3A_775 : memref<1x128x128xf32, #tpu.memory_space<vmem>> -> memref<128x128xf32, #tpu.memory_space<vmem>>
    %dma_wait3A_777 = arith.constant 0 : i32
    %dma_wait3A_778 = arith.constant 0 : i32
    %dma_wait3A_779 = tpu.memref_slice %arg2[%select_n3A, %dma_wait3A_777, %dma_wait3A_778] : memref<8x50000x128xf32, #tpu.memory_space<hbm>> -> memref<1x50000x128xf32, #tpu.memory_space<hbm>>
    %dma_wait3A_780 = tpu.memref_squeeze %dma_wait3A_779 : memref<1x50000x128xf32, #tpu.memory_space<hbm>> -> memref<50000x128xf32, #tpu.memory_space<hbm>>
    %dma_wait3A_781 = arith.constant 0 : i32
    %dma_wait3A_782 = arith.constant 0 : i32
    %dma_wait3A_783 = tpu.memref_slice %dma_wait3A_780[%dma_wait3A_781, %dma_wait3A_782] : memref<50000x128xf32, #tpu.memory_space<hbm>> -> memref<128x128xf32, #tpu.memory_space<hbm>>
    tpu.wait_dma2 semaphore(%dma_wait3A_772 : memref<!tpu.dma_semaphore, #tpu.memory_space<semaphore_mem>>) src(%dma_wait3A_783 : memref<128x128xf32, #tpu.memory_space<hbm>>) dst(%dma_wait3A_776 : memref<128x128xf32, #tpu.memory_space<vmem>>)
    %add3A_784 = arith.constant 6016 : i32
    %add3A_785 = arith.addi %select_n3A_43, %add3A_784 : i32
    %dma_start3A_786 = arith.constant 5 : i32
    %dma_start3A_787 = arith.constant 5 : i32
    %dma_start3A_788 = arith.constant 0 : i32
    %dma_start3A_789 = arith.constant 0 : i32
    %dma_start3A_790 = tpu.memref_slice %arg6[%dma_start3A_786, %dma_start3A_788, %dma_start3A_789] : memref<7x128x128xf32, #tpu.memory_space<vmem>> -> memref<1x128x128xf32, #tpu.memory_space<vmem>>
    %dma_start3A_791 = tpu.memref_squeeze %dma_start3A_790 : memref<1x128x128xf32, #tpu.memory_space<vmem>> -> memref<128x128xf32, #tpu.memory_space<vmem>>
    %dma_start3A_792 = tpu.memref_slice %arg5[%add3A_785] : memref<6272xi32, #tpu.memory_space<vmem>> -> memref<128xi32, #tpu.memory_space<vmem>>
    %dma_start3A_793 = arith.constant 0 : i32
    %dma_start3A_794 = arith.constant 0 : i32
    %dma_start3A_795 = tpu.memref_slice %arg2[%select_n3A, %dma_start3A_793, %dma_start3A_794] : memref<8x50000x128xf32, #tpu.memory_space<hbm>> -> memref<1x50000x128xf32, #tpu.memory_space<hbm>>
    %dma_start3A_796 = tpu.memref_squeeze %dma_start3A_795 : memref<1x50000x128xf32, #tpu.memory_space<hbm>> -> memref<50000x128xf32, #tpu.memory_space<hbm>>
    %dma_start3A_797 = arith.constant 0 : i32
    %dma_start3A_798 = arith.constant 0 : i32
    %dma_start3A_799 = tpu.memref_slice %dma_start3A_796[%dma_start3A_797, %dma_start3A_798] : memref<50000x128xf32, #tpu.memory_space<hbm>> -> memref<50000x128xf32, #tpu.memory_space<hbm>>
    %dma_start3A_800 = tpu.memref_slice %arg7[%dma_start3A_787] : memref<7x!tpu.dma_semaphore, #tpu.memory_space<semaphore_mem>> -> memref<1x!tpu.dma_semaphore, #tpu.memory_space<semaphore_mem>>
    %dma_start3A_801 = tpu.memref_squeeze %dma_start3A_800 : memref<1x!tpu.dma_semaphore, #tpu.memory_space<semaphore_mem>> -> memref<!tpu.dma_semaphore, #tpu.memory_space<semaphore_mem>>
    tpu.enqueue_indirect_dma source(%dma_start3A_799 : memref<50000x128xf32, #tpu.memory_space<hbm>>) target(%dma_start3A_791 : memref<128x128xf32, #tpu.memory_space<vmem>>) offsets(%dma_start3A_792 : memref<128xi32, #tpu.memory_space<vmem>>) semaphore(%dma_start3A_801 : memref<!tpu.dma_semaphore, #tpu.memory_space<semaphore_mem>>)
    %dma_wait3A_802 = arith.constant 6 : i32
    %dma_wait3A_803 = arith.constant 6 : i32
    %dma_wait3A_804 = arith.constant 0 : i32
    %dma_wait3A_805 = arith.constant 0 : i32
    %dma_wait3A_806 = tpu.memref_slice %arg6[%dma_wait3A_802, %dma_wait3A_804, %dma_wait3A_805] : memref<7x128x128xf32, #tpu.memory_space<vmem>> -> memref<1x128x128xf32, #tpu.memory_space<vmem>>
    %dma_wait3A_807 = tpu.memref_squeeze %dma_wait3A_806 : memref<1x128x128xf32, #tpu.memory_space<vmem>> -> memref<128x128xf32, #tpu.memory_space<vmem>>
    %dma_wait3A_808 = arith.constant 0 : i32
    %dma_wait3A_809 = arith.constant 0 : i32
    %dma_wait3A_810 = tpu.memref_slice %arg2[%select_n3A, %dma_wait3A_808, %dma_wait3A_809] : memref<8x50000x128xf32, #tpu.memory_space<hbm>> -> memref<1x50000x128xf32, #tpu.memory_space<hbm>>
    %dma_wait3A_811 = tpu.memref_squeeze %dma_wait3A_810 : memref<1x50000x128xf32, #tpu.memory_space<hbm>> -> memref<50000x128xf32, #tpu.memory_space<hbm>>
    %dma_wait3A_812 = arith.constant 0 : i32
    %dma_wait3A_813 = arith.constant 0 : i32
    %dma_wait3A_814 = tpu.memref_slice %dma_wait3A_811[%dma_wait3A_812, %dma_wait3A_813] : memref<50000x128xf32, #tpu.memory_space<hbm>> -> memref<128x128xf32, #tpu.memory_space<hbm>>
    %dma_wait3A_815 = tpu.memref_slice %arg8[%dma_wait3A_803] : memref<7x!tpu.dma_semaphore, #tpu.memory_space<semaphore_mem>> -> memref<1x!tpu.dma_semaphore, #tpu.memory_space<semaphore_mem>>
    %dma_wait3A_816 = tpu.memref_squeeze %dma_wait3A_815 : memref<1x!tpu.dma_semaphore, #tpu.memory_space<semaphore_mem>> -> memref<!tpu.dma_semaphore, #tpu.memory_space<semaphore_mem>>
    %dma_wait3A_817 = arith.constant 0 : i32
    %dma_wait3A_818 = arith.constant 0 : i32
    %dma_wait3A_819 = tpu.memref_slice %arg6[%dma_wait3A_802, %dma_wait3A_817, %dma_wait3A_818] : memref<7x128x128xf32, #tpu.memory_space<vmem>> -> memref<1x128x128xf32, #tpu.memory_space<vmem>>
    %dma_wait3A_820 = tpu.memref_squeeze %dma_wait3A_819 : memref<1x128x128xf32, #tpu.memory_space<vmem>> -> memref<128x128xf32, #tpu.memory_space<vmem>>
    %dma_wait3A_821 = arith.constant 0 : i32
    %dma_wait3A_822 = arith.constant 0 : i32
    %dma_wait3A_823 = tpu.memref_slice %arg2[%select_n3A, %dma_wait3A_821, %dma_wait3A_822] : memref<8x50000x128xf32, #tpu.memory_space<hbm>> -> memref<1x50000x128xf32, #tpu.memory_space<hbm>>
    %dma_wait3A_824 = tpu.memref_squeeze %dma_wait3A_823 : memref<1x50000x128xf32, #tpu.memory_space<hbm>> -> memref<50000x128xf32, #tpu.memory_space<hbm>>
    %dma_wait3A_825 = arith.constant 0 : i32
    %dma_wait3A_826 = arith.constant 0 : i32
    %dma_wait3A_827 = tpu.memref_slice %dma_wait3A_824[%dma_wait3A_825, %dma_wait3A_826] : memref<50000x128xf32, #tpu.memory_space<hbm>> -> memref<128x128xf32, #tpu.memory_space<hbm>>
    tpu.wait_dma2 semaphore(%dma_wait3A_816 : memref<!tpu.dma_semaphore, #tpu.memory_space<semaphore_mem>>) src(%dma_wait3A_827 : memref<128x128xf32, #tpu.memory_space<hbm>>) dst(%dma_wait3A_820 : memref<128x128xf32, #tpu.memory_space<vmem>>)
    %dma_start3A_828 = arith.constant 6 : i32
    %dma_start3A_829 = arith.constant 6 : i32
    %dma_start3A_830 = arith.constant 0 : i32
    %dma_start3A_831 = arith.constant 0 : i32
    %dma_start3A_832 = tpu.memref_slice %arg6[%dma_start3A_828, %dma_start3A_830, %dma_start3A_831] : memref<7x128x128xf32, #tpu.memory_space<vmem>> -> memref<1x128x128xf32, #tpu.memory_space<vmem>>
    %dma_start3A_833 = tpu.memref_squeeze %dma_start3A_832 : memref<1x128x128xf32, #tpu.memory_space<vmem>> -> memref<128x128xf32, #tpu.memory_space<vmem>>
    %dma_start3A_834 = arith.constant 6144 : i32
    %dma_start3A_835 = tpu.memref_slice %arg5[%dma_start3A_834] : memref<6272xi32, #tpu.memory_space<vmem>> -> memref<128xi32, #tpu.memory_space<vmem>>
    %dma_start3A_836 = arith.constant 0 : i32
    %dma_start3A_837 = arith.constant 0 : i32
    %dma_start3A_838 = tpu.memref_slice %arg2[%select_n3A, %dma_start3A_836, %dma_start3A_837] : memref<8x50000x128xf32, #tpu.memory_space<hbm>> -> memref<1x50000x128xf32, #tpu.memory_space<hbm>>
    %dma_start3A_839 = tpu.memref_squeeze %dma_start3A_838 : memref<1x50000x128xf32, #tpu.memory_space<hbm>> -> memref<50000x128xf32, #tpu.memory_space<hbm>>
    %dma_start3A_840 = arith.constant 0 : i32
    %dma_start3A_841 = arith.constant 0 : i32
    %dma_start3A_842 = tpu.memref_slice %dma_start3A_839[%dma_start3A_840, %dma_start3A_841] : memref<50000x128xf32, #tpu.memory_space<hbm>> -> memref<50000x128xf32, #tpu.memory_space<hbm>>
    %dma_start3A_843 = tpu.memref_slice %arg7[%dma_start3A_829] : memref<7x!tpu.dma_semaphore, #tpu.memory_space<semaphore_mem>> -> memref<1x!tpu.dma_semaphore, #tpu.memory_space<semaphore_mem>>
    %dma_start3A_844 = tpu.memref_squeeze %dma_start3A_843 : memref<1x!tpu.dma_semaphore, #tpu.memory_space<semaphore_mem>> -> memref<!tpu.dma_semaphore, #tpu.memory_space<semaphore_mem>>
    tpu.enqueue_indirect_dma source(%dma_start3A_842 : memref<50000x128xf32, #tpu.memory_space<hbm>>) target(%dma_start3A_833 : memref<128x128xf32, #tpu.memory_space<vmem>>) offsets(%dma_start3A_835 : memref<128xi32, #tpu.memory_space<vmem>>) semaphore(%dma_start3A_844 : memref<!tpu.dma_semaphore, #tpu.memory_space<semaphore_mem>>)
    %dma_wait3A_845 = arith.constant 0 : i32
    %dma_wait3A_846 = arith.constant 0 : i32
    %dma_wait3A_847 = arith.constant 0 : i32
    %dma_wait3A_848 = arith.constant 0 : i32
    %dma_wait3A_849 = tpu.memref_slice %arg6[%dma_wait3A_845, %dma_wait3A_847, %dma_wait3A_848] : memref<7x128x128xf32, #tpu.memory_space<vmem>> -> memref<1x128x128xf32, #tpu.memory_space<vmem>>
    %dma_wait3A_850 = tpu.memref_squeeze %dma_wait3A_849 : memref<1x128x128xf32, #tpu.memory_space<vmem>> -> memref<128x128xf32, #tpu.memory_space<vmem>>
    %dma_wait3A_851 = arith.constant 0 : i32
    %dma_wait3A_852 = arith.constant 0 : i32
    %dma_wait3A_853 = tpu.memref_slice %arg2[%select_n3A, %dma_wait3A_851, %dma_wait3A_852] : memref<8x50000x128xf32, #tpu.memory_space<hbm>> -> memref<1x50000x128xf32, #tpu.memory_space<hbm>>
    %dma_wait3A_854 = tpu.memref_squeeze %dma_wait3A_853 : memref<1x50000x128xf32, #tpu.memory_space<hbm>> -> memref<50000x128xf32, #tpu.memory_space<hbm>>
    %dma_wait3A_855 = arith.constant 0 : i32
    %dma_wait3A_856 = arith.constant 0 : i32
    %dma_wait3A_857 = tpu.memref_slice %dma_wait3A_854[%dma_wait3A_855, %dma_wait3A_856] : memref<50000x128xf32, #tpu.memory_space<hbm>> -> memref<128x128xf32, #tpu.memory_space<hbm>>
    %dma_wait3A_858 = tpu.memref_slice %arg7[%dma_wait3A_846] : memref<7x!tpu.dma_semaphore, #tpu.memory_space<semaphore_mem>> -> memref<1x!tpu.dma_semaphore, #tpu.memory_space<semaphore_mem>>
    %dma_wait3A_859 = tpu.memref_squeeze %dma_wait3A_858 : memref<1x!tpu.dma_semaphore, #tpu.memory_space<semaphore_mem>> -> memref<!tpu.dma_semaphore, #tpu.memory_space<semaphore_mem>>
    %dma_wait3A_860 = arith.constant 0 : i32
    %dma_wait3A_861 = arith.constant 0 : i32
    %dma_wait3A_862 = tpu.memref_slice %arg6[%dma_wait3A_845, %dma_wait3A_860, %dma_wait3A_861] : memref<7x128x128xf32, #tpu.memory_space<vmem>> -> memref<1x128x128xf32, #tpu.memory_space<vmem>>
    %dma_wait3A_863 = tpu.memref_squeeze %dma_wait3A_862 : memref<1x128x128xf32, #tpu.memory_space<vmem>> -> memref<128x128xf32, #tpu.memory_space<vmem>>
    %dma_wait3A_864 = arith.constant 0 : i32
    %dma_wait3A_865 = arith.constant 0 : i32
    %dma_wait3A_866 = tpu.memref_slice %arg2[%select_n3A, %dma_wait3A_864, %dma_wait3A_865] : memref<8x50000x128xf32, #tpu.memory_space<hbm>> -> memref<1x50000x128xf32, #tpu.memory_space<hbm>>
    %dma_wait3A_867 = tpu.memref_squeeze %dma_wait3A_866 : memref<1x50000x128xf32, #tpu.memory_space<hbm>> -> memref<50000x128xf32, #tpu.memory_space<hbm>>
    %dma_wait3A_868 = arith.constant 0 : i32
    %dma_wait3A_869 = arith.constant 0 : i32
    %dma_wait3A_870 = tpu.memref_slice %dma_wait3A_867[%dma_wait3A_868, %dma_wait3A_869] : memref<50000x128xf32, #tpu.memory_space<hbm>> -> memref<128x128xf32, #tpu.memory_space<hbm>>
    tpu.wait_dma2 semaphore(%dma_wait3A_859 : memref<!tpu.dma_semaphore, #tpu.memory_space<semaphore_mem>>) src(%dma_wait3A_870 : memref<128x128xf32, #tpu.memory_space<hbm>>) dst(%dma_wait3A_863 : memref<128x128xf32, #tpu.memory_space<vmem>>)
    %add3A_871 = arith.constant 5376 : i32
    %add3A_872 = arith.addi %mul3A_32, %add3A_871 : i32
    %dma_start3A_873 = arith.constant 0 : i32
    %dma_start3A_874 = arith.constant 0 : i32
    %dma_start3A_875 = arith.constant 0 : i32
    %dma_start3A_876 = arith.constant 0 : i32
    %dma_start3A_877 = tpu.memref_slice %arg6[%dma_start3A_873, %dma_start3A_875, %dma_start3A_876] : memref<7x128x128xf32, #tpu.memory_space<vmem>> -> memref<1x128x128xf32, #tpu.memory_space<vmem>>
    %dma_start3A_878 = tpu.memref_squeeze %dma_start3A_877 : memref<1x128x128xf32, #tpu.memory_space<vmem>> -> memref<128x128xf32, #tpu.memory_space<vmem>>
    %dma_start3A_879 = arith.constant 0 : i32
    %dma_start3A_880 = arith.constant 0 : i32
    %dma_start3A_881 = tpu.memref_slice %arg4[%select_n3A, %dma_start3A_879, %dma_start3A_880] : memref<8x25000x128xf32, #tpu.memory_space<hbm>> -> memref<1x25000x128xf32, #tpu.memory_space<hbm>>
    %dma_start3A_882 = tpu.memref_squeeze %dma_start3A_881 : memref<1x25000x128xf32, #tpu.memory_space<hbm>> -> memref<25000x128xf32, #tpu.memory_space<hbm>>
    %dma_start3A_883 = arith.constant 0 : i32
    %dma_start3A_884 = tpu.memref_slice %dma_start3A_882[%add3A_872, %dma_start3A_883] : memref<25000x128xf32, #tpu.memory_space<hbm>> -> memref<128x128xf32, #tpu.memory_space<hbm>>
    %dma_start3A_885 = tpu.memref_slice %arg8[%dma_start3A_874] : memref<7x!tpu.dma_semaphore, #tpu.memory_space<semaphore_mem>> -> memref<1x!tpu.dma_semaphore, #tpu.memory_space<semaphore_mem>>
    %dma_start3A_886 = tpu.memref_squeeze %dma_start3A_885 : memref<1x!tpu.dma_semaphore, #tpu.memory_space<semaphore_mem>> -> memref<!tpu.dma_semaphore, #tpu.memory_space<semaphore_mem>>
    %dma_start3A_887 = arith.constant 0 : i32
    %dma_start3A_888 = arith.constant 0 : i32
    %dma_start3A_889 = tpu.memref_slice %arg4[%select_n3A, %dma_start3A_887, %dma_start3A_888] : memref<8x25000x128xf32, #tpu.memory_space<hbm>> -> memref<1x25000x128xf32, #tpu.memory_space<hbm>>
    %dma_start3A_890 = tpu.memref_squeeze %dma_start3A_889 : memref<1x25000x128xf32, #tpu.memory_space<hbm>> -> memref<25000x128xf32, #tpu.memory_space<hbm>>
    %dma_start3A_891 = arith.constant 0 : i32
    %dma_start3A_892 = tpu.memref_slice %dma_start3A_890[%add3A_872, %dma_start3A_891] : memref<25000x128xf32, #tpu.memory_space<hbm>> -> memref<128x128xf32, #tpu.memory_space<hbm>>
    %dma_start3A_893 = arith.constant 0 : i32
    %dma_start3A_894 = arith.constant 0 : i32
    %dma_start3A_895 = tpu.memref_slice %arg6[%dma_start3A_873, %dma_start3A_893, %dma_start3A_894] : memref<7x128x128xf32, #tpu.memory_space<vmem>> -> memref<1x128x128xf32, #tpu.memory_space<vmem>>
    %dma_start3A_896 = tpu.memref_squeeze %dma_start3A_895 : memref<1x128x128xf32, #tpu.memory_space<vmem>> -> memref<128x128xf32, #tpu.memory_space<vmem>>
    tpu.enqueue_dma source(%dma_start3A_896 : memref<128x128xf32, #tpu.memory_space<vmem>>) target(%dma_start3A_892 : memref<128x128xf32, #tpu.memory_space<hbm>>) target_semaphore(%dma_start3A_886 : memref<!tpu.dma_semaphore, #tpu.memory_space<semaphore_mem>>)
    %dma_wait3A_897 = arith.constant 1 : i32
    %dma_wait3A_898 = arith.constant 1 : i32
    %dma_wait3A_899 = arith.constant 0 : i32
    %dma_wait3A_900 = arith.constant 0 : i32
    %dma_wait3A_901 = tpu.memref_slice %arg6[%dma_wait3A_897, %dma_wait3A_899, %dma_wait3A_900] : memref<7x128x128xf32, #tpu.memory_space<vmem>> -> memref<1x128x128xf32, #tpu.memory_space<vmem>>
    %dma_wait3A_902 = tpu.memref_squeeze %dma_wait3A_901 : memref<1x128x128xf32, #tpu.memory_space<vmem>> -> memref<128x128xf32, #tpu.memory_space<vmem>>
    %dma_wait3A_903 = arith.constant 0 : i32
    %dma_wait3A_904 = arith.constant 0 : i32
    %dma_wait3A_905 = tpu.memref_slice %arg2[%select_n3A, %dma_wait3A_903, %dma_wait3A_904] : memref<8x50000x128xf32, #tpu.memory_space<hbm>> -> memref<1x50000x128xf32, #tpu.memory_space<hbm>>
    %dma_wait3A_906 = tpu.memref_squeeze %dma_wait3A_905 : memref<1x50000x128xf32, #tpu.memory_space<hbm>> -> memref<50000x128xf32, #tpu.memory_space<hbm>>
    %dma_wait3A_907 = arith.constant 0 : i32
    %dma_wait3A_908 = arith.constant 0 : i32
    %dma_wait3A_909 = tpu.memref_slice %dma_wait3A_906[%dma_wait3A_907, %dma_wait3A_908] : memref<50000x128xf32, #tpu.memory_space<hbm>> -> memref<128x128xf32, #tpu.memory_space<hbm>>
    %dma_wait3A_910 = tpu.memref_slice %arg7[%dma_wait3A_898] : memref<7x!tpu.dma_semaphore, #tpu.memory_space<semaphore_mem>> -> memref<1x!tpu.dma_semaphore, #tpu.memory_space<semaphore_mem>>
    %dma_wait3A_911 = tpu.memref_squeeze %dma_wait3A_910 : memref<1x!tpu.dma_semaphore, #tpu.memory_space<semaphore_mem>> -> memref<!tpu.dma_semaphore, #tpu.memory_space<semaphore_mem>>
    %dma_wait3A_912 = arith.constant 0 : i32
    %dma_wait3A_913 = arith.constant 0 : i32
    %dma_wait3A_914 = tpu.memref_slice %arg6[%dma_wait3A_897, %dma_wait3A_912, %dma_wait3A_913] : memref<7x128x128xf32, #tpu.memory_space<vmem>> -> memref<1x128x128xf32, #tpu.memory_space<vmem>>
    %dma_wait3A_915 = tpu.memref_squeeze %dma_wait3A_914 : memref<1x128x128xf32, #tpu.memory_space<vmem>> -> memref<128x128xf32, #tpu.memory_space<vmem>>
    %dma_wait3A_916 = arith.constant 0 : i32
    %dma_wait3A_917 = arith.constant 0 : i32
    %dma_wait3A_918 = tpu.memref_slice %arg2[%select_n3A, %dma_wait3A_916, %dma_wait3A_917] : memref<8x50000x128xf32, #tpu.memory_space<hbm>> -> memref<1x50000x128xf32, #tpu.memory_space<hbm>>
    %dma_wait3A_919 = tpu.memref_squeeze %dma_wait3A_918 : memref<1x50000x128xf32, #tpu.memory_space<hbm>> -> memref<50000x128xf32, #tpu.memory_space<hbm>>
    %dma_wait3A_920 = arith.constant 0 : i32
    %dma_wait3A_921 = arith.constant 0 : i32
    %dma_wait3A_922 = tpu.memref_slice %dma_wait3A_919[%dma_wait3A_920, %dma_wait3A_921] : memref<50000x128xf32, #tpu.memory_space<hbm>> -> memref<128x128xf32, #tpu.memory_space<hbm>>
    tpu.wait_dma2 semaphore(%dma_wait3A_911 : memref<!tpu.dma_semaphore, #tpu.memory_space<semaphore_mem>>) src(%dma_wait3A_922 : memref<128x128xf32, #tpu.memory_space<hbm>>) dst(%dma_wait3A_915 : memref<128x128xf32, #tpu.memory_space<vmem>>)
    %add3A_923 = arith.constant 5504 : i32
    %add3A_924 = arith.addi %mul3A_32, %add3A_923 : i32
    %dma_start3A_925 = arith.constant 1 : i32
    %dma_start3A_926 = arith.constant 1 : i32
    %dma_start3A_927 = arith.constant 0 : i32
    %dma_start3A_928 = arith.constant 0 : i32
    %dma_start3A_929 = tpu.memref_slice %arg6[%dma_start3A_925, %dma_start3A_927, %dma_start3A_928] : memref<7x128x128xf32, #tpu.memory_space<vmem>> -> memref<1x128x128xf32, #tpu.memory_space<vmem>>
    %dma_start3A_930 = tpu.memref_squeeze %dma_start3A_929 : memref<1x128x128xf32, #tpu.memory_space<vmem>> -> memref<128x128xf32, #tpu.memory_space<vmem>>
    %dma_start3A_931 = arith.constant 0 : i32
    %dma_start3A_932 = arith.constant 0 : i32
    %dma_start3A_933 = tpu.memref_slice %arg4[%select_n3A, %dma_start3A_931, %dma_start3A_932] : memref<8x25000x128xf32, #tpu.memory_space<hbm>> -> memref<1x25000x128xf32, #tpu.memory_space<hbm>>
    %dma_start3A_934 = tpu.memref_squeeze %dma_start3A_933 : memref<1x25000x128xf32, #tpu.memory_space<hbm>> -> memref<25000x128xf32, #tpu.memory_space<hbm>>
    %dma_start3A_935 = arith.constant 0 : i32
    %dma_start3A_936 = tpu.memref_slice %dma_start3A_934[%add3A_924, %dma_start3A_935] : memref<25000x128xf32, #tpu.memory_space<hbm>> -> memref<128x128xf32, #tpu.memory_space<hbm>>
    %dma_start3A_937 = tpu.memref_slice %arg8[%dma_start3A_926] : memref<7x!tpu.dma_semaphore, #tpu.memory_space<semaphore_mem>> -> memref<1x!tpu.dma_semaphore, #tpu.memory_space<semaphore_mem>>
    %dma_start3A_938 = tpu.memref_squeeze %dma_start3A_937 : memref<1x!tpu.dma_semaphore, #tpu.memory_space<semaphore_mem>> -> memref<!tpu.dma_semaphore, #tpu.memory_space<semaphore_mem>>
    %dma_start3A_939 = arith.constant 0 : i32
    %dma_start3A_940 = arith.constant 0 : i32
    %dma_start3A_941 = tpu.memref_slice %arg4[%select_n3A, %dma_start3A_939, %dma_start3A_940] : memref<8x25000x128xf32, #tpu.memory_space<hbm>> -> memref<1x25000x128xf32, #tpu.memory_space<hbm>>
    %dma_start3A_942 = tpu.memref_squeeze %dma_start3A_941 : memref<1x25000x128xf32, #tpu.memory_space<hbm>> -> memref<25000x128xf32, #tpu.memory_space<hbm>>
    %dma_start3A_943 = arith.constant 0 : i32
    %dma_start3A_944 = tpu.memref_slice %dma_start3A_942[%add3A_924, %dma_start3A_943] : memref<25000x128xf32, #tpu.memory_space<hbm>> -> memref<128x128xf32, #tpu.memory_space<hbm>>
    %dma_start3A_945 = arith.constant 0 : i32
    %dma_start3A_946 = arith.constant 0 : i32
    %dma_start3A_947 = tpu.memref_slice %arg6[%dma_start3A_925, %dma_start3A_945, %dma_start3A_946] : memref<7x128x128xf32, #tpu.memory_space<vmem>> -> memref<1x128x128xf32, #tpu.memory_space<vmem>>
    %dma_start3A_948 = tpu.memref_squeeze %dma_start3A_947 : memref<1x128x128xf32, #tpu.memory_space<vmem>> -> memref<128x128xf32, #tpu.memory_space<vmem>>
    tpu.enqueue_dma source(%dma_start3A_948 : memref<128x128xf32, #tpu.memory_space<vmem>>) target(%dma_start3A_944 : memref<128x128xf32, #tpu.memory_space<hbm>>) target_semaphore(%dma_start3A_938 : memref<!tpu.dma_semaphore, #tpu.memory_space<semaphore_mem>>)
    %dma_wait3A_949 = arith.constant 2 : i32
    %dma_wait3A_950 = arith.constant 2 : i32
    %dma_wait3A_951 = arith.constant 0 : i32
    %dma_wait3A_952 = arith.constant 0 : i32
    %dma_wait3A_953 = tpu.memref_slice %arg6[%dma_wait3A_949, %dma_wait3A_951, %dma_wait3A_952] : memref<7x128x128xf32, #tpu.memory_space<vmem>> -> memref<1x128x128xf32, #tpu.memory_space<vmem>>
    %dma_wait3A_954 = tpu.memref_squeeze %dma_wait3A_953 : memref<1x128x128xf32, #tpu.memory_space<vmem>> -> memref<128x128xf32, #tpu.memory_space<vmem>>
    %dma_wait3A_955 = arith.constant 0 : i32
    %dma_wait3A_956 = arith.constant 0 : i32
    %dma_wait3A_957 = tpu.memref_slice %arg2[%select_n3A, %dma_wait3A_955, %dma_wait3A_956] : memref<8x50000x128xf32, #tpu.memory_space<hbm>> -> memref<1x50000x128xf32, #tpu.memory_space<hbm>>
    %dma_wait3A_958 = tpu.memref_squeeze %dma_wait3A_957 : memref<1x50000x128xf32, #tpu.memory_space<hbm>> -> memref<50000x128xf32, #tpu.memory_space<hbm>>
    %dma_wait3A_959 = arith.constant 0 : i32
    %dma_wait3A_960 = arith.constant 0 : i32
    %dma_wait3A_961 = tpu.memref_slice %dma_wait3A_958[%dma_wait3A_959, %dma_wait3A_960] : memref<50000x128xf32, #tpu.memory_space<hbm>> -> memref<128x128xf32, #tpu.memory_space<hbm>>
    %dma_wait3A_962 = tpu.memref_slice %arg7[%dma_wait3A_950] : memref<7x!tpu.dma_semaphore, #tpu.memory_space<semaphore_mem>> -> memref<1x!tpu.dma_semaphore, #tpu.memory_space<semaphore_mem>>
    %dma_wait3A_963 = tpu.memref_squeeze %dma_wait3A_962 : memref<1x!tpu.dma_semaphore, #tpu.memory_space<semaphore_mem>> -> memref<!tpu.dma_semaphore, #tpu.memory_space<semaphore_mem>>
    %dma_wait3A_964 = arith.constant 0 : i32
    %dma_wait3A_965 = arith.constant 0 : i32
    %dma_wait3A_966 = tpu.memref_slice %arg6[%dma_wait3A_949, %dma_wait3A_964, %dma_wait3A_965] : memref<7x128x128xf32, #tpu.memory_space<vmem>> -> memref<1x128x128xf32, #tpu.memory_space<vmem>>
    %dma_wait3A_967 = tpu.memref_squeeze %dma_wait3A_966 : memref<1x128x128xf32, #tpu.memory_space<vmem>> -> memref<128x128xf32, #tpu.memory_space<vmem>>
    %dma_wait3A_968 = arith.constant 0 : i32
    %dma_wait3A_969 = arith.constant 0 : i32
    %dma_wait3A_970 = tpu.memref_slice %arg2[%select_n3A, %dma_wait3A_968, %dma_wait3A_969] : memref<8x50000x128xf32, #tpu.memory_space<hbm>> -> memref<1x50000x128xf32, #tpu.memory_space<hbm>>
    %dma_wait3A_971 = tpu.memref_squeeze %dma_wait3A_970 : memref<1x50000x128xf32, #tpu.memory_space<hbm>> -> memref<50000x128xf32, #tpu.memory_space<hbm>>
    %dma_wait3A_972 = arith.constant 0 : i32
    %dma_wait3A_973 = arith.constant 0 : i32
    %dma_wait3A_974 = tpu.memref_slice %dma_wait3A_971[%dma_wait3A_972, %dma_wait3A_973] : memref<50000x128xf32, #tpu.memory_space<hbm>> -> memref<128x128xf32, #tpu.memory_space<hbm>>
    tpu.wait_dma2 semaphore(%dma_wait3A_963 : memref<!tpu.dma_semaphore, #tpu.memory_space<semaphore_mem>>) src(%dma_wait3A_974 : memref<128x128xf32, #tpu.memory_space<hbm>>) dst(%dma_wait3A_967 : memref<128x128xf32, #tpu.memory_space<vmem>>)
    %add3A_975 = arith.constant 5632 : i32
    %add3A_976 = arith.addi %mul3A_32, %add3A_975 : i32
    %dma_start3A_977 = arith.constant 2 : i32
    %dma_start3A_978 = arith.constant 2 : i32
    %dma_start3A_979 = arith.constant 0 : i32
    %dma_start3A_980 = arith.constant 0 : i32
    %dma_start3A_981 = tpu.memref_slice %arg6[%dma_start3A_977, %dma_start3A_979, %dma_start3A_980] : memref<7x128x128xf32, #tpu.memory_space<vmem>> -> memref<1x128x128xf32, #tpu.memory_space<vmem>>
    %dma_start3A_982 = tpu.memref_squeeze %dma_start3A_981 : memref<1x128x128xf32, #tpu.memory_space<vmem>> -> memref<128x128xf32, #tpu.memory_space<vmem>>
    %dma_start3A_983 = arith.constant 0 : i32
    %dma_start3A_984 = arith.constant 0 : i32
    %dma_start3A_985 = tpu.memref_slice %arg4[%select_n3A, %dma_start3A_983, %dma_start3A_984] : memref<8x25000x128xf32, #tpu.memory_space<hbm>> -> memref<1x25000x128xf32, #tpu.memory_space<hbm>>
    %dma_start3A_986 = tpu.memref_squeeze %dma_start3A_985 : memref<1x25000x128xf32, #tpu.memory_space<hbm>> -> memref<25000x128xf32, #tpu.memory_space<hbm>>
    %dma_start3A_987 = arith.constant 0 : i32
    %dma_start3A_988 = tpu.memref_slice %dma_start3A_986[%add3A_976, %dma_start3A_987] : memref<25000x128xf32, #tpu.memory_space<hbm>> -> memref<128x128xf32, #tpu.memory_space<hbm>>
    %dma_start3A_989 = tpu.memref_slice %arg8[%dma_start3A_978] : memref<7x!tpu.dma_semaphore, #tpu.memory_space<semaphore_mem>> -> memref<1x!tpu.dma_semaphore, #tpu.memory_space<semaphore_mem>>
    %dma_start3A_990 = tpu.memref_squeeze %dma_start3A_989 : memref<1x!tpu.dma_semaphore, #tpu.memory_space<semaphore_mem>> -> memref<!tpu.dma_semaphore, #tpu.memory_space<semaphore_mem>>
    %dma_start3A_991 = arith.constant 0 : i32
    %dma_start3A_992 = arith.constant 0 : i32
    %dma_start3A_993 = tpu.memref_slice %arg4[%select_n3A, %dma_start3A_991, %dma_start3A_992] : memref<8x25000x128xf32, #tpu.memory_space<hbm>> -> memref<1x25000x128xf32, #tpu.memory_space<hbm>>
    %dma_start3A_994 = tpu.memref_squeeze %dma_start3A_993 : memref<1x25000x128xf32, #tpu.memory_space<hbm>> -> memref<25000x128xf32, #tpu.memory_space<hbm>>
    %dma_start3A_995 = arith.constant 0 : i32
    %dma_start3A_996 = tpu.memref_slice %dma_start3A_994[%add3A_976, %dma_start3A_995] : memref<25000x128xf32, #tpu.memory_space<hbm>> -> memref<128x128xf32, #tpu.memory_space<hbm>>
    %dma_start3A_997 = arith.constant 0 : i32
    %dma_start3A_998 = arith.constant 0 : i32
    %dma_start3A_999 = tpu.memref_slice %arg6[%dma_start3A_977, %dma_start3A_997, %dma_start3A_998] : memref<7x128x128xf32, #tpu.memory_space<vmem>> -> memref<1x128x128xf32, #tpu.memory_space<vmem>>
    %dma_start3A_1000 = tpu.memref_squeeze %dma_start3A_999 : memref<1x128x128xf32, #tpu.memory_space<vmem>> -> memref<128x128xf32, #tpu.memory_space<vmem>>
    tpu.enqueue_dma source(%dma_start3A_1000 : memref<128x128xf32, #tpu.memory_space<vmem>>) target(%dma_start3A_996 : memref<128x128xf32, #tpu.memory_space<hbm>>) target_semaphore(%dma_start3A_990 : memref<!tpu.dma_semaphore, #tpu.memory_space<semaphore_mem>>)
    %dma_wait3A_1001 = arith.constant 3 : i32
    %dma_wait3A_1002 = arith.constant 3 : i32
    %dma_wait3A_1003 = arith.constant 0 : i32
    %dma_wait3A_1004 = arith.constant 0 : i32
    %dma_wait3A_1005 = tpu.memref_slice %arg6[%dma_wait3A_1001, %dma_wait3A_1003, %dma_wait3A_1004] : memref<7x128x128xf32, #tpu.memory_space<vmem>> -> memref<1x128x128xf32, #tpu.memory_space<vmem>>
    %dma_wait3A_1006 = tpu.memref_squeeze %dma_wait3A_1005 : memref<1x128x128xf32, #tpu.memory_space<vmem>> -> memref<128x128xf32, #tpu.memory_space<vmem>>
    %dma_wait3A_1007 = arith.constant 0 : i32
    %dma_wait3A_1008 = arith.constant 0 : i32
    %dma_wait3A_1009 = tpu.memref_slice %arg2[%select_n3A, %dma_wait3A_1007, %dma_wait3A_1008] : memref<8x50000x128xf32, #tpu.memory_space<hbm>> -> memref<1x50000x128xf32, #tpu.memory_space<hbm>>
    %dma_wait3A_1010 = tpu.memref_squeeze %dma_wait3A_1009 : memref<1x50000x128xf32, #tpu.memory_space<hbm>> -> memref<50000x128xf32, #tpu.memory_space<hbm>>
    %dma_wait3A_1011 = arith.constant 0 : i32
    %dma_wait3A_1012 = arith.constant 0 : i32
    %dma_wait3A_1013 = tpu.memref_slice %dma_wait3A_1010[%dma_wait3A_1011, %dma_wait3A_1012] : memref<50000x128xf32, #tpu.memory_space<hbm>> -> memref<128x128xf32, #tpu.memory_space<hbm>>
    %dma_wait3A_1014 = tpu.memref_slice %arg7[%dma_wait3A_1002] : memref<7x!tpu.dma_semaphore, #tpu.memory_space<semaphore_mem>> -> memref<1x!tpu.dma_semaphore, #tpu.memory_space<semaphore_mem>>
    %dma_wait3A_1015 = tpu.memref_squeeze %dma_wait3A_1014 : memref<1x!tpu.dma_semaphore, #tpu.memory_space<semaphore_mem>> -> memref<!tpu.dma_semaphore, #tpu.memory_space<semaphore_mem>>
    %dma_wait3A_1016 = arith.constant 0 : i32
    %dma_wait3A_1017 = arith.constant 0 : i32
    %dma_wait3A_1018 = tpu.memref_slice %arg6[%dma_wait3A_1001, %dma_wait3A_1016, %dma_wait3A_1017] : memref<7x128x128xf32, #tpu.memory_space<vmem>> -> memref<1x128x128xf32, #tpu.memory_space<vmem>>
    %dma_wait3A_1019 = tpu.memref_squeeze %dma_wait3A_1018 : memref<1x128x128xf32, #tpu.memory_space<vmem>> -> memref<128x128xf32, #tpu.memory_space<vmem>>
    %dma_wait3A_1020 = arith.constant 0 : i32
    %dma_wait3A_1021 = arith.constant 0 : i32
    %dma_wait3A_1022 = tpu.memref_slice %arg2[%select_n3A, %dma_wait3A_1020, %dma_wait3A_1021] : memref<8x50000x128xf32, #tpu.memory_space<hbm>> -> memref<1x50000x128xf32, #tpu.memory_space<hbm>>
    %dma_wait3A_1023 = tpu.memref_squeeze %dma_wait3A_1022 : memref<1x50000x128xf32, #tpu.memory_space<hbm>> -> memref<50000x128xf32, #tpu.memory_space<hbm>>
    %dma_wait3A_1024 = arith.constant 0 : i32
    %dma_wait3A_1025 = arith.constant 0 : i32
    %dma_wait3A_1026 = tpu.memref_slice %dma_wait3A_1023[%dma_wait3A_1024, %dma_wait3A_1025] : memref<50000x128xf32, #tpu.memory_space<hbm>> -> memref<128x128xf32, #tpu.memory_space<hbm>>
    tpu.wait_dma2 semaphore(%dma_wait3A_1015 : memref<!tpu.dma_semaphore, #tpu.memory_space<semaphore_mem>>) src(%dma_wait3A_1026 : memref<128x128xf32, #tpu.memory_space<hbm>>) dst(%dma_wait3A_1019 : memref<128x128xf32, #tpu.memory_space<vmem>>)
    %add3A_1027 = arith.constant 5760 : i32
    %add3A_1028 = arith.addi %mul3A_32, %add3A_1027 : i32
    %dma_start3A_1029 = arith.constant 3 : i32
    %dma_start3A_1030 = arith.constant 3 : i32
    %dma_start3A_1031 = arith.constant 0 : i32
    %dma_start3A_1032 = arith.constant 0 : i32
    %dma_start3A_1033 = tpu.memref_slice %arg6[%dma_start3A_1029, %dma_start3A_1031, %dma_start3A_1032] : memref<7x128x128xf32, #tpu.memory_space<vmem>> -> memref<1x128x128xf32, #tpu.memory_space<vmem>>
    %dma_start3A_1034 = tpu.memref_squeeze %dma_start3A_1033 : memref<1x128x128xf32, #tpu.memory_space<vmem>> -> memref<128x128xf32, #tpu.memory_space<vmem>>
    %dma_start3A_1035 = arith.constant 0 : i32
    %dma_start3A_1036 = arith.constant 0 : i32
    %dma_start3A_1037 = tpu.memref_slice %arg4[%select_n3A, %dma_start3A_1035, %dma_start3A_1036] : memref<8x25000x128xf32, #tpu.memory_space<hbm>> -> memref<1x25000x128xf32, #tpu.memory_space<hbm>>
    %dma_start3A_1038 = tpu.memref_squeeze %dma_start3A_1037 : memref<1x25000x128xf32, #tpu.memory_space<hbm>> -> memref<25000x128xf32, #tpu.memory_space<hbm>>
    %dma_start3A_1039 = arith.constant 0 : i32
    %dma_start3A_1040 = tpu.memref_slice %dma_start3A_1038[%add3A_1028, %dma_start3A_1039] : memref<25000x128xf32, #tpu.memory_space<hbm>> -> memref<128x128xf32, #tpu.memory_space<hbm>>
    %dma_start3A_1041 = tpu.memref_slice %arg8[%dma_start3A_1030] : memref<7x!tpu.dma_semaphore, #tpu.memory_space<semaphore_mem>> -> memref<1x!tpu.dma_semaphore, #tpu.memory_space<semaphore_mem>>
    %dma_start3A_1042 = tpu.memref_squeeze %dma_start3A_1041 : memref<1x!tpu.dma_semaphore, #tpu.memory_space<semaphore_mem>> -> memref<!tpu.dma_semaphore, #tpu.memory_space<semaphore_mem>>
    %dma_start3A_1043 = arith.constant 0 : i32
    %dma_start3A_1044 = arith.constant 0 : i32
    %dma_start3A_1045 = tpu.memref_slice %arg4[%select_n3A, %dma_start3A_1043, %dma_start3A_1044] : memref<8x25000x128xf32, #tpu.memory_space<hbm>> -> memref<1x25000x128xf32, #tpu.memory_space<hbm>>
    %dma_start3A_1046 = tpu.memref_squeeze %dma_start3A_1045 : memref<1x25000x128xf32, #tpu.memory_space<hbm>> -> memref<25000x128xf32, #tpu.memory_space<hbm>>
    %dma_start3A_1047 = arith.constant 0 : i32
    %dma_start3A_1048 = tpu.memref_slice %dma_start3A_1046[%add3A_1028, %dma_start3A_1047] : memref<25000x128xf32, #tpu.memory_space<hbm>> -> memref<128x128xf32, #tpu.memory_space<hbm>>
    %dma_start3A_1049 = arith.constant 0 : i32
    %dma_start3A_1050 = arith.constant 0 : i32
    %dma_start3A_1051 = tpu.memref_slice %arg6[%dma_start3A_1029, %dma_start3A_1049, %dma_start3A_1050] : memref<7x128x128xf32, #tpu.memory_space<vmem>> -> memref<1x128x128xf32, #tpu.memory_space<vmem>>
    %dma_start3A_1052 = tpu.memref_squeeze %dma_start3A_1051 : memref<1x128x128xf32, #tpu.memory_space<vmem>> -> memref<128x128xf32, #tpu.memory_space<vmem>>
    tpu.enqueue_dma source(%dma_start3A_1052 : memref<128x128xf32, #tpu.memory_space<vmem>>) target(%dma_start3A_1048 : memref<128x128xf32, #tpu.memory_space<hbm>>) target_semaphore(%dma_start3A_1042 : memref<!tpu.dma_semaphore, #tpu.memory_space<semaphore_mem>>)
    %dma_wait3A_1053 = arith.constant 4 : i32
    %dma_wait3A_1054 = arith.constant 4 : i32
    %dma_wait3A_1055 = arith.constant 0 : i32
    %dma_wait3A_1056 = arith.constant 0 : i32
    %dma_wait3A_1057 = tpu.memref_slice %arg6[%dma_wait3A_1053, %dma_wait3A_1055, %dma_wait3A_1056] : memref<7x128x128xf32, #tpu.memory_space<vmem>> -> memref<1x128x128xf32, #tpu.memory_space<vmem>>
    %dma_wait3A_1058 = tpu.memref_squeeze %dma_wait3A_1057 : memref<1x128x128xf32, #tpu.memory_space<vmem>> -> memref<128x128xf32, #tpu.memory_space<vmem>>
    %dma_wait3A_1059 = arith.constant 0 : i32
    %dma_wait3A_1060 = arith.constant 0 : i32
    %dma_wait3A_1061 = tpu.memref_slice %arg2[%select_n3A, %dma_wait3A_1059, %dma_wait3A_1060] : memref<8x50000x128xf32, #tpu.memory_space<hbm>> -> memref<1x50000x128xf32, #tpu.memory_space<hbm>>
    %dma_wait3A_1062 = tpu.memref_squeeze %dma_wait3A_1061 : memref<1x50000x128xf32, #tpu.memory_space<hbm>> -> memref<50000x128xf32, #tpu.memory_space<hbm>>
    %dma_wait3A_1063 = arith.constant 0 : i32
    %dma_wait3A_1064 = arith.constant 0 : i32
    %dma_wait3A_1065 = tpu.memref_slice %dma_wait3A_1062[%dma_wait3A_1063, %dma_wait3A_1064] : memref<50000x128xf32, #tpu.memory_space<hbm>> -> memref<128x128xf32, #tpu.memory_space<hbm>>
    %dma_wait3A_1066 = tpu.memref_slice %arg7[%dma_wait3A_1054] : memref<7x!tpu.dma_semaphore, #tpu.memory_space<semaphore_mem>> -> memref<1x!tpu.dma_semaphore, #tpu.memory_space<semaphore_mem>>
    %dma_wait3A_1067 = tpu.memref_squeeze %dma_wait3A_1066 : memref<1x!tpu.dma_semaphore, #tpu.memory_space<semaphore_mem>> -> memref<!tpu.dma_semaphore, #tpu.memory_space<semaphore_mem>>
    %dma_wait3A_1068 = arith.constant 0 : i32
    %dma_wait3A_1069 = arith.constant 0 : i32
    %dma_wait3A_1070 = tpu.memref_slice %arg6[%dma_wait3A_1053, %dma_wait3A_1068, %dma_wait3A_1069] : memref<7x128x128xf32, #tpu.memory_space<vmem>> -> memref<1x128x128xf32, #tpu.memory_space<vmem>>
    %dma_wait3A_1071 = tpu.memref_squeeze %dma_wait3A_1070 : memref<1x128x128xf32, #tpu.memory_space<vmem>> -> memref<128x128xf32, #tpu.memory_space<vmem>>
    %dma_wait3A_1072 = arith.constant 0 : i32
    %dma_wait3A_1073 = arith.constant 0 : i32
    %dma_wait3A_1074 = tpu.memref_slice %arg2[%select_n3A, %dma_wait3A_1072, %dma_wait3A_1073] : memref<8x50000x128xf32, #tpu.memory_space<hbm>> -> memref<1x50000x128xf32, #tpu.memory_space<hbm>>
    %dma_wait3A_1075 = tpu.memref_squeeze %dma_wait3A_1074 : memref<1x50000x128xf32, #tpu.memory_space<hbm>> -> memref<50000x128xf32, #tpu.memory_space<hbm>>
    %dma_wait3A_1076 = arith.constant 0 : i32
    %dma_wait3A_1077 = arith.constant 0 : i32
    %dma_wait3A_1078 = tpu.memref_slice %dma_wait3A_1075[%dma_wait3A_1076, %dma_wait3A_1077] : memref<50000x128xf32, #tpu.memory_space<hbm>> -> memref<128x128xf32, #tpu.memory_space<hbm>>
    tpu.wait_dma2 semaphore(%dma_wait3A_1067 : memref<!tpu.dma_semaphore, #tpu.memory_space<semaphore_mem>>) src(%dma_wait3A_1078 : memref<128x128xf32, #tpu.memory_space<hbm>>) dst(%dma_wait3A_1071 : memref<128x128xf32, #tpu.memory_space<vmem>>)
    %add3A_1079 = arith.constant 5888 : i32
    %add3A_1080 = arith.addi %mul3A_32, %add3A_1079 : i32
    %dma_start3A_1081 = arith.constant 4 : i32
    %dma_start3A_1082 = arith.constant 4 : i32
    %dma_start3A_1083 = arith.constant 0 : i32
    %dma_start3A_1084 = arith.constant 0 : i32
    %dma_start3A_1085 = tpu.memref_slice %arg6[%dma_start3A_1081, %dma_start3A_1083, %dma_start3A_1084] : memref<7x128x128xf32, #tpu.memory_space<vmem>> -> memref<1x128x128xf32, #tpu.memory_space<vmem>>
    %dma_start3A_1086 = tpu.memref_squeeze %dma_start3A_1085 : memref<1x128x128xf32, #tpu.memory_space<vmem>> -> memref<128x128xf32, #tpu.memory_space<vmem>>
    %dma_start3A_1087 = arith.constant 0 : i32
    %dma_start3A_1088 = arith.constant 0 : i32
    %dma_start3A_1089 = tpu.memref_slice %arg4[%select_n3A, %dma_start3A_1087, %dma_start3A_1088] : memref<8x25000x128xf32, #tpu.memory_space<hbm>> -> memref<1x25000x128xf32, #tpu.memory_space<hbm>>
    %dma_start3A_1090 = tpu.memref_squeeze %dma_start3A_1089 : memref<1x25000x128xf32, #tpu.memory_space<hbm>> -> memref<25000x128xf32, #tpu.memory_space<hbm>>
    %dma_start3A_1091 = arith.constant 0 : i32
    %dma_start3A_1092 = tpu.memref_slice %dma_start3A_1090[%add3A_1080, %dma_start3A_1091] : memref<25000x128xf32, #tpu.memory_space<hbm>> -> memref<128x128xf32, #tpu.memory_space<hbm>>
    %dma_start3A_1093 = tpu.memref_slice %arg8[%dma_start3A_1082] : memref<7x!tpu.dma_semaphore, #tpu.memory_space<semaphore_mem>> -> memref<1x!tpu.dma_semaphore, #tpu.memory_space<semaphore_mem>>
    %dma_start3A_1094 = tpu.memref_squeeze %dma_start3A_1093 : memref<1x!tpu.dma_semaphore, #tpu.memory_space<semaphore_mem>> -> memref<!tpu.dma_semaphore, #tpu.memory_space<semaphore_mem>>
    %dma_start3A_1095 = arith.constant 0 : i32
    %dma_start3A_1096 = arith.constant 0 : i32
    %dma_start3A_1097 = tpu.memref_slice %arg4[%select_n3A, %dma_start3A_1095, %dma_start3A_1096] : memref<8x25000x128xf32, #tpu.memory_space<hbm>> -> memref<1x25000x128xf32, #tpu.memory_space<hbm>>
    %dma_start3A_1098 = tpu.memref_squeeze %dma_start3A_1097 : memref<1x25000x128xf32, #tpu.memory_space<hbm>> -> memref<25000x128xf32, #tpu.memory_space<hbm>>
    %dma_start3A_1099 = arith.constant 0 : i32
    %dma_start3A_1100 = tpu.memref_slice %dma_start3A_1098[%add3A_1080, %dma_start3A_1099] : memref<25000x128xf32, #tpu.memory_space<hbm>> -> memref<128x128xf32, #tpu.memory_space<hbm>>
    %dma_start3A_1101 = arith.constant 0 : i32
    %dma_start3A_1102 = arith.constant 0 : i32
    %dma_start3A_1103 = tpu.memref_slice %arg6[%dma_start3A_1081, %dma_start3A_1101, %dma_start3A_1102] : memref<7x128x128xf32, #tpu.memory_space<vmem>> -> memref<1x128x128xf32, #tpu.memory_space<vmem>>
    %dma_start3A_1104 = tpu.memref_squeeze %dma_start3A_1103 : memref<1x128x128xf32, #tpu.memory_space<vmem>> -> memref<128x128xf32, #tpu.memory_space<vmem>>
    tpu.enqueue_dma source(%dma_start3A_1104 : memref<128x128xf32, #tpu.memory_space<vmem>>) target(%dma_start3A_1100 : memref<128x128xf32, #tpu.memory_space<hbm>>) target_semaphore(%dma_start3A_1094 : memref<!tpu.dma_semaphore, #tpu.memory_space<semaphore_mem>>)
    %dma_wait3A_1105 = arith.constant 5 : i32
    %dma_wait3A_1106 = arith.constant 5 : i32
    %dma_wait3A_1107 = arith.constant 0 : i32
    %dma_wait3A_1108 = arith.constant 0 : i32
    %dma_wait3A_1109 = tpu.memref_slice %arg6[%dma_wait3A_1105, %dma_wait3A_1107, %dma_wait3A_1108] : memref<7x128x128xf32, #tpu.memory_space<vmem>> -> memref<1x128x128xf32, #tpu.memory_space<vmem>>
    %dma_wait3A_1110 = tpu.memref_squeeze %dma_wait3A_1109 : memref<1x128x128xf32, #tpu.memory_space<vmem>> -> memref<128x128xf32, #tpu.memory_space<vmem>>
    %dma_wait3A_1111 = arith.constant 0 : i32
    %dma_wait3A_1112 = arith.constant 0 : i32
    %dma_wait3A_1113 = tpu.memref_slice %arg2[%select_n3A, %dma_wait3A_1111, %dma_wait3A_1112] : memref<8x50000x128xf32, #tpu.memory_space<hbm>> -> memref<1x50000x128xf32, #tpu.memory_space<hbm>>
    %dma_wait3A_1114 = tpu.memref_squeeze %dma_wait3A_1113 : memref<1x50000x128xf32, #tpu.memory_space<hbm>> -> memref<50000x128xf32, #tpu.memory_space<hbm>>
    %dma_wait3A_1115 = arith.constant 0 : i32
    %dma_wait3A_1116 = arith.constant 0 : i32
    %dma_wait3A_1117 = tpu.memref_slice %dma_wait3A_1114[%dma_wait3A_1115, %dma_wait3A_1116] : memref<50000x128xf32, #tpu.memory_space<hbm>> -> memref<128x128xf32, #tpu.memory_space<hbm>>
    %dma_wait3A_1118 = tpu.memref_slice %arg7[%dma_wait3A_1106] : memref<7x!tpu.dma_semaphore, #tpu.memory_space<semaphore_mem>> -> memref<1x!tpu.dma_semaphore, #tpu.memory_space<semaphore_mem>>
    %dma_wait3A_1119 = tpu.memref_squeeze %dma_wait3A_1118 : memref<1x!tpu.dma_semaphore, #tpu.memory_space<semaphore_mem>> -> memref<!tpu.dma_semaphore, #tpu.memory_space<semaphore_mem>>
    %dma_wait3A_1120 = arith.constant 0 : i32
    %dma_wait3A_1121 = arith.constant 0 : i32
    %dma_wait3A_1122 = tpu.memref_slice %arg6[%dma_wait3A_1105, %dma_wait3A_1120, %dma_wait3A_1121] : memref<7x128x128xf32, #tpu.memory_space<vmem>> -> memref<1x128x128xf32, #tpu.memory_space<vmem>>
    %dma_wait3A_1123 = tpu.memref_squeeze %dma_wait3A_1122 : memref<1x128x128xf32, #tpu.memory_space<vmem>> -> memref<128x128xf32, #tpu.memory_space<vmem>>
    %dma_wait3A_1124 = arith.constant 0 : i32
    %dma_wait3A_1125 = arith.constant 0 : i32
    %dma_wait3A_1126 = tpu.memref_slice %arg2[%select_n3A, %dma_wait3A_1124, %dma_wait3A_1125] : memref<8x50000x128xf32, #tpu.memory_space<hbm>> -> memref<1x50000x128xf32, #tpu.memory_space<hbm>>
    %dma_wait3A_1127 = tpu.memref_squeeze %dma_wait3A_1126 : memref<1x50000x128xf32, #tpu.memory_space<hbm>> -> memref<50000x128xf32, #tpu.memory_space<hbm>>
    %dma_wait3A_1128 = arith.constant 0 : i32
    %dma_wait3A_1129 = arith.constant 0 : i32
    %dma_wait3A_1130 = tpu.memref_slice %dma_wait3A_1127[%dma_wait3A_1128, %dma_wait3A_1129] : memref<50000x128xf32, #tpu.memory_space<hbm>> -> memref<128x128xf32, #tpu.memory_space<hbm>>
    tpu.wait_dma2 semaphore(%dma_wait3A_1119 : memref<!tpu.dma_semaphore, #tpu.memory_space<semaphore_mem>>) src(%dma_wait3A_1130 : memref<128x128xf32, #tpu.memory_space<hbm>>) dst(%dma_wait3A_1123 : memref<128x128xf32, #tpu.memory_space<vmem>>)
    %add3A_1131 = arith.constant 6016 : i32
    %add3A_1132 = arith.addi %mul3A_32, %add3A_1131 : i32
    %dma_start3A_1133 = arith.constant 5 : i32
    %dma_start3A_1134 = arith.constant 5 : i32
    %dma_start3A_1135 = arith.constant 0 : i32
    %dma_start3A_1136 = arith.constant 0 : i32
    %dma_start3A_1137 = tpu.memref_slice %arg6[%dma_start3A_1133, %dma_start3A_1135, %dma_start3A_1136] : memref<7x128x128xf32, #tpu.memory_space<vmem>> -> memref<1x128x128xf32, #tpu.memory_space<vmem>>
    %dma_start3A_1138 = tpu.memref_squeeze %dma_start3A_1137 : memref<1x128x128xf32, #tpu.memory_space<vmem>> -> memref<128x128xf32, #tpu.memory_space<vmem>>
    %dma_start3A_1139 = arith.constant 0 : i32
    %dma_start3A_1140 = arith.constant 0 : i32
    %dma_start3A_1141 = tpu.memref_slice %arg4[%select_n3A, %dma_start3A_1139, %dma_start3A_1140] : memref<8x25000x128xf32, #tpu.memory_space<hbm>> -> memref<1x25000x128xf32, #tpu.memory_space<hbm>>
    %dma_start3A_1142 = tpu.memref_squeeze %dma_start3A_1141 : memref<1x25000x128xf32, #tpu.memory_space<hbm>> -> memref<25000x128xf32, #tpu.memory_space<hbm>>
    %dma_start3A_1143 = arith.constant 0 : i32
    %dma_start3A_1144 = tpu.memref_slice %dma_start3A_1142[%add3A_1132, %dma_start3A_1143] : memref<25000x128xf32, #tpu.memory_space<hbm>> -> memref<128x128xf32, #tpu.memory_space<hbm>>
    %dma_start3A_1145 = tpu.memref_slice %arg8[%dma_start3A_1134] : memref<7x!tpu.dma_semaphore, #tpu.memory_space<semaphore_mem>> -> memref<1x!tpu.dma_semaphore, #tpu.memory_space<semaphore_mem>>
    %dma_start3A_1146 = tpu.memref_squeeze %dma_start3A_1145 : memref<1x!tpu.dma_semaphore, #tpu.memory_space<semaphore_mem>> -> memref<!tpu.dma_semaphore, #tpu.memory_space<semaphore_mem>>
    %dma_start3A_1147 = arith.constant 0 : i32
    %dma_start3A_1148 = arith.constant 0 : i32
    %dma_start3A_1149 = tpu.memref_slice %arg4[%select_n3A, %dma_start3A_1147, %dma_start3A_1148] : memref<8x25000x128xf32, #tpu.memory_space<hbm>> -> memref<1x25000x128xf32, #tpu.memory_space<hbm>>
    %dma_start3A_1150 = tpu.memref_squeeze %dma_start3A_1149 : memref<1x25000x128xf32, #tpu.memory_space<hbm>> -> memref<25000x128xf32, #tpu.memory_space<hbm>>
    %dma_start3A_1151 = arith.constant 0 : i32
    %dma_start3A_1152 = tpu.memref_slice %dma_start3A_1150[%add3A_1132, %dma_start3A_1151] : memref<25000x128xf32, #tpu.memory_space<hbm>> -> memref<128x128xf32, #tpu.memory_space<hbm>>
    %dma_start3A_1153 = arith.constant 0 : i32
    %dma_start3A_1154 = arith.constant 0 : i32
    %dma_start3A_1155 = tpu.memref_slice %arg6[%dma_start3A_1133, %dma_start3A_1153, %dma_start3A_1154] : memref<7x128x128xf32, #tpu.memory_space<vmem>> -> memref<1x128x128xf32, #tpu.memory_space<vmem>>
    %dma_start3A_1156 = tpu.memref_squeeze %dma_start3A_1155 : memref<1x128x128xf32, #tpu.memory_space<vmem>> -> memref<128x128xf32, #tpu.memory_space<vmem>>
    tpu.enqueue_dma source(%dma_start3A_1156 : memref<128x128xf32, #tpu.memory_space<vmem>>) target(%dma_start3A_1152 : memref<128x128xf32, #tpu.memory_space<hbm>>) target_semaphore(%dma_start3A_1146 : memref<!tpu.dma_semaphore, #tpu.memory_space<semaphore_mem>>)
    %dma_wait3A_1157 = arith.constant 6 : i32
    %dma_wait3A_1158 = arith.constant 6 : i32
    %dma_wait3A_1159 = arith.constant 0 : i32
    %dma_wait3A_1160 = arith.constant 0 : i32
    %dma_wait3A_1161 = tpu.memref_slice %arg6[%dma_wait3A_1157, %dma_wait3A_1159, %dma_wait3A_1160] : memref<7x128x128xf32, #tpu.memory_space<vmem>> -> memref<1x128x128xf32, #tpu.memory_space<vmem>>
    %dma_wait3A_1162 = tpu.memref_squeeze %dma_wait3A_1161 : memref<1x128x128xf32, #tpu.memory_space<vmem>> -> memref<128x128xf32, #tpu.memory_space<vmem>>
    %dma_wait3A_1163 = arith.constant 0 : i32
    %dma_wait3A_1164 = arith.constant 0 : i32
    %dma_wait3A_1165 = tpu.memref_slice %arg2[%select_n3A, %dma_wait3A_1163, %dma_wait3A_1164] : memref<8x50000x128xf32, #tpu.memory_space<hbm>> -> memref<1x50000x128xf32, #tpu.memory_space<hbm>>
    %dma_wait3A_1166 = tpu.memref_squeeze %dma_wait3A_1165 : memref<1x50000x128xf32, #tpu.memory_space<hbm>> -> memref<50000x128xf32, #tpu.memory_space<hbm>>
    %dma_wait3A_1167 = arith.constant 0 : i32
    %dma_wait3A_1168 = arith.constant 0 : i32
    %dma_wait3A_1169 = tpu.memref_slice %dma_wait3A_1166[%dma_wait3A_1167, %dma_wait3A_1168] : memref<50000x128xf32, #tpu.memory_space<hbm>> -> memref<128x128xf32, #tpu.memory_space<hbm>>
    %dma_wait3A_1170 = tpu.memref_slice %arg7[%dma_wait3A_1158] : memref<7x!tpu.dma_semaphore, #tpu.memory_space<semaphore_mem>> -> memref<1x!tpu.dma_semaphore, #tpu.memory_space<semaphore_mem>>
    %dma_wait3A_1171 = tpu.memref_squeeze %dma_wait3A_1170 : memref<1x!tpu.dma_semaphore, #tpu.memory_space<semaphore_mem>> -> memref<!tpu.dma_semaphore, #tpu.memory_space<semaphore_mem>>
    %dma_wait3A_1172 = arith.constant 0 : i32
    %dma_wait3A_1173 = arith.constant 0 : i32
    %dma_wait3A_1174 = tpu.memref_slice %arg6[%dma_wait3A_1157, %dma_wait3A_1172, %dma_wait3A_1173] : memref<7x128x128xf32, #tpu.memory_space<vmem>> -> memref<1x128x128xf32, #tpu.memory_space<vmem>>
    %dma_wait3A_1175 = tpu.memref_squeeze %dma_wait3A_1174 : memref<1x128x128xf32, #tpu.memory_space<vmem>> -> memref<128x128xf32, #tpu.memory_space<vmem>>
    %dma_wait3A_1176 = arith.constant 0 : i32
    %dma_wait3A_1177 = arith.constant 0 : i32
    %dma_wait3A_1178 = tpu.memref_slice %arg2[%select_n3A, %dma_wait3A_1176, %dma_wait3A_1177] : memref<8x50000x128xf32, #tpu.memory_space<hbm>> -> memref<1x50000x128xf32, #tpu.memory_space<hbm>>
    %dma_wait3A_1179 = tpu.memref_squeeze %dma_wait3A_1178 : memref<1x50000x128xf32, #tpu.memory_space<hbm>> -> memref<50000x128xf32, #tpu.memory_space<hbm>>
    %dma_wait3A_1180 = arith.constant 0 : i32
    %dma_wait3A_1181 = arith.constant 0 : i32
    %dma_wait3A_1182 = tpu.memref_slice %dma_wait3A_1179[%dma_wait3A_1180, %dma_wait3A_1181] : memref<50000x128xf32, #tpu.memory_space<hbm>> -> memref<128x128xf32, #tpu.memory_space<hbm>>
    tpu.wait_dma2 semaphore(%dma_wait3A_1171 : memref<!tpu.dma_semaphore, #tpu.memory_space<semaphore_mem>>) src(%dma_wait3A_1182 : memref<128x128xf32, #tpu.memory_space<hbm>>) dst(%dma_wait3A_1175 : memref<128x128xf32, #tpu.memory_space<vmem>>)
    %lt3A_1183 = arith.constant 3 : i32
    %lt3A_1184 = arith.cmpi slt, %select_n3A_30, %lt3A_1183 : i32
    %convert_element_type3A = arith.extui %lt3A_1184 : i1 to i32
    %cond3A = arith.constant 0 : i32
    %cond3A_1185 = arith.cmpi ne, %convert_element_type3A, %cond3A : i32
    scf.if %cond3A_1185 {
      %add3A_1347 = arith.constant 6144 : i32
      %add3A_1348 = arith.addi %mul3A_32, %add3A_1347 : i32
      %run_scoped3A = arith.constant 6 : i32
      "tpu.region"() ({
        %run_scoped3A_1349 = tpu.sem_alloc : memref<!tpu.dma_semaphore, #tpu.memory_space<semaphore_mem>>
        %dma_start3A_1350 = arith.constant 0 : i32
        %dma_start3A_1351 = arith.constant 0 : i32
        %dma_start3A_1352 = tpu.memref_slice %arg6[%run_scoped3A, %dma_start3A_1350, %dma_start3A_1351] : memref<7x128x128xf32, #tpu.memory_space<vmem>> -> memref<1x128x128xf32, #tpu.memory_space<vmem>>
        %dma_start3A_1353 = tpu.memref_squeeze %dma_start3A_1352 : memref<1x128x128xf32, #tpu.memory_space<vmem>> -> memref<128x128xf32, #tpu.memory_space<vmem>>
        %dma_start3A_1354 = arith.constant 0 : i32
        %dma_start3A_1355 = arith.constant 0 : i32
        %dma_start3A_1356 = tpu.memref_slice %arg4[%select_n3A, %dma_start3A_1354, %dma_start3A_1355] : memref<8x25000x128xf32, #tpu.memory_space<hbm>> -> memref<1x25000x128xf32, #tpu.memory_space<hbm>>
        %dma_start3A_1357 = tpu.memref_squeeze %dma_start3A_1356 : memref<1x25000x128xf32, #tpu.memory_space<hbm>> -> memref<25000x128xf32, #tpu.memory_space<hbm>>
        %dma_start3A_1358 = arith.constant 0 : i32
        %dma_start3A_1359 = tpu.memref_slice %dma_start3A_1357[%add3A_1348, %dma_start3A_1358] : memref<25000x128xf32, #tpu.memory_space<hbm>> -> memref<128x128xf32, #tpu.memory_space<hbm>>
        %dma_start3A_1360 = arith.constant 0 : i32
        %dma_start3A_1361 = arith.constant 0 : i32
        %dma_start3A_1362 = tpu.memref_slice %arg4[%select_n3A, %dma_start3A_1360, %dma_start3A_1361] : memref<8x25000x128xf32, #tpu.memory_space<hbm>> -> memref<1x25000x128xf32, #tpu.memory_space<hbm>>
        %dma_start3A_1363 = tpu.memref_squeeze %dma_start3A_1362 : memref<1x25000x128xf32, #tpu.memory_space<hbm>> -> memref<25000x128xf32, #tpu.memory_space<hbm>>
        %dma_start3A_1364 = arith.constant 0 : i32
        %dma_start3A_1365 = tpu.memref_slice %dma_start3A_1363[%add3A_1348, %dma_start3A_1364] : memref<25000x128xf32, #tpu.memory_space<hbm>> -> memref<128x128xf32, #tpu.memory_space<hbm>>
        %dma_start3A_1366 = arith.constant 0 : i32
        %dma_start3A_1367 = arith.constant 0 : i32
        %dma_start3A_1368 = tpu.memref_slice %arg6[%run_scoped3A, %dma_start3A_1366, %dma_start3A_1367] : memref<7x128x128xf32, #tpu.memory_space<vmem>> -> memref<1x128x128xf32, #tpu.memory_space<vmem>>
        %dma_start3A_1369 = tpu.memref_squeeze %dma_start3A_1368 : memref<1x128x128xf32, #tpu.memory_space<vmem>> -> memref<128x128xf32, #tpu.memory_space<vmem>>
        tpu.enqueue_dma source(%dma_start3A_1369 : memref<128x128xf32, #tpu.memory_space<vmem>>) target(%dma_start3A_1365 : memref<128x128xf32, #tpu.memory_space<hbm>>) target_semaphore(%run_scoped3A_1349 : memref<!tpu.dma_semaphore, #tpu.memory_space<semaphore_mem>>)
        %dma_wait3A_1370 = arith.constant 0 : i32
        %dma_wait3A_1371 = arith.constant 0 : i32
        %dma_wait3A_1372 = tpu.memref_slice %arg6[%run_scoped3A, %dma_wait3A_1370, %dma_wait3A_1371] : memref<7x128x128xf32, #tpu.memory_space<vmem>> -> memref<1x128x128xf32, #tpu.memory_space<vmem>>
        %dma_wait3A_1373 = tpu.memref_squeeze %dma_wait3A_1372 : memref<1x128x128xf32, #tpu.memory_space<vmem>> -> memref<128x128xf32, #tpu.memory_space<vmem>>
        %dma_wait3A_1374 = arith.constant 0 : i32
        %dma_wait3A_1375 = arith.constant 0 : i32
        %dma_wait3A_1376 = tpu.memref_slice %arg4[%select_n3A, %dma_wait3A_1374, %dma_wait3A_1375] : memref<8x25000x128xf32, #tpu.memory_space<hbm>> -> memref<1x25000x128xf32, #tpu.memory_space<hbm>>
        %dma_wait3A_1377 = tpu.memref_squeeze %dma_wait3A_1376 : memref<1x25000x128xf32, #tpu.memory_space<hbm>> -> memref<25000x128xf32, #tpu.memory_space<hbm>>
        %dma_wait3A_1378 = arith.constant 0 : i32
        %dma_wait3A_1379 = tpu.memref_slice %dma_wait3A_1377[%add3A_1348, %dma_wait3A_1378] : memref<25000x128xf32, #tpu.memory_space<hbm>> -> memref<128x128xf32, #tpu.memory_space<hbm>>
        %dma_wait3A_1380 = arith.constant 0 : i32
        %dma_wait3A_1381 = arith.constant 0 : i32
        %dma_wait3A_1382 = tpu.memref_slice %arg4[%select_n3A, %dma_wait3A_1380, %dma_wait3A_1381] : memref<8x25000x128xf32, #tpu.memory_space<hbm>> -> memref<1x25000x128xf32, #tpu.memory_space<hbm>>
        %dma_wait3A_1383 = tpu.memref_squeeze %dma_wait3A_1382 : memref<1x25000x128xf32, #tpu.memory_space<hbm>> -> memref<25000x128xf32, #tpu.memory_space<hbm>>
        %dma_wait3A_1384 = arith.constant 0 : i32
        %dma_wait3A_1385 = tpu.memref_slice %dma_wait3A_1383[%add3A_1348, %dma_wait3A_1384] : memref<25000x128xf32, #tpu.memory_space<hbm>> -> memref<128x128xf32, #tpu.memory_space<hbm>>
        %dma_wait3A_1386 = arith.constant 0 : i32
        %dma_wait3A_1387 = arith.constant 0 : i32
        %dma_wait3A_1388 = tpu.memref_slice %arg6[%run_scoped3A, %dma_wait3A_1386, %dma_wait3A_1387] : memref<7x128x128xf32, #tpu.memory_space<vmem>> -> memref<1x128x128xf32, #tpu.memory_space<vmem>>
        %dma_wait3A_1389 = tpu.memref_squeeze %dma_wait3A_1388 : memref<1x128x128xf32, #tpu.memory_space<vmem>> -> memref<128x128xf32, #tpu.memory_space<vmem>>
        tpu.wait_dma2 semaphore(%run_scoped3A_1349 : memref<!tpu.dma_semaphore, #tpu.memory_space<semaphore_mem>>) src(%dma_wait3A_1389 : memref<128x128xf32, #tpu.memory_space<vmem>>) dst(%dma_wait3A_1385 : memref<128x128xf32, #tpu.memory_space<hbm>>)
        tpu.yield
      }) : () -> ()
    } else {
    }
    %eq3A_1186 = arith.constant 3 : i32
    %eq3A_1187 = arith.cmpi eq, %select_n3A_30, %eq3A_1186 : i32
    %convert_element_type3A_1188 = arith.extui %eq3A_1187 : i1 to i32
    %cond3A_1189 = arith.constant 0 : i32
    %cond3A_1190 = arith.cmpi ne, %convert_element_type3A_1188, %cond3A_1189 : i32
    scf.if %cond3A_1190 {
      %add3A_1347 = arith.constant 6144 : i32
      %add3A_1348 = arith.addi %mul3A_32, %add3A_1347 : i32
      %run_scoped3A = arith.constant 6 : i32
      "tpu.region"() ({
        %run_scoped3A_1349 = tpu.sem_alloc : memref<!tpu.dma_semaphore, #tpu.memory_space<semaphore_mem>>
        %dma_start3A_1350 = arith.constant 0 : i32
        %dma_start3A_1351 = tpu.memref_slice %arg6[%run_scoped3A, %select_n3A_43, %dma_start3A_1350] : memref<7x128x128xf32, #tpu.memory_space<vmem>> -> memref<1x40x128xf32, #tpu.memory_space<vmem>>
        %dma_start3A_1352 = tpu.memref_squeeze %dma_start3A_1351 : memref<1x40x128xf32, #tpu.memory_space<vmem>> -> memref<40x128xf32, #tpu.memory_space<vmem>>
        %dma_start3A_1353 = arith.constant 0 : i32
        %dma_start3A_1354 = arith.constant 0 : i32
        %dma_start3A_1355 = tpu.memref_slice %arg4[%select_n3A, %dma_start3A_1353, %dma_start3A_1354] : memref<8x25000x128xf32, #tpu.memory_space<hbm>> -> memref<1x25000x128xf32, #tpu.memory_space<hbm>>
        %dma_start3A_1356 = tpu.memref_squeeze %dma_start3A_1355 : memref<1x25000x128xf32, #tpu.memory_space<hbm>> -> memref<25000x128xf32, #tpu.memory_space<hbm>>
        %dma_start3A_1357 = arith.constant 0 : i32
        %dma_start3A_1358 = tpu.memref_slice %dma_start3A_1356[%add3A_1348, %dma_start3A_1357] : memref<25000x128xf32, #tpu.memory_space<hbm>> -> memref<40x128xf32, #tpu.memory_space<hbm>>
        %dma_start3A_1359 = arith.constant 0 : i32
        %dma_start3A_1360 = arith.constant 0 : i32
        %dma_start3A_1361 = tpu.memref_slice %arg4[%select_n3A, %dma_start3A_1359, %dma_start3A_1360] : memref<8x25000x128xf32, #tpu.memory_space<hbm>> -> memref<1x25000x128xf32, #tpu.memory_space<hbm>>
        %dma_start3A_1362 = tpu.memref_squeeze %dma_start3A_1361 : memref<1x25000x128xf32, #tpu.memory_space<hbm>> -> memref<25000x128xf32, #tpu.memory_space<hbm>>
        %dma_start3A_1363 = arith.constant 0 : i32
        %dma_start3A_1364 = tpu.memref_slice %dma_start3A_1362[%add3A_1348, %dma_start3A_1363] : memref<25000x128xf32, #tpu.memory_space<hbm>> -> memref<40x128xf32, #tpu.memory_space<hbm>>
        %dma_start3A_1365 = arith.constant 0 : i32
        %dma_start3A_1366 = tpu.memref_slice %arg6[%run_scoped3A, %select_n3A_43, %dma_start3A_1365] : memref<7x128x128xf32, #tpu.memory_space<vmem>> -> memref<1x40x128xf32, #tpu.memory_space<vmem>>
        %dma_start3A_1367 = tpu.memref_squeeze %dma_start3A_1366 : memref<1x40x128xf32, #tpu.memory_space<vmem>> -> memref<40x128xf32, #tpu.memory_space<vmem>>
        tpu.enqueue_dma source(%dma_start3A_1367 : memref<40x128xf32, #tpu.memory_space<vmem>>) target(%dma_start3A_1364 : memref<40x128xf32, #tpu.memory_space<hbm>>) target_semaphore(%run_scoped3A_1349 : memref<!tpu.dma_semaphore, #tpu.memory_space<semaphore_mem>>)
        %dma_wait3A_1368 = arith.constant 0 : i32
        %dma_wait3A_1369 = tpu.memref_slice %arg6[%run_scoped3A, %select_n3A_43, %dma_wait3A_1368] : memref<7x128x128xf32, #tpu.memory_space<vmem>> -> memref<1x40x128xf32, #tpu.memory_space<vmem>>
        %dma_wait3A_1370 = tpu.memref_squeeze %dma_wait3A_1369 : memref<1x40x128xf32, #tpu.memory_space<vmem>> -> memref<40x128xf32, #tpu.memory_space<vmem>>
        %dma_wait3A_1371 = arith.constant 0 : i32
        %dma_wait3A_1372 = arith.constant 0 : i32
        %dma_wait3A_1373 = tpu.memref_slice %arg4[%select_n3A, %dma_wait3A_1371, %dma_wait3A_1372] : memref<8x25000x128xf32, #tpu.memory_space<hbm>> -> memref<1x25000x128xf32, #tpu.memory_space<hbm>>
        %dma_wait3A_1374 = tpu.memref_squeeze %dma_wait3A_1373 : memref<1x25000x128xf32, #tpu.memory_space<hbm>> -> memref<25000x128xf32, #tpu.memory_space<hbm>>
        %dma_wait3A_1375 = arith.constant 0 : i32
        %dma_wait3A_1376 = tpu.memref_slice %dma_wait3A_1374[%add3A_1348, %dma_wait3A_1375] : memref<25000x128xf32, #tpu.memory_space<hbm>> -> memref<40x128xf32, #tpu.memory_space<hbm>>
        %dma_wait3A_1377 = arith.constant 0 : i32
        %dma_wait3A_1378 = arith.constant 0 : i32
        %dma_wait3A_1379 = tpu.memref_slice %arg4[%select_n3A, %dma_wait3A_1377, %dma_wait3A_1378] : memref<8x25000x128xf32, #tpu.memory_space<hbm>> -> memref<1x25000x128xf32, #tpu.memory_space<hbm>>
        %dma_wait3A_1380 = tpu.memref_squeeze %dma_wait3A_1379 : memref<1x25000x128xf32, #tpu.memory_space<hbm>> -> memref<25000x128xf32, #tpu.memory_space<hbm>>
        %dma_wait3A_1381 = arith.constant 0 : i32
        %dma_wait3A_1382 = tpu.memref_slice %dma_wait3A_1380[%add3A_1348, %dma_wait3A_1381] : memref<25000x128xf32, #tpu.memory_space<hbm>> -> memref<40x128xf32, #tpu.memory_space<hbm>>
        %dma_wait3A_1383 = arith.constant 0 : i32
        %dma_wait3A_1384 = tpu.memref_slice %arg6[%run_scoped3A, %select_n3A_43, %dma_wait3A_1383] : memref<7x128x128xf32, #tpu.memory_space<vmem>> -> memref<1x40x128xf32, #tpu.memory_space<vmem>>
        %dma_wait3A_1385 = tpu.memref_squeeze %dma_wait3A_1384 : memref<1x40x128xf32, #tpu.memory_space<vmem>> -> memref<40x128xf32, #tpu.memory_space<vmem>>
        tpu.wait_dma2 semaphore(%run_scoped3A_1349 : memref<!tpu.dma_semaphore, #tpu.memory_space<semaphore_mem>>) src(%dma_wait3A_1385 : memref<40x128xf32, #tpu.memory_space<vmem>>) dst(%dma_wait3A_1382 : memref<40x128xf32, #tpu.memory_space<hbm>>)
        tpu.yield
      }) : () -> ()
    } else {
    }
    %dma_wait3A_1191 = arith.constant 0 : i32
    %dma_wait3A_1192 = arith.constant 0 : i32
    %dma_wait3A_1193 = arith.constant 0 : i32
    %dma_wait3A_1194 = arith.constant 0 : i32
    %dma_wait3A_1195 = tpu.memref_slice %arg6[%dma_wait3A_1191, %dma_wait3A_1193, %dma_wait3A_1194] : memref<7x128x128xf32, #tpu.memory_space<vmem>> -> memref<1x128x128xf32, #tpu.memory_space<vmem>>
    %dma_wait3A_1196 = tpu.memref_squeeze %dma_wait3A_1195 : memref<1x128x128xf32, #tpu.memory_space<vmem>> -> memref<128x128xf32, #tpu.memory_space<vmem>>
    %dma_wait3A_1197 = arith.constant 0 : i32
    %dma_wait3A_1198 = arith.constant 0 : i32
    %dma_wait3A_1199 = tpu.memref_slice %arg2[%select_n3A, %dma_wait3A_1197, %dma_wait3A_1198] : memref<8x50000x128xf32, #tpu.memory_space<hbm>> -> memref<1x50000x128xf32, #tpu.memory_space<hbm>>
    %dma_wait3A_1200 = tpu.memref_squeeze %dma_wait3A_1199 : memref<1x50000x128xf32, #tpu.memory_space<hbm>> -> memref<50000x128xf32, #tpu.memory_space<hbm>>
    %dma_wait3A_1201 = arith.constant 0 : i32
    %dma_wait3A_1202 = arith.constant 0 : i32
    %dma_wait3A_1203 = tpu.memref_slice %dma_wait3A_1200[%dma_wait3A_1201, %dma_wait3A_1202] : memref<50000x128xf32, #tpu.memory_space<hbm>> -> memref<128x128xf32, #tpu.memory_space<hbm>>
    %dma_wait3A_1204 = tpu.memref_slice %arg8[%dma_wait3A_1192] : memref<7x!tpu.dma_semaphore, #tpu.memory_space<semaphore_mem>> -> memref<1x!tpu.dma_semaphore, #tpu.memory_space<semaphore_mem>>
    %dma_wait3A_1205 = tpu.memref_squeeze %dma_wait3A_1204 : memref<1x!tpu.dma_semaphore, #tpu.memory_space<semaphore_mem>> -> memref<!tpu.dma_semaphore, #tpu.memory_space<semaphore_mem>>
    %dma_wait3A_1206 = arith.constant 0 : i32
    %dma_wait3A_1207 = arith.constant 0 : i32
    %dma_wait3A_1208 = tpu.memref_slice %arg6[%dma_wait3A_1191, %dma_wait3A_1206, %dma_wait3A_1207] : memref<7x128x128xf32, #tpu.memory_space<vmem>> -> memref<1x128x128xf32, #tpu.memory_space<vmem>>
    %dma_wait3A_1209 = tpu.memref_squeeze %dma_wait3A_1208 : memref<1x128x128xf32, #tpu.memory_space<vmem>> -> memref<128x128xf32, #tpu.memory_space<vmem>>
    %dma_wait3A_1210 = arith.constant 0 : i32
    %dma_wait3A_1211 = arith.constant 0 : i32
    %dma_wait3A_1212 = tpu.memref_slice %arg2[%select_n3A, %dma_wait3A_1210, %dma_wait3A_1211] : memref<8x50000x128xf32, #tpu.memory_space<hbm>> -> memref<1x50000x128xf32, #tpu.memory_space<hbm>>
    %dma_wait3A_1213 = tpu.memref_squeeze %dma_wait3A_1212 : memref<1x50000x128xf32, #tpu.memory_space<hbm>> -> memref<50000x128xf32, #tpu.memory_space<hbm>>
    %dma_wait3A_1214 = arith.constant 0 : i32
    %dma_wait3A_1215 = arith.constant 0 : i32
    %dma_wait3A_1216 = tpu.memref_slice %dma_wait3A_1213[%dma_wait3A_1214, %dma_wait3A_1215] : memref<50000x128xf32, #tpu.memory_space<hbm>> -> memref<128x128xf32, #tpu.memory_space<hbm>>
    tpu.wait_dma2 semaphore(%dma_wait3A_1205 : memref<!tpu.dma_semaphore, #tpu.memory_space<semaphore_mem>>) src(%dma_wait3A_1216 : memref<128x128xf32, #tpu.memory_space<hbm>>) dst(%dma_wait3A_1209 : memref<128x128xf32, #tpu.memory_space<vmem>>)
    %dma_wait3A_1217 = arith.constant 1 : i32
    %dma_wait3A_1218 = arith.constant 1 : i32
    %dma_wait3A_1219 = arith.constant 0 : i32
    %dma_wait3A_1220 = arith.constant 0 : i32
    %dma_wait3A_1221 = tpu.memref_slice %arg6[%dma_wait3A_1217, %dma_wait3A_1219, %dma_wait3A_1220] : memref<7x128x128xf32, #tpu.memory_space<vmem>> -> memref<1x128x128xf32, #tpu.memory_space<vmem>>
    %dma_wait3A_1222 = tpu.memref_squeeze %dma_wait3A_1221 : memref<1x128x128xf32, #tpu.memory_space<vmem>> -> memref<128x128xf32, #tpu.memory_space<vmem>>
    %dma_wait3A_1223 = arith.constant 0 : i32
    %dma_wait3A_1224 = arith.constant 0 : i32
    %dma_wait3A_1225 = tpu.memref_slice %arg2[%select_n3A, %dma_wait3A_1223, %dma_wait3A_1224] : memref<8x50000x128xf32, #tpu.memory_space<hbm>> -> memref<1x50000x128xf32, #tpu.memory_space<hbm>>
    %dma_wait3A_1226 = tpu.memref_squeeze %dma_wait3A_1225 : memref<1x50000x128xf32, #tpu.memory_space<hbm>> -> memref<50000x128xf32, #tpu.memory_space<hbm>>
    %dma_wait3A_1227 = arith.constant 0 : i32
    %dma_wait3A_1228 = arith.constant 0 : i32
    %dma_wait3A_1229 = tpu.memref_slice %dma_wait3A_1226[%dma_wait3A_1227, %dma_wait3A_1228] : memref<50000x128xf32, #tpu.memory_space<hbm>> -> memref<128x128xf32, #tpu.memory_space<hbm>>
    %dma_wait3A_1230 = tpu.memref_slice %arg8[%dma_wait3A_1218] : memref<7x!tpu.dma_semaphore, #tpu.memory_space<semaphore_mem>> -> memref<1x!tpu.dma_semaphore, #tpu.memory_space<semaphore_mem>>
    %dma_wait3A_1231 = tpu.memref_squeeze %dma_wait3A_1230 : memref<1x!tpu.dma_semaphore, #tpu.memory_space<semaphore_mem>> -> memref<!tpu.dma_semaphore, #tpu.memory_space<semaphore_mem>>
    %dma_wait3A_1232 = arith.constant 0 : i32
    %dma_wait3A_1233 = arith.constant 0 : i32
    %dma_wait3A_1234 = tpu.memref_slice %arg6[%dma_wait3A_1217, %dma_wait3A_1232, %dma_wait3A_1233] : memref<7x128x128xf32, #tpu.memory_space<vmem>> -> memref<1x128x128xf32, #tpu.memory_space<vmem>>
    %dma_wait3A_1235 = tpu.memref_squeeze %dma_wait3A_1234 : memref<1x128x128xf32, #tpu.memory_space<vmem>> -> memref<128x128xf32, #tpu.memory_space<vmem>>
    %dma_wait3A_1236 = arith.constant 0 : i32
    %dma_wait3A_1237 = arith.constant 0 : i32
    %dma_wait3A_1238 = tpu.memref_slice %arg2[%select_n3A, %dma_wait3A_1236, %dma_wait3A_1237] : memref<8x50000x128xf32, #tpu.memory_space<hbm>> -> memref<1x50000x128xf32, #tpu.memory_space<hbm>>
    %dma_wait3A_1239 = tpu.memref_squeeze %dma_wait3A_1238 : memref<1x50000x128xf32, #tpu.memory_space<hbm>> -> memref<50000x128xf32, #tpu.memory_space<hbm>>
    %dma_wait3A_1240 = arith.constant 0 : i32
    %dma_wait3A_1241 = arith.constant 0 : i32
    %dma_wait3A_1242 = tpu.memref_slice %dma_wait3A_1239[%dma_wait3A_1240, %dma_wait3A_1241] : memref<50000x128xf32, #tpu.memory_space<hbm>> -> memref<128x128xf32, #tpu.memory_space<hbm>>
    tpu.wait_dma2 semaphore(%dma_wait3A_1231 : memref<!tpu.dma_semaphore, #tpu.memory_space<semaphore_mem>>) src(%dma_wait3A_1242 : memref<128x128xf32, #tpu.memory_space<hbm>>) dst(%dma_wait3A_1235 : memref<128x128xf32, #tpu.memory_space<vmem>>)
    %dma_wait3A_1243 = arith.constant 2 : i32
    %dma_wait3A_1244 = arith.constant 2 : i32
    %dma_wait3A_1245 = arith.constant 0 : i32
    %dma_wait3A_1246 = arith.constant 0 : i32
    %dma_wait3A_1247 = tpu.memref_slice %arg6[%dma_wait3A_1243, %dma_wait3A_1245, %dma_wait3A_1246] : memref<7x128x128xf32, #tpu.memory_space<vmem>> -> memref<1x128x128xf32, #tpu.memory_space<vmem>>
    %dma_wait3A_1248 = tpu.memref_squeeze %dma_wait3A_1247 : memref<1x128x128xf32, #tpu.memory_space<vmem>> -> memref<128x128xf32, #tpu.memory_space<vmem>>
    %dma_wait3A_1249 = arith.constant 0 : i32
    %dma_wait3A_1250 = arith.constant 0 : i32
    %dma_wait3A_1251 = tpu.memref_slice %arg2[%select_n3A, %dma_wait3A_1249, %dma_wait3A_1250] : memref<8x50000x128xf32, #tpu.memory_space<hbm>> -> memref<1x50000x128xf32, #tpu.memory_space<hbm>>
    %dma_wait3A_1252 = tpu.memref_squeeze %dma_wait3A_1251 : memref<1x50000x128xf32, #tpu.memory_space<hbm>> -> memref<50000x128xf32, #tpu.memory_space<hbm>>
    %dma_wait3A_1253 = arith.constant 0 : i32
    %dma_wait3A_1254 = arith.constant 0 : i32
    %dma_wait3A_1255 = tpu.memref_slice %dma_wait3A_1252[%dma_wait3A_1253, %dma_wait3A_1254] : memref<50000x128xf32, #tpu.memory_space<hbm>> -> memref<128x128xf32, #tpu.memory_space<hbm>>
    %dma_wait3A_1256 = tpu.memref_slice %arg8[%dma_wait3A_1244] : memref<7x!tpu.dma_semaphore, #tpu.memory_space<semaphore_mem>> -> memref<1x!tpu.dma_semaphore, #tpu.memory_space<semaphore_mem>>
    %dma_wait3A_1257 = tpu.memref_squeeze %dma_wait3A_1256 : memref<1x!tpu.dma_semaphore, #tpu.memory_space<semaphore_mem>> -> memref<!tpu.dma_semaphore, #tpu.memory_space<semaphore_mem>>
    %dma_wait3A_1258 = arith.constant 0 : i32
    %dma_wait3A_1259 = arith.constant 0 : i32
    %dma_wait3A_1260 = tpu.memref_slice %arg6[%dma_wait3A_1243, %dma_wait3A_1258, %dma_wait3A_1259] : memref<7x128x128xf32, #tpu.memory_space<vmem>> -> memref<1x128x128xf32, #tpu.memory_space<vmem>>
    %dma_wait3A_1261 = tpu.memref_squeeze %dma_wait3A_1260 : memref<1x128x128xf32, #tpu.memory_space<vmem>> -> memref<128x128xf32, #tpu.memory_space<vmem>>
    %dma_wait3A_1262 = arith.constant 0 : i32
    %dma_wait3A_1263 = arith.constant 0 : i32
    %dma_wait3A_1264 = tpu.memref_slice %arg2[%select_n3A, %dma_wait3A_1262, %dma_wait3A_1263] : memref<8x50000x128xf32, #tpu.memory_space<hbm>> -> memref<1x50000x128xf32, #tpu.memory_space<hbm>>
    %dma_wait3A_1265 = tpu.memref_squeeze %dma_wait3A_1264 : memref<1x50000x128xf32, #tpu.memory_space<hbm>> -> memref<50000x128xf32, #tpu.memory_space<hbm>>
    %dma_wait3A_1266 = arith.constant 0 : i32
    %dma_wait3A_1267 = arith.constant 0 : i32
    %dma_wait3A_1268 = tpu.memref_slice %dma_wait3A_1265[%dma_wait3A_1266, %dma_wait3A_1267] : memref<50000x128xf32, #tpu.memory_space<hbm>> -> memref<128x128xf32, #tpu.memory_space<hbm>>
    tpu.wait_dma2 semaphore(%dma_wait3A_1257 : memref<!tpu.dma_semaphore, #tpu.memory_space<semaphore_mem>>) src(%dma_wait3A_1268 : memref<128x128xf32, #tpu.memory_space<hbm>>) dst(%dma_wait3A_1261 : memref<128x128xf32, #tpu.memory_space<vmem>>)
    %dma_wait3A_1269 = arith.constant 3 : i32
    %dma_wait3A_1270 = arith.constant 3 : i32
    %dma_wait3A_1271 = arith.constant 0 : i32
    %dma_wait3A_1272 = arith.constant 0 : i32
    %dma_wait3A_1273 = tpu.memref_slice %arg6[%dma_wait3A_1269, %dma_wait3A_1271, %dma_wait3A_1272] : memref<7x128x128xf32, #tpu.memory_space<vmem>> -> memref<1x128x128xf32, #tpu.memory_space<vmem>>
    %dma_wait3A_1274 = tpu.memref_squeeze %dma_wait3A_1273 : memref<1x128x128xf32, #tpu.memory_space<vmem>> -> memref<128x128xf32, #tpu.memory_space<vmem>>
    %dma_wait3A_1275 = arith.constant 0 : i32
    %dma_wait3A_1276 = arith.constant 0 : i32
    %dma_wait3A_1277 = tpu.memref_slice %arg2[%select_n3A, %dma_wait3A_1275, %dma_wait3A_1276] : memref<8x50000x128xf32, #tpu.memory_space<hbm>> -> memref<1x50000x128xf32, #tpu.memory_space<hbm>>
    %dma_wait3A_1278 = tpu.memref_squeeze %dma_wait3A_1277 : memref<1x50000x128xf32, #tpu.memory_space<hbm>> -> memref<50000x128xf32, #tpu.memory_space<hbm>>
    %dma_wait3A_1279 = arith.constant 0 : i32
    %dma_wait3A_1280 = arith.constant 0 : i32
    %dma_wait3A_1281 = tpu.memref_slice %dma_wait3A_1278[%dma_wait3A_1279, %dma_wait3A_1280] : memref<50000x128xf32, #tpu.memory_space<hbm>> -> memref<128x128xf32, #tpu.memory_space<hbm>>
    %dma_wait3A_1282 = tpu.memref_slice %arg8[%dma_wait3A_1270] : memref<7x!tpu.dma_semaphore, #tpu.memory_space<semaphore_mem>> -> memref<1x!tpu.dma_semaphore, #tpu.memory_space<semaphore_mem>>
    %dma_wait3A_1283 = tpu.memref_squeeze %dma_wait3A_1282 : memref<1x!tpu.dma_semaphore, #tpu.memory_space<semaphore_mem>> -> memref<!tpu.dma_semaphore, #tpu.memory_space<semaphore_mem>>
    %dma_wait3A_1284 = arith.constant 0 : i32
    %dma_wait3A_1285 = arith.constant 0 : i32
    %dma_wait3A_1286 = tpu.memref_slice %arg6[%dma_wait3A_1269, %dma_wait3A_1284, %dma_wait3A_1285] : memref<7x128x128xf32, #tpu.memory_space<vmem>> -> memref<1x128x128xf32, #tpu.memory_space<vmem>>
    %dma_wait3A_1287 = tpu.memref_squeeze %dma_wait3A_1286 : memref<1x128x128xf32, #tpu.memory_space<vmem>> -> memref<128x128xf32, #tpu.memory_space<vmem>>
    %dma_wait3A_1288 = arith.constant 0 : i32
    %dma_wait3A_1289 = arith.constant 0 : i32
    %dma_wait3A_1290 = tpu.memref_slice %arg2[%select_n3A, %dma_wait3A_1288, %dma_wait3A_1289] : memref<8x50000x128xf32, #tpu.memory_space<hbm>> -> memref<1x50000x128xf32, #tpu.memory_space<hbm>>
    %dma_wait3A_1291 = tpu.memref_squeeze %dma_wait3A_1290 : memref<1x50000x128xf32, #tpu.memory_space<hbm>> -> memref<50000x128xf32, #tpu.memory_space<hbm>>
    %dma_wait3A_1292 = arith.constant 0 : i32
    %dma_wait3A_1293 = arith.constant 0 : i32
    %dma_wait3A_1294 = tpu.memref_slice %dma_wait3A_1291[%dma_wait3A_1292, %dma_wait3A_1293] : memref<50000x128xf32, #tpu.memory_space<hbm>> -> memref<128x128xf32, #tpu.memory_space<hbm>>
    tpu.wait_dma2 semaphore(%dma_wait3A_1283 : memref<!tpu.dma_semaphore, #tpu.memory_space<semaphore_mem>>) src(%dma_wait3A_1294 : memref<128x128xf32, #tpu.memory_space<hbm>>) dst(%dma_wait3A_1287 : memref<128x128xf32, #tpu.memory_space<vmem>>)
    %dma_wait3A_1295 = arith.constant 4 : i32
    %dma_wait3A_1296 = arith.constant 4 : i32
    %dma_wait3A_1297 = arith.constant 0 : i32
    %dma_wait3A_1298 = arith.constant 0 : i32
    %dma_wait3A_1299 = tpu.memref_slice %arg6[%dma_wait3A_1295, %dma_wait3A_1297, %dma_wait3A_1298] : memref<7x128x128xf32, #tpu.memory_space<vmem>> -> memref<1x128x128xf32, #tpu.memory_space<vmem>>
    %dma_wait3A_1300 = tpu.memref_squeeze %dma_wait3A_1299 : memref<1x128x128xf32, #tpu.memory_space<vmem>> -> memref<128x128xf32, #tpu.memory_space<vmem>>
    %dma_wait3A_1301 = arith.constant 0 : i32
    %dma_wait3A_1302 = arith.constant 0 : i32
    %dma_wait3A_1303 = tpu.memref_slice %arg2[%select_n3A, %dma_wait3A_1301, %dma_wait3A_1302] : memref<8x50000x128xf32, #tpu.memory_space<hbm>> -> memref<1x50000x128xf32, #tpu.memory_space<hbm>>
    %dma_wait3A_1304 = tpu.memref_squeeze %dma_wait3A_1303 : memref<1x50000x128xf32, #tpu.memory_space<hbm>> -> memref<50000x128xf32, #tpu.memory_space<hbm>>
    %dma_wait3A_1305 = arith.constant 0 : i32
    %dma_wait3A_1306 = arith.constant 0 : i32
    %dma_wait3A_1307 = tpu.memref_slice %dma_wait3A_1304[%dma_wait3A_1305, %dma_wait3A_1306] : memref<50000x128xf32, #tpu.memory_space<hbm>> -> memref<128x128xf32, #tpu.memory_space<hbm>>
    %dma_wait3A_1308 = tpu.memref_slice %arg8[%dma_wait3A_1296] : memref<7x!tpu.dma_semaphore, #tpu.memory_space<semaphore_mem>> -> memref<1x!tpu.dma_semaphore, #tpu.memory_space<semaphore_mem>>
    %dma_wait3A_1309 = tpu.memref_squeeze %dma_wait3A_1308 : memref<1x!tpu.dma_semaphore, #tpu.memory_space<semaphore_mem>> -> memref<!tpu.dma_semaphore, #tpu.memory_space<semaphore_mem>>
    %dma_wait3A_1310 = arith.constant 0 : i32
    %dma_wait3A_1311 = arith.constant 0 : i32
    %dma_wait3A_1312 = tpu.memref_slice %arg6[%dma_wait3A_1295, %dma_wait3A_1310, %dma_wait3A_1311] : memref<7x128x128xf32, #tpu.memory_space<vmem>> -> memref<1x128x128xf32, #tpu.memory_space<vmem>>
    %dma_wait3A_1313 = tpu.memref_squeeze %dma_wait3A_1312 : memref<1x128x128xf32, #tpu.memory_space<vmem>> -> memref<128x128xf32, #tpu.memory_space<vmem>>
    %dma_wait3A_1314 = arith.constant 0 : i32
    %dma_wait3A_1315 = arith.constant 0 : i32
    %dma_wait3A_1316 = tpu.memref_slice %arg2[%select_n3A, %dma_wait3A_1314, %dma_wait3A_1315] : memref<8x50000x128xf32, #tpu.memory_space<hbm>> -> memref<1x50000x128xf32, #tpu.memory_space<hbm>>
    %dma_wait3A_1317 = tpu.memref_squeeze %dma_wait3A_1316 : memref<1x50000x128xf32, #tpu.memory_space<hbm>> -> memref<50000x128xf32, #tpu.memory_space<hbm>>
    %dma_wait3A_1318 = arith.constant 0 : i32
    %dma_wait3A_1319 = arith.constant 0 : i32
    %dma_wait3A_1320 = tpu.memref_slice %dma_wait3A_1317[%dma_wait3A_1318, %dma_wait3A_1319] : memref<50000x128xf32, #tpu.memory_space<hbm>> -> memref<128x128xf32, #tpu.memory_space<hbm>>
    tpu.wait_dma2 semaphore(%dma_wait3A_1309 : memref<!tpu.dma_semaphore, #tpu.memory_space<semaphore_mem>>) src(%dma_wait3A_1320 : memref<128x128xf32, #tpu.memory_space<hbm>>) dst(%dma_wait3A_1313 : memref<128x128xf32, #tpu.memory_space<vmem>>)
    %dma_wait3A_1321 = arith.constant 5 : i32
    %dma_wait3A_1322 = arith.constant 5 : i32
    %dma_wait3A_1323 = arith.constant 0 : i32
    %dma_wait3A_1324 = arith.constant 0 : i32
    %dma_wait3A_1325 = tpu.memref_slice %arg6[%dma_wait3A_1321, %dma_wait3A_1323, %dma_wait3A_1324] : memref<7x128x128xf32, #tpu.memory_space<vmem>> -> memref<1x128x128xf32, #tpu.memory_space<vmem>>
    %dma_wait3A_1326 = tpu.memref_squeeze %dma_wait3A_1325 : memref<1x128x128xf32, #tpu.memory_space<vmem>> -> memref<128x128xf32, #tpu.memory_space<vmem>>
    %dma_wait3A_1327 = arith.constant 0 : i32
    %dma_wait3A_1328 = arith.constant 0 : i32
    %dma_wait3A_1329 = tpu.memref_slice %arg2[%select_n3A, %dma_wait3A_1327, %dma_wait3A_1328] : memref<8x50000x128xf32, #tpu.memory_space<hbm>> -> memref<1x50000x128xf32, #tpu.memory_space<hbm>>
    %dma_wait3A_1330 = tpu.memref_squeeze %dma_wait3A_1329 : memref<1x50000x128xf32, #tpu.memory_space<hbm>> -> memref<50000x128xf32, #tpu.memory_space<hbm>>
    %dma_wait3A_1331 = arith.constant 0 : i32
    %dma_wait3A_1332 = arith.constant 0 : i32
    %dma_wait3A_1333 = tpu.memref_slice %dma_wait3A_1330[%dma_wait3A_1331, %dma_wait3A_1332] : memref<50000x128xf32, #tpu.memory_space<hbm>> -> memref<128x128xf32, #tpu.memory_space<hbm>>
    %dma_wait3A_1334 = tpu.memref_slice %arg8[%dma_wait3A_1322] : memref<7x!tpu.dma_semaphore, #tpu.memory_space<semaphore_mem>> -> memref<1x!tpu.dma_semaphore, #tpu.memory_space<semaphore_mem>>
    %dma_wait3A_1335 = tpu.memref_squeeze %dma_wait3A_1334 : memref<1x!tpu.dma_semaphore, #tpu.memory_space<semaphore_mem>> -> memref<!tpu.dma_semaphore, #tpu.memory_space<semaphore_mem>>
    %dma_wait3A_1336 = arith.constant 0 : i32
    %dma_wait3A_1337 = arith.constant 0 : i32
    %dma_wait3A_1338 = tpu.memref_slice %arg6[%dma_wait3A_1321, %dma_wait3A_1336, %dma_wait3A_1337] : memref<7x128x128xf32, #tpu.memory_space<vmem>> -> memref<1x128x128xf32, #tpu.memory_space<vmem>>
    %dma_wait3A_1339 = tpu.memref_squeeze %dma_wait3A_1338 : memref<1x128x128xf32, #tpu.memory_space<vmem>> -> memref<128x128xf32, #tpu.memory_space<vmem>>
    %dma_wait3A_1340 = arith.constant 0 : i32
    %dma_wait3A_1341 = arith.constant 0 : i32
    %dma_wait3A_1342 = tpu.memref_slice %arg2[%select_n3A, %dma_wait3A_1340, %dma_wait3A_1341] : memref<8x50000x128xf32, #tpu.memory_space<hbm>> -> memref<1x50000x128xf32, #tpu.memory_space<hbm>>
    %dma_wait3A_1343 = tpu.memref_squeeze %dma_wait3A_1342 : memref<1x50000x128xf32, #tpu.memory_space<hbm>> -> memref<50000x128xf32, #tpu.memory_space<hbm>>
    %dma_wait3A_1344 = arith.constant 0 : i32
    %dma_wait3A_1345 = arith.constant 0 : i32
    %dma_wait3A_1346 = tpu.memref_slice %dma_wait3A_1343[%dma_wait3A_1344, %dma_wait3A_1345] : memref<50000x128xf32, #tpu.memory_space<hbm>> -> memref<128x128xf32, #tpu.memory_space<hbm>>
    tpu.wait_dma2 semaphore(%dma_wait3A_1335 : memref<!tpu.dma_semaphore, #tpu.memory_space<semaphore_mem>>) src(%dma_wait3A_1346 : memref<128x128xf32, #tpu.memory_space<hbm>>) dst(%dma_wait3A_1339 : memref<128x128xf32, #tpu.memory_space<vmem>>)
    return
  }
}

</mosaic_0001>

<sc_bundles>
// kernel: kernel.3.cloned.1.call-start
scs
__scs_entry_jumppad:
0x0: {  	(pc) =	sbr.rel $0x88, $3  }
0x1: {  	(tag) =	ssettag $0x0;
	lr =	simm.s32 $0x1  }
0x2: {  	[smem:$0x3F9F] =	sst lr;
	_ =	strace $0xD0000000  }
0x3: {  	_ = 	snop  }
0x4: {  	_ = 	snop  }
0x5: {  	_ = 	snop  }
0x6: {  	_ = 	snop  }
0x7: {  	_ = 	snop  }
__scs_overlays_trampoline_lowered:
0x8: {  	[smem:$0x3FAE] =	sst s0  }
0x9: {  	[smem:$0x3FAF] =	sst s1  }
0xa: {  	[smem:$0x3FB0] =	sst s2  }
0xb: {  	[smem:$0x3FB1] =	sst s3  }
0xc: {  	[smem:$0x3FB2] =	sst s4  }
0xd: {  	[smem:$0x3FB3] =	sst s5  }
0xe: {  	[smem:$0x3FB4] =	sst s6  }
0xf: {  	[smem:$0x3FB5] =	sst s7  }
0x10: {  	[smem:$0x3FB6] =	sst s8  }
0x11: {  	[smem:$0x3FB7] =	sst s9;
	s0 =	simm.s32 @!p0 $0x0  }
0x12: {  	s1 =	sld [smem:$0x3F9D];
	s0 =	simm.s32 @p0 $0x1  }
0x13: {  	[smem:$0x3FB8] =	sst s0;
	s0 =	simm.s32 @!p1 $0x0  }
0x14: {  	s2 =	sld [smem:$0x3F9C];
	s0 =	simm.s32 @p1 $0x1  }
0x15: {  	[smem:$0x3FB9] =	sst s0;
	s0 =	simm.s32 @!p2 $0x0  }
0x16: {  	s3 =	sld [smem:$0x3FDB];
	s0 =	simm.s32 @p2 $0x1  }
0x17: {  	s4 =	simm.s32 $0x1BF5;
	[smem:$0x3FBB] =	sst s0  }
0x18: {  	s0 =	sld [smem:$0x3F9E];
	_ =	swait.ge [sflag:s4], $0x0  }
0x19: {  	s7 =	sld [smem:$0x3F9F]  }
0x1a: {  	s8 =	sadd.s32 $0xFFFFE003, lr  }
0x1b: {  	s9 =	sadd.s32 $0xFFFFFEF7, lr;
	s5 =	simm.s32 $0xFFFFFFFF;
	p2 =	slt.u32 s8, $0xFFFFF086  }
0x1c: {  	p1 =	slt.u32 s9, $0xF7A;
	s5 =	simm.s32 @!p2 $0x0  }
0x1d: {  	s5 =	simm.s32 @p1 $0x1;
	p0 =	seq.s32 s7, s2  }
0x1e: {  	s7 =	smul.u32 @!p0 $0xF7A, s2;
	p2 =	seq.s32 @!p0 s5, $0x0  }
0x1f: {  	s9 =	smul.u32 $0xF7A, s1;
	s8 =	simm.s32 @!p0 $0x1BF5;
	p2 =	por !p2, p0  }
0x20: {  	[sflag:s8] =	ssyncset.s32 @!p0 $0xFFFFF086;
	s6 =	sadd.s32 @!p0 s3, s7;
	s7 =	simm.s32 @!p0 $0x108  }
0x21: {  	s3 =	sadd.s32 s3, s9;
	s6 =	sadd.s32 @!p0 $0x88, s6;
	s7 =	simm.s32 @p2 $0x1082  }
0x22: {  	[simem:s7], [sflag:s8] =	dma.local @!p0 [hbm:s6], $0xF7A  }
0x23: {  	s9 =	sor.u32 $0xD0000000, s2;
	s6 =	simm.s32 $0x108;
	_ =	swait.ge @!p0 [sflag:s8], $0x0  }
0x24: {  	s3 =	sadd.s32 $0x88, s3;
	s6 =	simm.s32 @!p1 $0x1082;
	[sflag:s4] =	ssyncset.s32 $0xFFFFF086  }
0x25: {  	[simem:s6], [sflag:s4] =	dma.local [hbm:s3], $0xF7A  }
0x26: {  	[smem:$0x3F9F] =	sst s1;
	(tag) =	ssettag s2;
	_ =	strace s9  }
0x27: {  	s1 =	sld [smem:$0x3FAF]  }
0x28: {  	s2 =	sld [smem:$0x3FB0]  }
0x29: {  	s4 =	sld [smem:$0x3FB2]  }
0x2a: {  	p0 =	seq.s32 s5, $0x0;
	s5 =	sld [smem:$0x3FB3]  }
0x2b: {  	s6 =	sld [smem:$0x3FB4]  }
0x2c: {  	s7 =	sld [smem:$0x3FB5]  }
0x2d: {  	s3 =	simm.s32 $0x108;
	s8 =	sld [smem:$0x3FB6]  }
0x2e: {  	s3 =	simm.s32 @!p0 $0x1082;
	s9 =	sld [smem:$0x3FB7]  }
0x2f: {  	lr =	sadd.s32 s0, s3;
	s0 =	sld [smem:$0x3FAE]  }
0x30: {  	s3 =	sld [smem:$0x3FB1]  }
0x31: {  	[smem:$0x3FBA] =	sst s10  }
0x32: {  	s10 =	sld [smem:$0x3FB8];
	_ =	sdelay $0x3  }
0x33: {  	p0 =	seq.s32 s10, $0x1;
	s10 =	sld [smem:$0x3FBA];
	_ =	sdelay $0x3  }
0x34: {  	[smem:$0x3FBA] =	sst s10  }
0x35: {  	s10 =	sld [smem:$0x3FB9];
	_ =	sdelay $0x3  }
0x36: {  	p1 =	seq.s32 s10, $0x1;
	s10 =	sld [smem:$0x3FBA];
	_ =	sdelay $0x3  }
0x37: {  	[smem:$0x3FBA] =	sst s10  }
0x38: {  	s10 =	sld [smem:$0x3FBB]  }
0x39: {  	_ = 	snop;
	(pc) =	sbr.ind lr, $3  }
0x3a: {  	_ = 	snop  }
0x3b: {  	_ = 	snop  }
0x3c: {  	p2 =	seq.s32 s10, $0x1;
	s10 =	sld [smem:$0x3FBA]  }
0x3d: {  	_ =	shalt  }
0x3e: {  	_ =	shalt  }
0x3f: {  	_ =	shalt  }
0x40: {  	_ =	shalt  }
0x41: {  	_ =	shalt  }
0x42: {  	_ =	shalt  }
0x43: {  	_ =	shalt  }
0x44: {  	_ =	shalt  }
0x45: {  	_ =	shalt  }
0x46: {  	_ =	shalt  }
0x47: {  	_ =	shalt  }
0x48: {  	_ =	shalt  }
0x49: {  	_ =	shalt  }
0x4a: {  	_ =	shalt  }
0x4b: {  	_ =	shalt  }
0x4c: {  	_ =	shalt  }
0x4d: {  	_ =	shalt  }
0x4e: {  	_ =	shalt  }
0x4f: {  	_ =	shalt  }
0x50: {  	_ =	shalt  }
0x51: {  	_ =	shalt  }
0x52: {  	_ =	shalt  }
0x53: {  	_ =	shalt  }
0x54: {  	_ =	shalt  }
0x55: {  	_ =	shalt  }
0x56: {  	_ =	shalt  }
0x57: {  	_ =	shalt  }
0x58: {  	_ =	shalt  }
0x59: {  	_ =	shalt  }
0x5a: {  	_ =	shalt  }
0x5b: {  	_ =	shalt  }
0x5c: {  	_ =	shalt  }
0x5d: {  	_ =	shalt  }
0x5e: {  	_ =	shalt  }
0x5f: {  	_ =	shalt  }
0x60: {  	_ =	shalt  }
0x61: {  	_ =	shalt  }
0x62: {  	_ =	shalt  }
0x63: {  	_ =	shalt  }
0x64: {  	_ =	shalt  }
0x65: {  	_ =	shalt  }
0x66: {  	_ =	shalt  }
0x67: {  	_ =	shalt  }
0x68: {  	_ =	shalt  }
0x69: {  	_ =	shalt  }
0x6a: {  	_ =	shalt  }
0x6b: {  	_ =	shalt  }
0x6c: {  	_ =	shalt  }
0x6d: {  	_ =	shalt  }
0x6e: {  	_ =	shalt  }
0x6f: {  	_ =	shalt  }
0x70: {  	_ =	shalt  }
0x71: {  	_ =	shalt  }
0x72: {  	_ =	shalt  }
0x73: {  	_ =	shalt  }
0x74: {  	_ =	shalt  }
0x75: {  	_ =	shalt  }
0x76: {  	_ =	shalt  }
0x77: {  	_ =	shalt  }
0x78: {  	_ =	shalt  }
0x79: {  	_ =	shalt  }
0x7a: {  	_ =	shalt  }
0x7b: {  	_ =	shalt  }
0x7c: {  	_ =	shalt  }
0x7d: {  	_ =	shalt  }
0x7e: {  	_ =	shalt  }
0x7f: {  	_ =	shalt  }
0x80: {  	_ =	shalt  }
0x81: {  	_ =	shalt  }
0x82: {  	_ =	shalt  }
0x83: {  	_ =	shalt  }
0x84: {  	_ =	shalt  }
0x85: {  	_ =	shalt  }
0x86: {  	_ =	shalt  }
0x87: {  	_ =	shalt  }
.Lfunc_end0:
.L_simem_size_0:
called_computation_lowered:
.L_overlay_start_0:
0x88: {  	s2 =	sld [smem:$0x3FD9]  }
0x89: {  	s3 =	sld [smem:$0x3FFE];
	_ =	sdelay $0x1  }
0x8a: {  	s1 =	srdreg.scid  }
0x8b: {  	s0 =	sand.u32 $0x1, s1  }
0x8c: {  	s17 =	sshll.u32 s0, $0xA;
	s2 =	sadd.s32 s3, s2  }
0x8d: {  	s2 =	sadd.s32 s2, s17  }
0x8e: {  	[smem:$0x3FC6] =	sst s2  }
0x8f: {  	_ = 	snop  }
0x90: {  	s2 =	sld [smem:$0x3FC9]  }
0x91: {  	s18 =	sld [smem:$0x3FD0];
	(tm) =	ssettm $0x1  }
0x92: {  	s4 =	sld [smem:$0x3FFB];
	_ =	sdelay $0x3  }
0x93: {  	_ =	strace s4  }
0x94: {  	s4 =	sld [smem:$0x3FFC];
	_ =	sdelay $0x3  }
0x95: {  	_ =	strace s4  }
0x96: {  	s4 =	sld [smem:$0x3FFD];
	_ =	sdelay $0x3  }
0x97: {  	_ =	strace s4  }
0x98: {  	_ =	strace $0x8FFFFFFF  }
0x99: {  	s19 =	sld [smem:$0x3FDB];
	_ =	sdelay $0x1  }
0x9a: {  	s5 =	simm.s32 $_scs_section_size  }
0x9b: {  	s6 =	simm.s32 $_size__tile_overlayer_lowered;
	s7 =	simm.s32 $_tile_overlayer_lowered  }
0x9c: {  	s22 =	simm.s32 $0x1BFF;
	s21 =	sshll.u32 s7, $0x1;
	s4 =	sadd.s32 s5, s19  }
0x9d: {  	s8 =	simm.s32 $0x0;
	s20 =	sshll.u32 s6, $0x1;
	s6 =	sadd.s32 s21, s4  }
0x9e: {  	[timem:s8], [sflag:s22] =	dma.local [hbm:s6], s20  }
0x9f: {  	_ =	swait.ge [sflag:s22], s20  }
0xa0: {  	s5 =	ssub.s32 $0x0, s20;
	[sflag:s22] =	ssyncset.done $0x0  }
0xa1: {  	[sflag:s22] =	ssyncadd.s32 s5;
	_ =	sdelay $0x1  }
0xa2: {  	s23 =	simm.s32 $0x1B8B  }
0xa3: {  	_ =	swait.ge [sflag:s23], $0x1  }
0xa4: {  	[sflag:s23] =	ssyncset.done $0x0  }
0xa5: {  	s25 =	simm.s32 $0x1B8E;
	s24 =	sld [smem:$0x3FFE];
	[sflag:s23] =	ssyncadd.s32 $0xFFFFFFFF  }
0xa6: {  	s26 =	simm.s32 $execute0_lowered;
	[smem:$0x3FD2] =	sst s25  }
0xa7: {  	s6 =	sshll.u32 s26, $0x1;
	_ =	strace $0x80000046;
	[dreg:$0x1] =	wrdreg $0xFFFFFFFF  }
0xa8: {  	s28 =	simm.s32 $_size_execute0_lowered;
	s4 =	sadd.s32 s4, s6;
	[dreg:$0x0] =	wrdreg $0x0  }
0xa9: {  	s6 =	sshll.u32 s28, $0x1;
	[dreg:$0x2] =	wrdreg s4  }
0xaa: {  	[dreg:$0x3] =	wrdreg s6  }
0xab: {  	[dreg:$0x4] =	wrdreg $0xC0  }
0xac: {  	_ =	task [dreg:s8], $0x5FFFF  }
0xad: {  	[dreg:$0x1] =	wrdreg $0xFFFFFFFF  }
0xae: {  	[dreg:$0x0] =	wrdreg $0x60  }
0xaf: {  	[dreg:$0x2] =	wrdreg s2  }
0xb0: {  	[dreg:$0x3] =	wrdreg s24  }
0xb1: {  	[dreg:$0x4] =	wrdreg s18  }
0xb2: {  	[dreg:$0x5] =	wrdreg $0x9  }
0xb3: {  	_ =	task.clear_ibuf [dreg:s8], $0x6FFFF;
	_ =	strace $0x90000046  }
0xb4: {  	s29 =	simm.s32 $0x9;
	_ =	strace $0x80000048  }
0xb5: {  	_ =	swait.ge [sflag:s29], $0x1  }
0xb6: {  	[sflag:s29] =	ssyncadd.s32 $0xFFFFFFFF  }
0xb7: {  	_ =	strace $0x90000048  }
0xb8: {  	_ =	sfence  }
0xb9: {  	s30 =	sld [smem:$0x0];
	_ =	sdelay $0x2  }
0xba: {  	s31 =	sshll.u32 s1, $0xD;
	s1 =	sshrl.u32 s1, $0x2  }
0xbb: {  	s3 =	sand.u32 $0x4000, s31;
	s1 =	sadd.s32 s1, s30  }
0xbc: {  	s0 =	sor.u32 s3, s0;
	s1 =	sshll.u32 s1, $0x11  }
0xbd: {  	s0 =	sor.u32 s1, s0  }
0xbe: {  	s0 =	sadd.s32 $0x8F2B, s0  }
0xbf: {  	[sflag:s0] =	ssyncadd.remote.s32 $0x1  }
0xc0: {  	_ =	sfence.sel $0xFFFF  }
0xc1: {  	[dreg:$0x0] =	wrdreg $0xFFFFFFFF;
	(pc) =	sbr.abs _section_cstart, $3  }
0xc2: {  	[dreg:$0x1] =	wrdreg $0xFFFFFFFF  }
0xc3: {  	_ =	task.clear_ibuf [dreg:s8], $0x2FFFF;
	_ =	strace $0x9FFFFFFF  }
0xc4: {  	(tm) =	ssettm $0x7FFFFFFF  }
0xc5: {  	_ =	shalt  }
tec
execute0_lowered:
.L_overlay_start_1:
0x0: {  	(tag) =	ssettag $0x1  }
0x1: {  	s5 =	rddreg [dreg:$0x0]  }
0x2: {  	s2 =	stileid.u32;
	s7 =	rddreg [dreg:$0x1]  }
0x3: {  	s0 =	srdreg.scid;
	s8 =	rddreg [dreg:$0x2];
	s6 =	sshrl.u32 s2, $0x1  }
0x4: {  	s0 =	sand.u32 $0x1, s0;
	s1 =	sshll.u32 s2, $0x1;
	s3 =	smul.u32 $0x61A8, s6  }
0x5: {  	s2 =	simm.s32 $0x0;
	s1 =	sor.u32 s0, s1;
	s21 =	smul.u32 $0xC3500, s6  }
0x6: {  	[smem:$0x7FF] =	sst s2;
	s23 =	smul.u32 $0x61A80, s6;
	s4 =	sand.u32 $0x3, s1  }
0x7: {  	s0 =	ssub.s32 $0x2, s0;
	p0 =	seq.s32 s1, $0x1F;
	s19 =	smul.u32 $0x1880, s4  }
0x8: {  	_ =	strace $0x80000047;
	s22 =	sshrl.u32 s0, $0x1;
	s10 =	smul.u32 $0xC4000, s4  }
0x9: {  	s0 =	ssub.s32 s0, s22;
	s5 =	sadd.s32 s5, s21;
	s8 =	sadd.s32 s8, s23  }
0xa: {  	s0 =	smax.u32 s0, $0x1;
	s9 =	sadd.s32 s3, s19;
	s25 =	sshrl.u32 s10, $0x3  }
0xb: {  	[dreg:$0x8] =	wrdreg s0;
	s3 =	sadd.s32 $0xFFFD0B40, s9;
	s21 =	sadd.s32 $0x12800, s25  }
0xc: {  	s10 =	sadd.s32 $0x13000, s25;
	s12 =	sadd.s32 $0x13800, s25;
	s13 =	sadd.s32 $0x14000, s25  }
0xd: {  	s14 =	sadd.s32 $0x14800, s25;
	s15 =	sadd.s32 $0x15000, s25;
	s16 =	sadd.s32 $0x15800, s25  }
0xe: {  	s17 =	sadd.s32 $0x16000, s25;
	s18 =	sadd.s32 $0x16800, s25;
	s19 =	sadd.s32 $0x17000, s25  }
0xf: {  	s22 =	sadd.s32 $0x17800, s25;
	s6 =	sadd.s32 $0x18000, s25;
	s3 =	simm.s32 @!p0 $0x0  }
0x10: {  	p0 =	seq.s32 s4, $0x3;
	s20 =	ssub.s32 s9, s3;
	s24 =	sadd.s32 $0x80, s3  }
0x11: {  	s26 =	sadd.s32 $0x100, s3;
	s9 =	sadd.s32 $0x12000, s25;
	[dreg:$0x5] =	wrdreg s24  }
0x12: {  	s11 =	sshll.u32 s3, $0x9;
	s0 =	sadd.s32 @!p0 s6, s8;
	[dreg:$0x6] =	wrdreg s26  }
0x13: {  	s1 =	sshrl.u32 s20, $0x3;
	s26 =	sadd.s32 s21, s8;
	[dreg:$0x17] =	wrdreg s0  }
0x14: {  	s11 =	sshra.s32 s11, $0x2;
	s21 =	sadd.s32 $0x1500, s3;
	[dreg:$0xc] =	wrdreg s26  }
0x15: {  	s1 =	sadd.s32 s1, s7;
	s11 =	sadd.s32 $0x19880, s11;
	[dreg:$0x1c] =	wrdreg s21  }
0x16: {  	s7 =	sadd.s32 $0x11800, s25;
	s25 =	sadd.s32 s9, s8;
	[dreg:$0x7] =	wrdreg s11  }
0x17: {  	s9 =	sadd.s32 s13, s8;
	[dreg:$0xb] =	wrdreg s25  }
0x18: {  	s13 =	sadd.s32 s17, s8;
	[dreg:$0xf] =	wrdreg s9  }
0x19: {  	s17 =	sadd.s32 $0x180, s3;
	[dreg:$0x13] =	wrdreg s13  }
0x1a: {  	s20 =	smul.u32 $0x18800, s4;
	s26 =	sadd.s32 $0x1780, s3;
	[dreg:$0x18] =	wrdreg s17  }
0x1b: {  	s1 =	sadd.s32 $0x400, s1;
	[smem:$0x7FD] =	sst s26  }
0x1c: {  	s23 =	sadd.s32 $0x3000, s20;
	[dreg:$0x4] =	wrdreg s1  }
0x1d: {  	s24 =	sadd.s32 s7, s8;
	[dreg:$0x9] =	wrdreg s23  }
0x1e: {  	s28 =	simm.s32 $0x9;
	s7 =	sadd.s32 s12, s8;
	[dreg:$0xa] =	wrdreg s24  }
0x1f: {  	s29 =	simm.s32 $0xA;
	s11 =	sadd.s32 s15, s8;
	[dreg:$0xe] =	wrdreg s7  }
0x20: {  	s30 =	simm.s32 $0xB;
	s12 =	sadd.s32 s16, s8;
	[dreg:$0x11] =	wrdreg s11  }
0x21: {  	s31 =	simm.s32 $0xC;
	s15 =	sadd.s32 s19, s8;
	[dreg:$0x12] =	wrdreg s12  }
0x22: {  	s6 =	simm.s32 $0x0;
	s16 =	sadd.s32 s22, s8;
	[dreg:$0x15] =	wrdreg s15  }
0x23: {  	s0 =	simm.s32 $0xE;
	s19 =	sadd.s32 $0x280, s3;
	[dreg:$0x16] =	wrdreg s16  }
0x24: {  	s21 =	simm.s32 $0x3;
	s20 =	sadd.s32 $0x300, s3;
	[dreg:$0x1a] =	wrdreg s19  }
0x25: {  	s22 =	sadd.s32 $0x1580, s3;
	s25 =	sadd.s32 $0x1700, s3;
	[dreg:$0x1b] =	wrdreg s20  }
0x26: {  	s13 =	simm.s32 $0x5880;
	s17 =	simm.s32 $0x15880;
	[dreg:$0x1d] =	wrdreg s22  }
0x27: {  	s26 =	simm.s32 $0x8;
	s1 =	sadd.s32 s10, s8;
	[smem:$0x7FC] =	sst s25  }
0x28: {  	s10 =	sadd.s32 s14, s8;
	s14 =	sadd.s32 s18, s8;
	[dreg:$0xd] =	wrdreg s1  }
0x29: {  	s18 =	sadd.s32 $0x200, s3;
	s23 =	sadd.s32 $0x1600, s3;
	[dreg:$0x10] =	wrdreg s10  }
0x2a: {  	s24 =	sadd.s32 $0x1680, s3;
	s12 =	simm.s32 $0x1880;
	[dreg:$0x14] =	wrdreg s14  }
0x2b: {  	s15 =	simm.s32 $0xD880;
	s16 =	simm.s32 $0x11880;
	[dreg:$0x19] =	wrdreg s18  }
0x2c: {  	s19 =	simm.s32 $0x1;
	s20 =	simm.s32 $0x2;
	[dreg:$0x1e] =	wrdreg s23  }
0x2d: {  	s22 =	simm.s32 $0x4;
	s25 =	simm.s32 $0x7;
	[dreg:$0x1f] =	wrdreg s24  }
0x2e: {  	s10 =	simm.s32 $0x80;
	s14 =	simm.s32 $0x9880;
	s18 =	simm.s32 $0x19880  }
0x2f: {  	s23 =	simm.s32 $0x5;
	s24 =	simm.s32 $0x6;
	s1 =	simm.s32 $0xD  }
.LBB2_1:
0x30: {  	[smem:$0x7FB] =	sst s6  }
0x31: {  	s4 =	rddreg [dreg:$0x4];
	s6 =	simm.s32 $0xF  }
0x32: {  	[tilespmem:s2], [sflag:$0xF] =	stream.linear.gather [hbm4b:s4+s2], $0x1880, $0x38;
	[tilespmem:$0x1D880] =	vst v63  }
0x33: {  	_ =	swait.ge [sflag:s6], $0x1880  }
0x34: {  	[sflag:s6] =	ssyncset.done $0x0  }
0x35: {  	[sflag:s6] =	ssyncadd.s32 $0xFFFFE780  }
0x36: {  	[tilespmem:s12], [sflag:$0x1] =	stream.indirect.gather [hbm4b:s5+s10], $0x80, s3, s10, $0xb8;
	[tilespmem:$0x1D880] =	vst v63  }
0x37: {  	s7 =	rddreg [dreg:$0x5]  }
0x38: {  	[tilespmem:s13], [sflag:$0x2] =	stream.indirect.gather [hbm4b:s5+s10], $0x80, s7, s10, $0xb8;
	[tilespmem:$0x1D880] =	vst v63  }
0x39: {  	s9 =	rddreg [dreg:$0x6]  }
0x3a: {  	[tilespmem:s14], [sflag:$0x3] =	stream.indirect.gather [hbm4b:s5+s10], $0x80, s9, s10, $0xb8;
	[tilespmem:$0x1D880] =	vst v63  }
0x3b: {  	s11 =	rddreg [dreg:$0x18]  }
0x3c: {  	[tilespmem:s15], [sflag:$0x4] =	stream.indirect.gather [hbm4b:s5+s10], $0x80, s11, s10, $0xb8;
	[tilespmem:$0x1D880] =	vst v63  }
0x3d: {  	s6 =	rddreg [dreg:$0x19]  }
0x3e: {  	[tilespmem:s16], [sflag:$0x5] =	stream.indirect.gather [hbm4b:s5+s10], $0x80, s6, s10, $0xb8;
	[tilespmem:$0x1D880] =	vst v63  }
0x3f: {  	s7 =	rddreg [dreg:$0x1a]  }
0x40: {  	[tilespmem:s17], [sflag:$0x6] =	stream.indirect.gather [hbm4b:s5+s10], $0x80, s7, s10, $0xb8;
	[tilespmem:$0x1D880] =	vst v63  }
0x41: {  	s9 =	rddreg [dreg:$0x1b]  }
0x42: {  	[tilespmem:s18], [sflag:$0x7] =	stream.indirect.gather [hbm4b:s5+s10], $0x80, s9, s10, $0xb8;
	[tilespmem:$0x1D880] =	vst v63  }
0x43: {  	_ =	swait.ge [sflag:s19], $0x4000  }
0x44: {  	s4 =	rddreg [dreg:$0x9]  }
0x45: {  	[sflag:s19] =	ssyncset.done $0x0;
	s6 =	sadd.s32 s4, s8  }
0x46: {  	[sflag:s19] =	ssyncadd.s32 $0xFFFFC000;
	s7 =	sadd.s32 $0xFFFFD000, s6  }
0x47: {  	[hbm4b:s7+s2] =	stream.linear.scatter [tilespmem:s12], [sflag:$0x8], $0x4000, $0x38;
	[tilespmem:$0x1D880] =	vst v63  }
0x48: {  	_ =	swait.ge [sflag:s20], $0x4000  }
0x49: {  	[sflag:s20] =	ssyncset.done $0x0  }
0x4a: {  	s11 =	sadd.s32 $0xFFFFD800, s6;
	[sflag:s20] =	ssyncadd.s32 $0xFFFFC000  }
0x4b: {  	[hbm4b:s11+s2] =	stream.linear.scatter [tilespmem:s13], [sflag:$0x9], $0x4000, $0x38;
	[tilespmem:$0x1D880] =	vst v63  }
0x4c: {  	_ =	swait.ge [sflag:s21], $0x4000  }
0x4d: {  	[sflag:s21] =	ssyncset.done $0x0  }
0x4e: {  	s9 =	sadd.s32 $0xFFFFE000, s6;
	[sflag:s21] =	ssyncadd.s32 $0xFFFFC000  }
0x4f: {  	[hbm4b:s9+s2] =	stream.linear.scatter [tilespmem:s14], [sflag:$0xA], $0x4000, $0x38;
	[tilespmem:$0x1D880] =	vst v63  }
0x50: {  	_ =	swait.ge [sflag:s22], $0x4000  }
0x51: {  	[sflag:s22] =	ssyncset.done $0x0  }
0x52: {  	s11 =	sadd.s32 $0xFFFFE800, s6;
	[sflag:s22] =	ssyncadd.s32 $0xFFFFC000  }
0x53: {  	[hbm4b:s11+s2] =	stream.linear.scatter [tilespmem:s15], [sflag:$0xB], $0x4000, $0x38;
	[tilespmem:$0x1D880] =	vst v63  }
0x54: {  	_ =	swait.ge [sflag:s23], $0x4000  }
0x55: {  	[sflag:s23] =	ssyncset.done $0x0  }
0x56: {  	s9 =	sadd.s32 $0xFFFFF000, s6;
	[sflag:s23] =	ssyncadd.s32 $0xFFFFC000  }
0x57: {  	[hbm4b:s9+s2] =	stream.linear.scatter [tilespmem:s16], [sflag:$0xC], $0x4000, $0x38;
	[tilespmem:$0x1D880] =	vst v63  }
0x58: {  	_ =	swait.ge [sflag:s24], $0x4000  }
0x59: {  	[sflag:s24] =	ssyncset.done $0x0  }
0x5a: {  	s11 =	sadd.s32 $0xFFFFF800, s6;
	[sflag:s24] =	ssyncadd.s32 $0xFFFFC000  }
0x5b: {  	[hbm4b:s11+s2] =	stream.linear.scatter [tilespmem:s17], [sflag:$0xD], $0x4000, $0x38;
	[tilespmem:$0x1D880] =	vst v63  }
0x5c: {  	_ =	swait.ge [sflag:s25], $0x4000  }
0x5d: {  	[sflag:s25] =	ssyncset.done $0x0  }
0x5e: {  	[sflag:s25] =	ssyncadd.s32 $0xFFFFC000  }
0x5f: {  	[hbm4b:s6+s2] =	stream.linear.scatter [tilespmem:s18], [sflag:$0xE], $0x4000, $0x38;
	[tilespmem:$0x1D880] =	vst v63  }
0x60: {  	_ =	swait.ge [sflag:s26], $0x4000  }
0x61: {  	s7 =	sadd.s32 $0x0, s3;
	[sflag:s26] =	ssyncset.done $0x0  }
0x62: {  	s9 =	sadd.s32 $0x380, s7;
	[sflag:s26] =	ssyncadd.s32 $0xFFFFC000  }
0x63: {  	[tilespmem:s12], [sflag:$0x1] =	stream.indirect.gather [hbm4b:s5+s10], $0x80, s9, s10, $0xb8;
	[tilespmem:$0x1D880] =	vst v63  }
0x64: {  	_ =	swait.ge [sflag:s28], $0x4000  }
0x65: {  	[sflag:s28] =	ssyncset.done $0x0  }
0x66: {  	s11 =	sadd.s32 $0x400, s7;
	[sflag:s28] =	ssyncadd.s32 $0xFFFFC000  }
0x67: {  	[tilespmem:s13], [sflag:$0x2] =	stream.indirect.gather [hbm4b:s5+s10], $0x80, s11, s10, $0xb8;
	[tilespmem:$0x1D880] =	vst v63  }
0x68: {  	_ =	swait.ge [sflag:s29], $0x4000  }
0x69: {  	[sflag:s29] =	ssyncset.done $0x0  }
0x6a: {  	s9 =	sadd.s32 $0x480, s7;
	[sflag:s29] =	ssyncadd.s32 $0xFFFFC000  }
0x6b: {  	[tilespmem:s14], [sflag:$0x3] =	stream.indirect.gather [hbm4b:s5+s10], $0x80, s9, s10, $0xb8;
	[tilespmem:$0x1D880] =	vst v63  }
0x6c: {  	_ =	swait.ge [sflag:s30], $0x4000  }
0x6d: {  	[sflag:s30] =	ssyncset.done $0x0  }
0x6e: {  	s11 =	sadd.s32 $0x500, s7;
	[sflag:s30] =	ssyncadd.s32 $0xFFFFC000  }
0x6f: {  	[tilespmem:s15], [sflag:$0x4] =	stream.indirect.gather [hbm4b:s5+s10], $0x80, s11, s10, $0xb8;
	[tilespmem:$0x1D880] =	vst v63  }
0x70: {  	_ =	swait.ge [sflag:s31], $0x4000  }
0x71: {  	[sflag:s31] =	ssyncset.done $0x0  }
0x72: {  	s9 =	sadd.s32 $0x580, s7;
	[sflag:s31] =	ssyncadd.s32 $0xFFFFC000  }
0x73: {  	[tilespmem:s16], [sflag:$0x5] =	stream.indirect.gather [hbm4b:s5+s10], $0x80, s9, s10, $0xb8;
	[tilespmem:$0x1D880] =	vst v63  }
0x74: {  	_ =	swait.ge [sflag:s1], $0x4000  }
0x75: {  	[sflag:s1] =	ssyncset.done $0x0  }
0x76: {  	s11 =	sadd.s32 $0x600, s7;
	[sflag:s1] =	ssyncadd.s32 $0xFFFFC000  }
0x77: {  	[tilespmem:s17], [sflag:$0x6] =	stream.indirect.gather [hbm4b:s5+s10], $0x80, s11, s10, $0xb8;
	[tilespmem:$0x1D880] =	vst v63  }
0x78: {  	_ =	swait.ge [sflag:s0], $0x4000  }
0x79: {  	s6 =	simm.s32 $0xE00;
	[sflag:s0] =	ssyncset.done $0x0  }
0x7a: {  	s9 =	sadd.s32 $0x680, s7;
	s7 =	sadd.s32 $0x3800, s4;
	[sflag:s0] =	ssyncadd.s32 $0xFFFFC000  }
.LBB2_2:
0x7b: {  	[tilespmem:s18], [sflag:$0x7] =	stream.indirect.gather [hbm4b:s5+s10], $0x80, s9, s10, $0xb8;
	[tilespmem:$0x1D880] =	vst v63  }
0x7c: {  	s9 =	smov.u32 s6  }
0x7d: {  	p1 =	sne.s32 s6, $0x3800;
	s6 =	sadd.s32 $0xE00, s6;
	_ =	swait.ge [sflag:s19], $0x4000  }
0x7e: {  	s11 =	sadd.s32 s7, s8;
	[sflag:s19] =	ssyncset.done $0x0  }
0x7f: {  	s4 =	sadd.s32 $0xFFFFD000, s11;
	[sflag:s19] =	ssyncadd.s32 $0xFFFFC000  }
0x80: {  	[hbm4b:s4+s2] =	stream.linear.scatter [tilespmem:s12], [sflag:$0x8], $0x4000, $0x38;
	[tilespmem:$0x1D880] =	vst v63  }
0x81: {  	_ =	swait.ge [sflag:s20], $0x4000  }
0x82: {  	[sflag:s20] =	ssyncset.done $0x0  }
0x83: {  	s4 =	sadd.s32 $0xFFFFD800, s11;
	[sflag:s20] =	ssyncadd.s32 $0xFFFFC000  }
0x84: {  	[hbm4b:s4+s2] =	stream.linear.scatter [tilespmem:s13], [sflag:$0x9], $0x4000, $0x38;
	[tilespmem:$0x1D880] =	vst v63  }
0x85: {  	_ =	swait.ge [sflag:s21], $0x4000  }
0x86: {  	[sflag:s21] =	ssyncset.done $0x0  }
0x87: {  	s4 =	sadd.s32 $0xFFFFE000, s11;
	[sflag:s21] =	ssyncadd.s32 $0xFFFFC000  }
0x88: {  	[hbm4b:s4+s2] =	stream.linear.scatter [tilespmem:s14], [sflag:$0xA], $0x4000, $0x38;
	[tilespmem:$0x1D880] =	vst v63  }
0x89: {  	_ =	swait.ge [sflag:s22], $0x4000  }
0x8a: {  	[sflag:s22] =	ssyncset.done $0x0  }
0x8b: {  	s4 =	sadd.s32 $0xFFFFE800, s11;
	[sflag:s22] =	ssyncadd.s32 $0xFFFFC000  }
0x8c: {  	[hbm4b:s4+s2] =	stream.linear.scatter [tilespmem:s15], [sflag:$0xB], $0x4000, $0x38;
	[tilespmem:$0x1D880] =	vst v63  }
0x8d: {  	_ =	swait.ge [sflag:s23], $0x4000  }
0x8e: {  	[sflag:s23] =	ssyncset.done $0x0  }
0x8f: {  	s4 =	sadd.s32 $0xFFFFF000, s11;
	[sflag:s23] =	ssyncadd.s32 $0xFFFFC000  }
0x90: {  	[hbm4b:s4+s2] =	stream.linear.scatter [tilespmem:s16], [sflag:$0xC], $0x4000, $0x38;
	[tilespmem:$0x1D880] =	vst v63  }
0x91: {  	_ =	swait.ge [sflag:s24], $0x4000  }
0x92: {  	[sflag:s24] =	ssyncset.done $0x0  }
0x93: {  	s4 =	sadd.s32 $0xFFFFF800, s11;
	[sflag:s24] =	ssyncadd.s32 $0xFFFFC000  }
0x94: {  	[hbm4b:s4+s2] =	stream.linear.scatter [tilespmem:s17], [sflag:$0xD], $0x4000, $0x38;
	[tilespmem:$0x1D880] =	vst v63  }
0x95: {  	_ =	swait.ge [sflag:s25], $0x4000  }
0x96: {  	[sflag:s25] =	ssyncset.done $0x0  }
0x97: {  	[sflag:s25] =	ssyncadd.s32 $0xFFFFC000  }
0x98: {  	[hbm4b:s11+s2] =	stream.linear.scatter [tilespmem:s18], [sflag:$0xE], $0x4000, $0x38;
	[tilespmem:$0x1D880] =	vst v63  }
0x99: {  	s4 =	sshra.s32 s9, $0x2;
	_ =	swait.ge [sflag:s26], $0x4000  }
0x9a: {  	s4 =	sadd.s32 s4, s3;
	[sflag:s26] =	ssyncset.done $0x0  }
0x9b: {  	s9 =	sadd.s32 $0x380, s4;
	[sflag:s26] =	ssyncadd.s32 $0xFFFFC000  }
0x9c: {  	[tilespmem:s12], [sflag:$0x1] =	stream.indirect.gather [hbm4b:s5+s10], $0x80, s9, s10, $0xb8;
	[tilespmem:$0x1D880] =	vst v63  }
0x9d: {  	_ =	swait.ge [sflag:s28], $0x4000  }
0x9e: {  	[sflag:s28] =	ssyncset.done $0x0  }
0x9f: {  	s9 =	sadd.s32 $0x400, s4;
	[sflag:s28] =	ssyncadd.s32 $0xFFFFC000  }
0xa0: {  	[tilespmem:s13], [sflag:$0x2] =	stream.indirect.gather [hbm4b:s5+s10], $0x80, s9, s10, $0xb8;
	[tilespmem:$0x1D880] =	vst v63  }
0xa1: {  	_ =	swait.ge [sflag:s29], $0x4000  }
0xa2: {  	[sflag:s29] =	ssyncset.done $0x0  }
0xa3: {  	s9 =	sadd.s32 $0x480, s4;
	[sflag:s29] =	ssyncadd.s32 $0xFFFFC000  }
0xa4: {  	[tilespmem:s14], [sflag:$0x3] =	stream.indirect.gather [hbm4b:s5+s10], $0x80, s9, s10, $0xb8;
	[tilespmem:$0x1D880] =	vst v63  }
0xa5: {  	_ =	swait.ge [sflag:s30], $0x4000  }
0xa6: {  	[sflag:s30] =	ssyncset.done $0x0  }
0xa7: {  	s9 =	sadd.s32 $0x500, s4;
	[sflag:s30] =	ssyncadd.s32 $0xFFFFC000  }
0xa8: {  	[tilespmem:s15], [sflag:$0x4] =	stream.indirect.gather [hbm4b:s5+s10], $0x80, s9, s10, $0xb8;
	[tilespmem:$0x1D880] =	vst v63  }
0xa9: {  	_ =	swait.ge [sflag:s31], $0x4000  }
0xaa: {  	[sflag:s31] =	ssyncset.done $0x0  }
0xab: {  	s9 =	sadd.s32 $0x580, s4;
	[sflag:s31] =	ssyncadd.s32 $0xFFFFC000  }
0xac: {  	[tilespmem:s16], [sflag:$0x5] =	stream.indirect.gather [hbm4b:s5+s10], $0x80, s9, s10, $0xb8;
	[tilespmem:$0x1D880] =	vst v63  }
0xad: {  	_ =	swait.ge [sflag:s1], $0x4000  }
0xae: {  	[sflag:s1] =	ssyncset.done $0x0  }
.Ltmp0:
0xaf: {  	s9 =	sadd.s32 $0x600, s4;
	[sflag:s1] =	ssyncadd.s32 $0xFFFFC000;
	(pc) =	sbr.rel @p1 .LBB2_2-.Ltmp0, $4  }
0xb0: {  	[tilespmem:s17], [sflag:$0x6] =	stream.indirect.gather [hbm4b:s5+s10], $0x80, s9, s10, $0xb8;
	[tilespmem:$0x1D880] =	vst v63  }
0xb1: {  	_ =	swait.ge [sflag:s0], $0x4000  }
0xb2: {  	[sflag:s0] =	ssyncset.done $0x0  }
0xb3: {  	s7 =	sadd.s32 $0x3800, s7;
	s9 =	sadd.s32 $0x680, s4;
	[sflag:s0] =	ssyncadd.s32 $0xFFFFC000  }
0xb4: {  	[tilespmem:s18], [sflag:$0x7] =	stream.indirect.gather [hbm4b:s5+s10], $0x80, s9, s10, $0xb8;
	[tilespmem:$0x1D880] =	vst v63  }
0xb5: {  	_ =	swait.ge [sflag:s19], $0x4000  }
0xb6: {  	[sflag:s19] =	ssyncset.done $0x0  }
0xb7: {  	s4 =	rddreg [dreg:$0xa];
	[sflag:s19] =	ssyncadd.s32 $0xFFFFC000  }
0xb8: {  	[hbm4b:s4+s2] =	stream.linear.scatter [tilespmem:s12], [sflag:$0x8], $0x4000, $0x38;
	[tilespmem:$0x1D880] =	vst v63  }
0xb9: {  	_ =	swait.ge [sflag:s20], $0x4000  }
0xba: {  	[sflag:s20] =	ssyncset.done $0x0  }
0xbb: {  	s11 =	rddreg [dreg:$0xb];
	[sflag:s20] =	ssyncadd.s32 $0xFFFFC000  }
0xbc: {  	[hbm4b:s11+s2] =	stream.linear.scatter [tilespmem:s13], [sflag:$0x9], $0x4000, $0x38;
	[tilespmem:$0x1D880] =	vst v63  }
0xbd: {  	_ =	swait.ge [sflag:s21], $0x4000  }
0xbe: {  	[sflag:s21] =	ssyncset.done $0x0  }
0xbf: {  	s6 =	rddreg [dreg:$0xc];
	[sflag:s21] =	ssyncadd.s32 $0xFFFFC000  }
0xc0: {  	[hbm4b:s6+s2] =	stream.linear.scatter [tilespmem:s14], [sflag:$0xA], $0x4000, $0x38;
	[tilespmem:$0x1D880] =	vst v63  }
0xc1: {  	_ =	swait.ge [sflag:s22], $0x4000  }
0xc2: {  	[sflag:s22] =	ssyncset.done $0x0  }
0xc3: {  	s7 =	rddreg [dreg:$0xd];
	[sflag:s22] =	ssyncadd.s32 $0xFFFFC000  }
0xc4: {  	[hbm4b:s7+s2] =	stream.linear.scatter [tilespmem:s15], [sflag:$0xB], $0x4000, $0x38;
	[tilespmem:$0x1D880] =	vst v63  }
0xc5: {  	_ =	swait.ge [sflag:s23], $0x4000  }
0xc6: {  	[sflag:s23] =	ssyncset.done $0x0  }
0xc7: {  	s9 =	rddreg [dreg:$0xe];
	[sflag:s23] =	ssyncadd.s32 $0xFFFFC000  }
0xc8: {  	[hbm4b:s9+s2] =	stream.linear.scatter [tilespmem:s16], [sflag:$0xC], $0x4000, $0x38;
	[tilespmem:$0x1D880] =	vst v63  }
0xc9: {  	_ =	swait.ge [sflag:s24], $0x4000  }
0xca: {  	[sflag:s24] =	ssyncset.done $0x0  }
0xcb: {  	s11 =	rddreg [dreg:$0xf];
	[sflag:s24] =	ssyncadd.s32 $0xFFFFC000  }
0xcc: {  	[hbm4b:s11+s2] =	stream.linear.scatter [tilespmem:s17], [sflag:$0xD], $0x4000, $0x38;
	[tilespmem:$0x1D880] =	vst v63  }
0xcd: {  	_ =	swait.ge [sflag:s25], $0x4000  }
0xce: {  	[sflag:s25] =	ssyncset.done $0x0  }
0xcf: {  	s6 =	rddreg [dreg:$0x10];
	[sflag:s25] =	ssyncadd.s32 $0xFFFFC000  }
0xd0: {  	[hbm4b:s6+s2] =	stream.linear.scatter [tilespmem:s18], [sflag:$0xE], $0x4000, $0x38;
	[tilespmem:$0x1D880] =	vst v63  }
0xd1: {  	_ =	swait.ge [sflag:s26], $0x4000  }
0xd2: {  	[sflag:s26] =	ssyncset.done $0x0  }
0xd3: {  	s7 =	rddreg [dreg:$0x1c];
	[sflag:s26] =	ssyncadd.s32 $0xFFFFC000  }
0xd4: {  	[tilespmem:s12], [sflag:$0x1] =	stream.indirect.gather [hbm4b:s5+s10], $0x80, s7, s10, $0xb8;
	[tilespmem:$0x1D880] =	vst v63  }
0xd5: {  	_ =	swait.ge [sflag:s28], $0x4000  }
0xd6: {  	[sflag:s28] =	ssyncset.done $0x0  }
0xd7: {  	s9 =	rddreg [dreg:$0x1d];
	[sflag:s28] =	ssyncadd.s32 $0xFFFFC000  }
0xd8: {  	[tilespmem:s13], [sflag:$0x2] =	stream.indirect.gather [hbm4b:s5+s10], $0x80, s9, s10, $0xb8;
	[tilespmem:$0x1D880] =	vst v63  }
0xd9: {  	_ =	swait.ge [sflag:s29], $0x4000  }
0xda: {  	[sflag:s29] =	ssyncset.done $0x0  }
0xdb: {  	s11 =	rddreg [dreg:$0x1e];
	[sflag:s29] =	ssyncadd.s32 $0xFFFFC000  }
0xdc: {  	[tilespmem:s14], [sflag:$0x3] =	stream.indirect.gather [hbm4b:s5+s10], $0x80, s11, s10, $0xb8;
	[tilespmem:$0x1D880] =	vst v63  }
0xdd: {  	_ =	swait.ge [sflag:s30], $0x4000  }
0xde: {  	[sflag:s30] =	ssyncset.done $0x0  }
0xdf: {  	s6 =	rddreg [dreg:$0x1f];
	[sflag:s30] =	ssyncadd.s32 $0xFFFFC000  }
0xe0: {  	[tilespmem:s15], [sflag:$0x4] =	stream.indirect.gather [hbm4b:s5+s10], $0x80, s6, s10, $0xb8;
	[tilespmem:$0x1D880] =	vst v63  }
0xe1: {  	_ =	swait.ge [sflag:s31], $0x4000  }
0xe2: {  	s7 =	sld [smem:$0x7FC]  }
0xe3: {  	[sflag:s31] =	ssyncset.done $0x0  }
0xe4: {  	[sflag:s31] =	ssyncadd.s32 $0xFFFFC000  }
0xe5: {  	[tilespmem:s16], [sflag:$0x5] =	stream.indirect.gather [hbm4b:s5+s10], $0x80, s7, s10, $0xb8;
	[tilespmem:$0x1D880] =	vst v63  }
0xe6: {  	_ =	swait.ge [sflag:s1], $0x4000  }
0xe7: {  	s9 =	sld [smem:$0x7FD]  }
0xe8: {  	[sflag:s1] =	ssyncset.done $0x0  }
0xe9: {  	[sflag:s1] =	ssyncadd.s32 $0xFFFFC000  }
0xea: {  	[tilespmem:s17], [sflag:$0x6] =	stream.indirect.gather [hbm4b:s5+s10], $0x80, s9, s10, $0xb8;
	[tilespmem:$0x1D880] =	vst v63  }
0xeb: {  	_ =	swait.ge [sflag:s0], $0x4000  }
0xec: {  	[sflag:s0] =	ssyncset.done $0x0  }
0xed: {  	s11 =	simm.s32 $0x1800;
	[sflag:s0] =	ssyncadd.s32 $0xFFFFC000  }
0xee: {  	[tilespmem:s18], [sflag:$0x7] =	stream.indirect.gather [hbm4b:s5+s10], $0x80, s11, s10, $0xb8;
	[tilespmem:$0x1D880] =	vst v63  }
0xef: {  	_ =	swait.ge [sflag:s19], $0x4000  }
0xf0: {  	[sflag:s19] =	ssyncset.done $0x0  }
0xf1: {  	s6 =	rddreg [dreg:$0x11];
	[sflag:s19] =	ssyncadd.s32 $0xFFFFC000  }
0xf2: {  	[hbm4b:s6+s2] =	stream.linear.scatter [tilespmem:s12], [sflag:$0x8], $0x4000, $0x38;
	[tilespmem:$0x1D880] =	vst v63  }
0xf3: {  	_ =	swait.ge [sflag:s20], $0x4000  }
0xf4: {  	[sflag:s20] =	ssyncset.done $0x0  }
0xf5: {  	s7 =	rddreg [dreg:$0x12];
	[sflag:s20] =	ssyncadd.s32 $0xFFFFC000  }
0xf6: {  	[hbm4b:s7+s2] =	stream.linear.scatter [tilespmem:s13], [sflag:$0x9], $0x4000, $0x38;
	[tilespmem:$0x1D880] =	vst v63  }
0xf7: {  	_ =	swait.ge [sflag:s21], $0x4000  }
0xf8: {  	[sflag:s21] =	ssyncset.done $0x0  }
0xf9: {  	s9 =	rddreg [dreg:$0x13];
	[sflag:s21] =	ssyncadd.s32 $0xFFFFC000  }
0xfa: {  	[hbm4b:s9+s2] =	stream.linear.scatter [tilespmem:s14], [sflag:$0xA], $0x4000, $0x38;
	[tilespmem:$0x1D880] =	vst v63  }
0xfb: {  	_ =	swait.ge [sflag:s22], $0x4000  }
0xfc: {  	[sflag:s22] =	ssyncset.done $0x0  }
0xfd: {  	s11 =	rddreg [dreg:$0x14];
	[sflag:s22] =	ssyncadd.s32 $0xFFFFC000  }
0xfe: {  	[hbm4b:s11+s2] =	stream.linear.scatter [tilespmem:s15], [sflag:$0xB], $0x4000, $0x38;
	[tilespmem:$0x1D880] =	vst v63  }
0xff: {  	_ =	swait.ge [sflag:s23], $0x4000  }
0x100: {  	[sflag:s23] =	ssyncset.done $0x0  }
0x101: {  	s6 =	rddreg [dreg:$0x15];
	[sflag:s23] =	ssyncadd.s32 $0xFFFFC000  }
0x102: {  	[hbm4b:s6+s2] =	stream.linear.scatter [tilespmem:s16], [sflag:$0xC], $0x4000, $0x38;
	[tilespmem:$0x1D880] =	vst v63  }
0x103: {  	_ =	swait.ge [sflag:s24], $0x4000  }
0x104: {  	[sflag:s24] =	ssyncset.done $0x0  }
0x105: {  	s7 =	rddreg [dreg:$0x16];
	[sflag:s24] =	ssyncadd.s32 $0xFFFFC000  }
0x106: {  	[hbm4b:s7+s2] =	stream.linear.scatter [tilespmem:s17], [sflag:$0xD], $0x4000, $0x38;
	[tilespmem:$0x1D880] =	vst v63  }
0x107: {  	_ =	swait.ge [sflag:s25], $0x4000  }
0x108: {  	s4 =	sadd.s32 @p0 $0x61800, s8;
	[sflag:s25] =	ssyncset.done $0x0  }
0x109: {  	s6 =	simm.s32 @p0 $0x0;
	s7 =	rddreg [dreg:$0x7];
	[sflag:s25] =	ssyncadd.s32 $0xFFFFC000  }
0x10a: {  	[hbm4b:s4+s6] =	stream.linear.scatter @p0 [tilespmem:s7], [sflag:$0xF], $0x1400, $0x38;
	[tilespmem:$0x1D880] =	vst v63  }
0x10b: {  	s4 =	simm.s32 @p0 $0xF  }
0x10c: {  	_ =	swait.ge @p0 [sflag:s4], $0x1400  }
0x10d: {  	s6 =	simm.s32 @!p0 $0x19880;
	[sflag:s4] =	ssyncset.done @p0 $0x0  }
0x10e: {  	s7 =	rddreg [dreg:$0x17];
	[sflag:s4] =	ssyncadd.s32 @p0 $0xFFFFEC00;
	s4 =	simm.s32 @!p0 $0x0  }
0x10f: {  	[hbm4b:s7+s4] =	stream.linear.scatter @!p0 [tilespmem:s6], [sflag:$0xF], $0x4000, $0x38;
	[tilespmem:$0x1D880] =	vst v63  }
0x110: {  	s4 =	simm.s32 @!p0 $0xF  }
0x111: {  	_ =	swait.ge @!p0 [sflag:s4], $0x4000  }
0x112: {  	[sflag:s4] =	ssyncset.done @!p0 $0x0  }
0x113: {  	[sflag:s4] =	ssyncadd.s32 @!p0 $0xFFFFC000  }
0x114: {  	_ =	swait.ge [sflag:s26], $0x4000  }
0x115: {  	[sflag:s26] =	ssyncset.done $0x0  }
0x116: {  	[sflag:s26] =	ssyncadd.s32 $0xFFFFC000  }
0x117: {  	_ =	swait.ge [sflag:s28], $0x4000  }
0x118: {  	[sflag:s28] =	ssyncset.done $0x0  }
0x119: {  	[sflag:s28] =	ssyncadd.s32 $0xFFFFC000  }
0x11a: {  	_ =	swait.ge [sflag:s29], $0x4000  }
0x11b: {  	[sflag:s29] =	ssyncset.done $0x0  }
0x11c: {  	[sflag:s29] =	ssyncadd.s32 $0xFFFFC000  }
0x11d: {  	_ =	swait.ge [sflag:s30], $0x4000  }
0x11e: {  	[sflag:s30] =	ssyncset.done $0x0  }
0x11f: {  	[sflag:s30] =	ssyncadd.s32 $0xFFFFC000  }
0x120: {  	_ =	swait.ge [sflag:s31], $0x4000  }
0x121: {  	[sflag:s31] =	ssyncset.done $0x0  }
0x122: {  	[sflag:s31] =	ssyncadd.s32 $0xFFFFC000  }
0x123: {  	_ =	swait.ge [sflag:s1], $0x4000  }
0x124: {  	s9 =	sld [smem:$0x7FB];
	_ =	sdelay $0x2  }
0x125: {  	s11 =	rddreg [dreg:$0x8];
	s6 =	sadd.s32 $0x1, s9  }
0x126: {  	p1 =	sne.s32 s6, s11  }
.Ltmp1:
0x127: {  	_ = 	snop;
	(pc) =	sbr.rel @p1 .LBB2_1-.Ltmp1, $3  }
0x128: {  	_ =	sdelay $0x1  }
0x129: {  	[sflag:s1] =	ssyncset.done $0x0  }
0x12a: {  	[sflag:s1] =	ssyncadd.s32 $0xFFFFC000  }
0x12b: {  	_ =	sfence.sel $0x180000  }
0x12c: {  	[bflag:$0x0] =	sbarrier.arrive $0xFFFF  }
0x12d: {  	_ =	strace $0x90000047  }
0x12e: {  	s0 =	stileid.u32;
	[bflag:$0x2] =	sbarrier.arrive $0xFFFF  }
0x12f: {  	p0 =	sne.s32 s0, $0x0;
	s0 =	rddreg [dreg:$0x3]  }
0x130: {  	s0 =	sadd.s32 @!p0 $0x100000, s0  }
0x131: {  	[sflag:s0] =	ssyncadd.tile.s32 @!p0 $0x1;
	_ =	shalt  }
.Lfunc_end2:
_tile_overlayer_lowered:
.L_overlay_start_2:
0x132: {  	(tag) =	ssettag $0x2  }
0x133: {  	s0 =	rddreg [dreg:$0x0];
	s2 =	stileid.u32  }
0x134: {  	s1 =	rddreg [dreg:$0x1];
	p0 =	sne.s32 s2, $0x0  }
0x135: {  	s3 =	rddreg [dreg:$0x2];
	[bflag:$0x3] =	sbarrier.arrive $0xFFFF;
	s2 =	simm.s32 @!p0 $0x1C0F  }
0x136: {  	[timem:s3], [sflag:s2] =	dma.local @!p0 [hbm:s0], s1  }
0x137: {  	s0 =	simm.s32 @!p0 $0xF  }
0x138: {  	_ =	swait.ge @!p0 [sflag:s0], s1  }
0x139: {  	s1 =	ssub.s32 @!p0 $0x0, s1;
	[sflag:s0] =	ssyncset.done @!p0 $0x0  }
0x13a: {  	[sflag:s0] =	ssyncadd.s32 @!p0 s1  }
0x13b: {  	[bflag:$0x3] =	sbarrier.arrive $0xFFFF  }
0x13c: {  	_ =	shalt  }

</sc_bundles>
